<compile_context>
chip_gen: v7x
topology: tpu7x:2x2x1
jax: 0.10.2.dev20260603
libtpu: 0.0.44.dev20260713+nightly
codegen_flags: <defaults>
</compile_context>

<pallas_src>
import jax
import jax.numpy as jnp
from jax import lax
from jax.experimental import pallas as pl
from jax.experimental.pallas import tpu as pltpu
from jax.experimental.pallas import tpu_sc as plsc

_D = 128
_S = 200
_B = 1024
_BBLK = 64
_IPAD = 128
_NB = _B // _BBLK
_LANES = 16
_NCORES = 2
_NSUB = 16
_NW = _NCORES * _NSUB
_CHUNKS = _S * _NB
_CPW = _CHUNKS // _NW
_NSLOT = 14
_LEAD = 13
_NPOS = 16


def _body(ids_hbm, tok_hbm, pos_hbm, out_hbm,
          idx_v, rows_v, pos_v, gsem, ssem, psem):
    wid = lax.axis_index("s") * _NCORES + lax.axis_index("c")
    base = wid * _CPW
    s0 = pl.multiple_of(jnp.minimum((base // _NB) & ~7, _S - _NPOS), 8)

    pltpu.async_copy(ids_hbm.at[pl.ds(base * _IPAD, _CPW * _IPAD)],
                     idx_v, psem).wait()
    pltpu.async_copy(pos_hbm.at[pl.ds(s0, _NPOS)], pos_v, psem).wait()

    def issue_gather(k):
        slot = lax.rem(k, _NSLOT)
        pltpu.async_copy(tok_hbm.at[idx_v.at[pl.ds(k * _IPAD, _BBLK)]],
                         rows_v.at[slot], gsem.at[slot])

    def wait_gather(k):
        slot = lax.rem(k, _NSLOT)
        pltpu.make_async_copy(tok_hbm.at[idx_v.at[pl.ds(k * _IPAD, _BBLK)]],
                              rows_v.at[slot], gsem.at[slot]).wait()

    def out_view(k):
        c = base + k
        s = c // _NB
        b0 = (c % _NB) * _BBLK
        return out_hbm.at[pl.ds(b0, _BBLK), s]

    def issue_store(k):
        slot = lax.rem(k, _NSLOT)
        pltpu.async_copy(rows_v.at[slot], out_view(k), ssem.at[slot])

    def wait_store(k):
        slot = lax.rem(k, _NSLOT)
        pltpu.make_async_copy(rows_v.at[slot], out_view(k),
                              ssem.at[slot]).wait()

    for k in range(_LEAD):
        issue_gather(k)

    def step(k, carry):
        wait_gather(k)

        srow = (base + k) // _NB - s0
        pos_regs = [pos_v[srow, pl.ds(j * _LANES, _LANES)]
                    for j in range(_D // _LANES)]
        slot = lax.rem(k, _NSLOT)

        def add_row(i, acc):
            for j in range(_D // _LANES):
                sl = pl.ds(j * _LANES, _LANES)
                rows_v[slot, i, sl] = rows_v[slot, i, sl] + pos_regs[j]
            return acc

        lax.fori_loop(0, _BBLK, add_row, 0, unroll=8)
        issue_store(k)

        @pl.when(jnp.logical_and(k >= _NSLOT - _LEAD, k + _LEAD < _CPW))
        def _():
            wait_store(k - (_NSLOT - _LEAD))

        @pl.when(k + _LEAD < _CPW)
        def _():
            issue_gather(k + _LEAD)

        return carry

    lax.fori_loop(0, _CPW, step, 0)

    for i in range(_NSLOT):
        wait_store(_CPW - _NSLOT + i)


def _sc_embed(ids1, token_table, pos_table):
    mesh = plsc.VectorSubcoreMesh(core_axis_name="c", subcore_axis_name="s")
    kern = pl.kernel(
        _body,
        out_type=jax.ShapeDtypeStruct((_B, _S, _D), jnp.float32),
        mesh=mesh,
        scratch_types=[
            pltpu.VMEM((_CPW * _IPAD,), jnp.int32),
            pltpu.VMEM((_NSLOT, _BBLK, _D), jnp.float32),
            pltpu.VMEM((_NPOS, _D), jnp.float32),
            pltpu.SemaphoreType.DMA((_NSLOT,)),
            pltpu.SemaphoreType.DMA((_NSLOT,)),
            pltpu.SemaphoreType.DMA,
        ],
    )
    return kern(ids1, token_table, pos_table)


def kernel(input_ids, token_table, pos_table):
    ids2 = input_ids.astype(jnp.int32).T.reshape(_CHUNKS, _BBLK)
    ids_pad = jnp.pad(ids2, ((0, 0), (0, _IPAD - _BBLK)))
    return _sc_embed(ids_pad.reshape(-1), token_table, pos_table)

# --- scband reference (transcript-rebuilt; emitter-appended) ---
"""Pipeline reference for scband-sig-text-embeddings-44865228374035 (READ-ONLY COPY).

The authoritative reference and input builder live on the scoring server;
editing this copy changes nothing except your own understanding.
"""

import jax, jax.numpy as jnp
import numpy as np

VOCAB = 100000
EMBED_DIM = 128
MAX_POS = 200
BATCH = 1024
SEQ = 200

def setup_inputs(seed: int = 0) -> dict:
    key = jax.random.key(seed)
    k1, k2, k3 = jax.random.split(key, 3)
    input_ids = jax.random.randint(k1, (BATCH, SEQ), 0, VOCAB, dtype=jnp.int64 if jax.config.jax_enable_x64 else jnp.int32)
    token_table = jax.random.normal(k2, (VOCAB, EMBED_DIM), dtype=jnp.float32) * 0.02
    pos_table = jax.random.normal(k3, (MAX_POS, EMBED_DIM), dtype=jnp.float32) * 0.02
    return {"input_ids": input_ids, "token_table": token_table, "pos_table": pos_table}

def reference(input_ids, token_table, pos_table):
    # token embedding lookup (gather)
    token_embeds = jnp.take(token_table, input_ids, axis=0)  # [B, S, D]
    seq_length = input_ids.shape[1]
    pos_ids = jnp.arange(MAX_POS)[None, :][:, :seq_length]  # [1, S]
    pos_embeds = jnp.take(pos_table, pos_ids, axis=0)  # [1, S, D]
    return token_embeds + pos_embeds

if __name__ == "__main__":
    import jax
    _d = setup_inputs()
    print(jax.jit(kernel)(*tuple(_d.values())))

</pallas_src>

<mosaic_0001>
#map = affine_map<(d0, d1) -> (0)>
#map1 = affine_map<(d0, d1) -> (0, 0)>
#map2 = affine_map<(d0, d1) -> (0, 0, 0)>
module attributes {stable_mosaic.version = 14 : i64} {
  func.func @_body(%arg0: i32, %arg1: i32, %arg2: memref<409600xi32, #tpu.memory_space<hbm>>, %arg3: memref<100000x128xf32, #tpu.memory_space<hbm>>, %arg4: memref<200x128xf32, #tpu.memory_space<hbm>>, %arg5: memref<1024x200x128xf32, #tpu.memory_space<hbm>>, %arg6: memref<12800xi32, #tpu.memory_space<vmem>>, %arg7: memref<14x64x128xf32, #tpu.memory_space<vmem>>, %arg8: memref<16x128xf32, #tpu.memory_space<vmem>>, %arg9: memref<14x!tpu.dma_semaphore, #tpu.memory_space<semaphore_mem>>, %arg10: memref<14x!tpu.dma_semaphore, #tpu.memory_space<semaphore_mem>>, %arg11: memref<!tpu.dma_semaphore, #tpu.memory_space<semaphore_mem>>) attributes {dimension_semantics = [#tpu.dimension_semantics<core_parallel>, #tpu.dimension_semantics<subcore_parallel>], iteration_bounds = array<i64: 2, 16>, scalar_prefetch = 0 : i64, scratch_operands = 6 : i64, tpu.core_type = #tpu.core_type<sc_vector_subcore>, window_params = [{transform_indices = #map}, {transform_indices = #map1}, {transform_indices = #map1}, {transform_indices = #map2}]} {
    %mul3A = arith.constant 2 : i32
    %mul3A_0 = arith.muli %arg1, %mul3A : i32
    %add3A = arith.addi %mul3A_0, %arg0 : i32
    %mul3A_1 = arith.constant 100 : i32
    %mul3A_2 = arith.muli %add3A, %mul3A_1 : i32
    %jit3A = arith.constant 16 : i32
    %div3A = arith.divsi %mul3A_2, %jit3A : i32
    %sign3A = arith.constant 0 : i32
    %sign3A_3 = arith.cmpi sgt, %mul3A_2, %sign3A : i32
    %sign3A_4 = arith.extui %sign3A_3 : i1 to i32
    %sign3A_5 = arith.constant 0 : i32
    %sign3A_6 = arith.cmpi slt, %mul3A_2, %sign3A_5 : i32
    %sign3A_7 = arith.extui %sign3A_6 : i1 to i32
    %sign3A_8 = arith.subi %sign3A_4, %sign3A_7 : i32
    %sign3A_9 = arith.constant 0 : i32
    %sign3A_10 = arith.cmpi sgt, %jit3A, %sign3A_9 : i32
    %sign3A_11 = arith.extui %sign3A_10 : i1 to i32
    %sign3A_12 = arith.constant 0 : i32
    %sign3A_13 = arith.cmpi slt, %jit3A, %sign3A_12 : i32
    %sign3A_14 = arith.extui %sign3A_13 : i1 to i32
    %sign3A_15 = arith.subi %sign3A_11, %sign3A_14 : i32
    %ne3A = arith.cmpi ne, %sign3A_8, %sign3A_15 : i32
    %rem3A = arith.remsi %mul3A_2, %jit3A : i32
    %ne3A_16 = arith.constant 0 : i32
    %ne3A_17 = arith.cmpi ne, %rem3A, %ne3A_16 : i32
    %and3A = arith.andi %ne3A, %ne3A_17 : i1
    %sub3A = arith.constant 1 : i32
    %sub3A_18 = arith.subi %div3A, %sub3A : i32
    %select_n3A = arith.select %and3A, %sub3A_18, %div3A : i32
    %and3A_19 = arith.constant -8 : i32
    %and3A_20 = arith.andi %select_n3A, %and3A_19 : i32
    %min3A = arith.constant 184 : i32
    %min3A_21 = arith.minsi %and3A_20, %min3A : i32
    %multiple_of3A = tpu.assume_multiple %min3A_21, 8 : i32
    %mul3A_22 = arith.constant 128 : i32
    %mul3A_23 = arith.muli %mul3A_2, %mul3A_22 : i32
    %dma_start3A = tpu.memref_slice %arg2[%mul3A_23] : memref<409600xi32, #tpu.memory_space<hbm>> -> memref<12800xi32, #tpu.memory_space<hbm>>
    %dma_start3A_24 = tpu.memref_slice %arg2[%mul3A_23] : memref<409600xi32, #tpu.memory_space<hbm>> -> memref<12800xi32, #tpu.memory_space<hbm>>
    tpu.enqueue_dma source(%dma_start3A_24 : memref<12800xi32, #tpu.memory_space<hbm>>) target(%arg6 : memref<12800xi32, #tpu.memory_space<vmem>>) target_semaphore(%arg11 : memref<!tpu.dma_semaphore, #tpu.memory_space<semaphore_mem>>)
    %dma_wait3A = tpu.memref_slice %arg2[%mul3A_23] : memref<409600xi32, #tpu.memory_space<hbm>> -> memref<12800xi32, #tpu.memory_space<hbm>>
    %dma_wait3A_25 = tpu.memref_slice %arg2[%mul3A_23] : memref<409600xi32, #tpu.memory_space<hbm>> -> memref<12800xi32, #tpu.memory_space<hbm>>
    tpu.wait_dma2 semaphore(%arg11 : memref<!tpu.dma_semaphore, #tpu.memory_space<semaphore_mem>>) src(%dma_wait3A_25 : memref<12800xi32, #tpu.memory_space<hbm>>) dst(%arg6 : memref<12800xi32, #tpu.memory_space<vmem>>)
    %dma_start3A_26 = arith.constant 0 : i32
    %dma_start3A_27 = tpu.memref_slice %arg4[%multiple_of3A, %dma_start3A_26] : memref<200x128xf32, #tpu.memory_space<hbm>> -> memref<16x128xf32, #tpu.memory_space<hbm>>
    %dma_start3A_28 = arith.constant 0 : i32
    %dma_start3A_29 = tpu.memref_slice %arg4[%multiple_of3A, %dma_start3A_28] : memref<200x128xf32, #tpu.memory_space<hbm>> -> memref<16x128xf32, #tpu.memory_space<hbm>>
    tpu.enqueue_dma source(%dma_start3A_29 : memref<16x128xf32, #tpu.memory_space<hbm>>) target(%arg8 : memref<16x128xf32, #tpu.memory_space<vmem>>) target_semaphore(%arg11 : memref<!tpu.dma_semaphore, #tpu.memory_space<semaphore_mem>>)
    %dma_wait3A_30 = arith.constant 0 : i32
    %dma_wait3A_31 = tpu.memref_slice %arg4[%multiple_of3A, %dma_wait3A_30] : memref<200x128xf32, #tpu.memory_space<hbm>> -> memref<16x128xf32, #tpu.memory_space<hbm>>
    %dma_wait3A_32 = arith.constant 0 : i32
    %dma_wait3A_33 = tpu.memref_slice %arg4[%multiple_of3A, %dma_wait3A_32] : memref<200x128xf32, #tpu.memory_space<hbm>> -> memref<16x128xf32, #tpu.memory_space<hbm>>
    tpu.wait_dma2 semaphore(%arg11 : memref<!tpu.dma_semaphore, #tpu.memory_space<semaphore_mem>>) src(%dma_wait3A_33 : memref<16x128xf32, #tpu.memory_space<hbm>>) dst(%arg8 : memref<16x128xf32, #tpu.memory_space<vmem>>)
    %rem3A_34 = arith.constant 0 : i32
    %rem3A_35 = arith.constant 14 : i32
    %rem3A_36 = arith.remsi %rem3A_34, %rem3A_35 : i32
    %dma_start3A_37 = arith.constant 0 : i32
    %dma_start3A_38 = arith.constant 0 : i32
    %dma_start3A_39 = tpu.memref_slice %arg7[%rem3A_36, %dma_start3A_37, %dma_start3A_38] : memref<14x64x128xf32, #tpu.memory_space<vmem>> -> memref<1x64x128xf32, #tpu.memory_space<vmem>>
    %dma_start3A_40 = tpu.memref_squeeze %dma_start3A_39 : memref<1x64x128xf32, #tpu.memory_space<vmem>> -> memref<64x128xf32, #tpu.memory_space<vmem>>
    %dma_start3A_41 = arith.constant 0 : i32
    %dma_start3A_42 = tpu.memref_slice %arg6[%dma_start3A_41] : memref<12800xi32, #tpu.memory_space<vmem>> -> memref<64xi32, #tpu.memory_space<vmem>>
    %dma_start3A_43 = arith.constant 0 : i32
    %dma_start3A_44 = arith.constant 0 : i32
    %dma_start3A_45 = tpu.memref_slice %arg3[%dma_start3A_43, %dma_start3A_44] : memref<100000x128xf32, #tpu.memory_space<hbm>> -> memref<100000x128xf32, #tpu.memory_space<hbm>>
    %dma_start3A_46 = tpu.memref_slice %arg9[%rem3A_36] : memref<14x!tpu.dma_semaphore, #tpu.memory_space<semaphore_mem>> -> memref<1x!tpu.dma_semaphore, #tpu.memory_space<semaphore_mem>>
    %dma_start3A_47 = tpu.memref_squeeze %dma_start3A_46 : memref<1x!tpu.dma_semaphore, #tpu.memory_space<semaphore_mem>> -> memref<!tpu.dma_semaphore, #tpu.memory_space<semaphore_mem>>
    tpu.enqueue_indirect_dma source(%dma_start3A_45 : memref<100000x128xf32, #tpu.memory_space<hbm>>) target(%dma_start3A_40 : memref<64x128xf32, #tpu.memory_space<vmem>>) offsets(%dma_start3A_42 : memref<64xi32, #tpu.memory_space<vmem>>) semaphore(%dma_start3A_47 : memref<!tpu.dma_semaphore, #tpu.memory_space<semaphore_mem>>)
    %rem3A_48 = arith.constant 1 : i32
    %rem3A_49 = arith.constant 14 : i32
    %rem3A_50 = arith.remsi %rem3A_48, %rem3A_49 : i32
    %dma_start3A_51 = arith.constant 0 : i32
    %dma_start3A_52 = arith.constant 0 : i32
    %dma_start3A_53 = tpu.memref_slice %arg7[%rem3A_50, %dma_start3A_51, %dma_start3A_52] : memref<14x64x128xf32, #tpu.memory_space<vmem>> -> memref<1x64x128xf32, #tpu.memory_space<vmem>>
    %dma_start3A_54 = tpu.memref_squeeze %dma_start3A_53 : memref<1x64x128xf32, #tpu.memory_space<vmem>> -> memref<64x128xf32, #tpu.memory_space<vmem>>
    %dma_start3A_55 = arith.constant 128 : i32
    %dma_start3A_56 = tpu.memref_slice %arg6[%dma_start3A_55] : memref<12800xi32, #tpu.memory_space<vmem>> -> memref<64xi32, #tpu.memory_space<vmem>>
    %dma_start3A_57 = arith.constant 0 : i32
    %dma_start3A_58 = arith.constant 0 : i32
    %dma_start3A_59 = tpu.memref_slice %arg3[%dma_start3A_57, %dma_start3A_58] : memref<100000x128xf32, #tpu.memory_space<hbm>> -> memref<100000x128xf32, #tpu.memory_space<hbm>>
    %dma_start3A_60 = tpu.memref_slice %arg9[%rem3A_50] : memref<14x!tpu.dma_semaphore, #tpu.memory_space<semaphore_mem>> -> memref<1x!tpu.dma_semaphore, #tpu.memory_space<semaphore_mem>>
    %dma_start3A_61 = tpu.memref_squeeze %dma_start3A_60 : memref<1x!tpu.dma_semaphore, #tpu.memory_space<semaphore_mem>> -> memref<!tpu.dma_semaphore, #tpu.memory_space<semaphore_mem>>
    tpu.enqueue_indirect_dma source(%dma_start3A_59 : memref<100000x128xf32, #tpu.memory_space<hbm>>) target(%dma_start3A_54 : memref<64x128xf32, #tpu.memory_space<vmem>>) offsets(%dma_start3A_56 : memref<64xi32, #tpu.memory_space<vmem>>) semaphore(%dma_start3A_61 : memref<!tpu.dma_semaphore, #tpu.memory_space<semaphore_mem>>)
    %rem3A_62 = arith.constant 2 : i32
    %rem3A_63 = arith.constant 14 : i32
    %rem3A_64 = arith.remsi %rem3A_62, %rem3A_63 : i32
    %dma_start3A_65 = arith.constant 0 : i32
    %dma_start3A_66 = arith.constant 0 : i32
    %dma_start3A_67 = tpu.memref_slice %arg7[%rem3A_64, %dma_start3A_65, %dma_start3A_66] : memref<14x64x128xf32, #tpu.memory_space<vmem>> -> memref<1x64x128xf32, #tpu.memory_space<vmem>>
    %dma_start3A_68 = tpu.memref_squeeze %dma_start3A_67 : memref<1x64x128xf32, #tpu.memory_space<vmem>> -> memref<64x128xf32, #tpu.memory_space<vmem>>
    %dma_start3A_69 = arith.constant 256 : i32
    %dma_start3A_70 = tpu.memref_slice %arg6[%dma_start3A_69] : memref<12800xi32, #tpu.memory_space<vmem>> -> memref<64xi32, #tpu.memory_space<vmem>>
    %dma_start3A_71 = arith.constant 0 : i32
    %dma_start3A_72 = arith.constant 0 : i32
    %dma_start3A_73 = tpu.memref_slice %arg3[%dma_start3A_71, %dma_start3A_72] : memref<100000x128xf32, #tpu.memory_space<hbm>> -> memref<100000x128xf32, #tpu.memory_space<hbm>>
    %dma_start3A_74 = tpu.memref_slice %arg9[%rem3A_64] : memref<14x!tpu.dma_semaphore, #tpu.memory_space<semaphore_mem>> -> memref<1x!tpu.dma_semaphore, #tpu.memory_space<semaphore_mem>>
    %dma_start3A_75 = tpu.memref_squeeze %dma_start3A_74 : memref<1x!tpu.dma_semaphore, #tpu.memory_space<semaphore_mem>> -> memref<!tpu.dma_semaphore, #tpu.memory_space<semaphore_mem>>
    tpu.enqueue_indirect_dma source(%dma_start3A_73 : memref<100000x128xf32, #tpu.memory_space<hbm>>) target(%dma_start3A_68 : memref<64x128xf32, #tpu.memory_space<vmem>>) offsets(%dma_start3A_70 : memref<64xi32, #tpu.memory_space<vmem>>) semaphore(%dma_start3A_75 : memref<!tpu.dma_semaphore, #tpu.memory_space<semaphore_mem>>)
    %rem3A_76 = arith.constant 3 : i32
    %rem3A_77 = arith.constant 14 : i32
    %rem3A_78 = arith.remsi %rem3A_76, %rem3A_77 : i32
    %dma_start3A_79 = arith.constant 0 : i32
    %dma_start3A_80 = arith.constant 0 : i32
    %dma_start3A_81 = tpu.memref_slice %arg7[%rem3A_78, %dma_start3A_79, %dma_start3A_80] : memref<14x64x128xf32, #tpu.memory_space<vmem>> -> memref<1x64x128xf32, #tpu.memory_space<vmem>>
    %dma_start3A_82 = tpu.memref_squeeze %dma_start3A_81 : memref<1x64x128xf32, #tpu.memory_space<vmem>> -> memref<64x128xf32, #tpu.memory_space<vmem>>
    %dma_start3A_83 = arith.constant 384 : i32
    %dma_start3A_84 = tpu.memref_slice %arg6[%dma_start3A_83] : memref<12800xi32, #tpu.memory_space<vmem>> -> memref<64xi32, #tpu.memory_space<vmem>>
    %dma_start3A_85 = arith.constant 0 : i32
    %dma_start3A_86 = arith.constant 0 : i32
    %dma_start3A_87 = tpu.memref_slice %arg3[%dma_start3A_85, %dma_start3A_86] : memref<100000x128xf32, #tpu.memory_space<hbm>> -> memref<100000x128xf32, #tpu.memory_space<hbm>>
    %dma_start3A_88 = tpu.memref_slice %arg9[%rem3A_78] : memref<14x!tpu.dma_semaphore, #tpu.memory_space<semaphore_mem>> -> memref<1x!tpu.dma_semaphore, #tpu.memory_space<semaphore_mem>>
    %dma_start3A_89 = tpu.memref_squeeze %dma_start3A_88 : memref<1x!tpu.dma_semaphore, #tpu.memory_space<semaphore_mem>> -> memref<!tpu.dma_semaphore, #tpu.memory_space<semaphore_mem>>
    tpu.enqueue_indirect_dma source(%dma_start3A_87 : memref<100000x128xf32, #tpu.memory_space<hbm>>) target(%dma_start3A_82 : memref<64x128xf32, #tpu.memory_space<vmem>>) offsets(%dma_start3A_84 : memref<64xi32, #tpu.memory_space<vmem>>) semaphore(%dma_start3A_89 : memref<!tpu.dma_semaphore, #tpu.memory_space<semaphore_mem>>)
    %rem3A_90 = arith.constant 4 : i32
    %rem3A_91 = arith.constant 14 : i32
    %rem3A_92 = arith.remsi %rem3A_90, %rem3A_91 : i32
    %dma_start3A_93 = arith.constant 0 : i32
    %dma_start3A_94 = arith.constant 0 : i32
    %dma_start3A_95 = tpu.memref_slice %arg7[%rem3A_92, %dma_start3A_93, %dma_start3A_94] : memref<14x64x128xf32, #tpu.memory_space<vmem>> -> memref<1x64x128xf32, #tpu.memory_space<vmem>>
    %dma_start3A_96 = tpu.memref_squeeze %dma_start3A_95 : memref<1x64x128xf32, #tpu.memory_space<vmem>> -> memref<64x128xf32, #tpu.memory_space<vmem>>
    %dma_start3A_97 = arith.constant 512 : i32
    %dma_start3A_98 = tpu.memref_slice %arg6[%dma_start3A_97] : memref<12800xi32, #tpu.memory_space<vmem>> -> memref<64xi32, #tpu.memory_space<vmem>>
    %dma_start3A_99 = arith.constant 0 : i32
    %dma_start3A_100 = arith.constant 0 : i32
    %dma_start3A_101 = tpu.memref_slice %arg3[%dma_start3A_99, %dma_start3A_100] : memref<100000x128xf32, #tpu.memory_space<hbm>> -> memref<100000x128xf32, #tpu.memory_space<hbm>>
    %dma_start3A_102 = tpu.memref_slice %arg9[%rem3A_92] : memref<14x!tpu.dma_semaphore, #tpu.memory_space<semaphore_mem>> -> memref<1x!tpu.dma_semaphore, #tpu.memory_space<semaphore_mem>>
    %dma_start3A_103 = tpu.memref_squeeze %dma_start3A_102 : memref<1x!tpu.dma_semaphore, #tpu.memory_space<semaphore_mem>> -> memref<!tpu.dma_semaphore, #tpu.memory_space<semaphore_mem>>
    tpu.enqueue_indirect_dma source(%dma_start3A_101 : memref<100000x128xf32, #tpu.memory_space<hbm>>) target(%dma_start3A_96 : memref<64x128xf32, #tpu.memory_space<vmem>>) offsets(%dma_start3A_98 : memref<64xi32, #tpu.memory_space<vmem>>) semaphore(%dma_start3A_103 : memref<!tpu.dma_semaphore, #tpu.memory_space<semaphore_mem>>)
    %rem3A_104 = arith.constant 5 : i32
    %rem3A_105 = arith.constant 14 : i32
    %rem3A_106 = arith.remsi %rem3A_104, %rem3A_105 : i32
    %dma_start3A_107 = arith.constant 0 : i32
    %dma_start3A_108 = arith.constant 0 : i32
    %dma_start3A_109 = tpu.memref_slice %arg7[%rem3A_106, %dma_start3A_107, %dma_start3A_108] : memref<14x64x128xf32, #tpu.memory_space<vmem>> -> memref<1x64x128xf32, #tpu.memory_space<vmem>>
    %dma_start3A_110 = tpu.memref_squeeze %dma_start3A_109 : memref<1x64x128xf32, #tpu.memory_space<vmem>> -> memref<64x128xf32, #tpu.memory_space<vmem>>
    %dma_start3A_111 = arith.constant 640 : i32
    %dma_start3A_112 = tpu.memref_slice %arg6[%dma_start3A_111] : memref<12800xi32, #tpu.memory_space<vmem>> -> memref<64xi32, #tpu.memory_space<vmem>>
    %dma_start3A_113 = arith.constant 0 : i32
    %dma_start3A_114 = arith.constant 0 : i32
    %dma_start3A_115 = tpu.memref_slice %arg3[%dma_start3A_113, %dma_start3A_114] : memref<100000x128xf32, #tpu.memory_space<hbm>> -> memref<100000x128xf32, #tpu.memory_space<hbm>>
    %dma_start3A_116 = tpu.memref_slice %arg9[%rem3A_106] : memref<14x!tpu.dma_semaphore, #tpu.memory_space<semaphore_mem>> -> memref<1x!tpu.dma_semaphore, #tpu.memory_space<semaphore_mem>>
    %dma_start3A_117 = tpu.memref_squeeze %dma_start3A_116 : memref<1x!tpu.dma_semaphore, #tpu.memory_space<semaphore_mem>> -> memref<!tpu.dma_semaphore, #tpu.memory_space<semaphore_mem>>
    tpu.enqueue_indirect_dma source(%dma_start3A_115 : memref<100000x128xf32, #tpu.memory_space<hbm>>) target(%dma_start3A_110 : memref<64x128xf32, #tpu.memory_space<vmem>>) offsets(%dma_start3A_112 : memref<64xi32, #tpu.memory_space<vmem>>) semaphore(%dma_start3A_117 : memref<!tpu.dma_semaphore, #tpu.memory_space<semaphore_mem>>)
    %rem3A_118 = arith.constant 6 : i32
    %rem3A_119 = arith.constant 14 : i32
    %rem3A_120 = arith.remsi %rem3A_118, %rem3A_119 : i32
    %dma_start3A_121 = arith.constant 0 : i32
    %dma_start3A_122 = arith.constant 0 : i32
    %dma_start3A_123 = tpu.memref_slice %arg7[%rem3A_120, %dma_start3A_121, %dma_start3A_122] : memref<14x64x128xf32, #tpu.memory_space<vmem>> -> memref<1x64x128xf32, #tpu.memory_space<vmem>>
    %dma_start3A_124 = tpu.memref_squeeze %dma_start3A_123 : memref<1x64x128xf32, #tpu.memory_space<vmem>> -> memref<64x128xf32, #tpu.memory_space<vmem>>
    %dma_start3A_125 = arith.constant 768 : i32
    %dma_start3A_126 = tpu.memref_slice %arg6[%dma_start3A_125] : memref<12800xi32, #tpu.memory_space<vmem>> -> memref<64xi32, #tpu.memory_space<vmem>>
    %dma_start3A_127 = arith.constant 0 : i32
    %dma_start3A_128 = arith.constant 0 : i32
    %dma_start3A_129 = tpu.memref_slice %arg3[%dma_start3A_127, %dma_start3A_128] : memref<100000x128xf32, #tpu.memory_space<hbm>> -> memref<100000x128xf32, #tpu.memory_space<hbm>>
    %dma_start3A_130 = tpu.memref_slice %arg9[%rem3A_120] : memref<14x!tpu.dma_semaphore, #tpu.memory_space<semaphore_mem>> -> memref<1x!tpu.dma_semaphore, #tpu.memory_space<semaphore_mem>>
    %dma_start3A_131 = tpu.memref_squeeze %dma_start3A_130 : memref<1x!tpu.dma_semaphore, #tpu.memory_space<semaphore_mem>> -> memref<!tpu.dma_semaphore, #tpu.memory_space<semaphore_mem>>
    tpu.enqueue_indirect_dma source(%dma_start3A_129 : memref<100000x128xf32, #tpu.memory_space<hbm>>) target(%dma_start3A_124 : memref<64x128xf32, #tpu.memory_space<vmem>>) offsets(%dma_start3A_126 : memref<64xi32, #tpu.memory_space<vmem>>) semaphore(%dma_start3A_131 : memref<!tpu.dma_semaphore, #tpu.memory_space<semaphore_mem>>)
    %rem3A_132 = arith.constant 7 : i32
    %rem3A_133 = arith.constant 14 : i32
    %rem3A_134 = arith.remsi %rem3A_132, %rem3A_133 : i32
    %dma_start3A_135 = arith.constant 0 : i32
    %dma_start3A_136 = arith.constant 0 : i32
    %dma_start3A_137 = tpu.memref_slice %arg7[%rem3A_134, %dma_start3A_135, %dma_start3A_136] : memref<14x64x128xf32, #tpu.memory_space<vmem>> -> memref<1x64x128xf32, #tpu.memory_space<vmem>>
    %dma_start3A_138 = tpu.memref_squeeze %dma_start3A_137 : memref<1x64x128xf32, #tpu.memory_space<vmem>> -> memref<64x128xf32, #tpu.memory_space<vmem>>
    %dma_start3A_139 = arith.constant 896 : i32
    %dma_start3A_140 = tpu.memref_slice %arg6[%dma_start3A_139] : memref<12800xi32, #tpu.memory_space<vmem>> -> memref<64xi32, #tpu.memory_space<vmem>>
    %dma_start3A_141 = arith.constant 0 : i32
    %dma_start3A_142 = arith.constant 0 : i32
    %dma_start3A_143 = tpu.memref_slice %arg3[%dma_start3A_141, %dma_start3A_142] : memref<100000x128xf32, #tpu.memory_space<hbm>> -> memref<100000x128xf32, #tpu.memory_space<hbm>>
    %dma_start3A_144 = tpu.memref_slice %arg9[%rem3A_134] : memref<14x!tpu.dma_semaphore, #tpu.memory_space<semaphore_mem>> -> memref<1x!tpu.dma_semaphore, #tpu.memory_space<semaphore_mem>>
    %dma_start3A_145 = tpu.memref_squeeze %dma_start3A_144 : memref<1x!tpu.dma_semaphore, #tpu.memory_space<semaphore_mem>> -> memref<!tpu.dma_semaphore, #tpu.memory_space<semaphore_mem>>
    tpu.enqueue_indirect_dma source(%dma_start3A_143 : memref<100000x128xf32, #tpu.memory_space<hbm>>) target(%dma_start3A_138 : memref<64x128xf32, #tpu.memory_space<vmem>>) offsets(%dma_start3A_140 : memref<64xi32, #tpu.memory_space<vmem>>) semaphore(%dma_start3A_145 : memref<!tpu.dma_semaphore, #tpu.memory_space<semaphore_mem>>)
    %rem3A_146 = arith.constant 8 : i32
    %rem3A_147 = arith.constant 14 : i32
    %rem3A_148 = arith.remsi %rem3A_146, %rem3A_147 : i32
    %dma_start3A_149 = arith.constant 0 : i32
    %dma_start3A_150 = arith.constant 0 : i32
    %dma_start3A_151 = tpu.memref_slice %arg7[%rem3A_148, %dma_start3A_149, %dma_start3A_150] : memref<14x64x128xf32, #tpu.memory_space<vmem>> -> memref<1x64x128xf32, #tpu.memory_space<vmem>>
    %dma_start3A_152 = tpu.memref_squeeze %dma_start3A_151 : memref<1x64x128xf32, #tpu.memory_space<vmem>> -> memref<64x128xf32, #tpu.memory_space<vmem>>
    %dma_start3A_153 = arith.constant 1024 : i32
    %dma_start3A_154 = tpu.memref_slice %arg6[%dma_start3A_153] : memref<12800xi32, #tpu.memory_space<vmem>> -> memref<64xi32, #tpu.memory_space<vmem>>
    %dma_start3A_155 = arith.constant 0 : i32
    %dma_start3A_156 = arith.constant 0 : i32
    %dma_start3A_157 = tpu.memref_slice %arg3[%dma_start3A_155, %dma_start3A_156] : memref<100000x128xf32, #tpu.memory_space<hbm>> -> memref<100000x128xf32, #tpu.memory_space<hbm>>
    %dma_start3A_158 = tpu.memref_slice %arg9[%rem3A_148] : memref<14x!tpu.dma_semaphore, #tpu.memory_space<semaphore_mem>> -> memref<1x!tpu.dma_semaphore, #tpu.memory_space<semaphore_mem>>
    %dma_start3A_159 = tpu.memref_squeeze %dma_start3A_158 : memref<1x!tpu.dma_semaphore, #tpu.memory_space<semaphore_mem>> -> memref<!tpu.dma_semaphore, #tpu.memory_space<semaphore_mem>>
    tpu.enqueue_indirect_dma source(%dma_start3A_157 : memref<100000x128xf32, #tpu.memory_space<hbm>>) target(%dma_start3A_152 : memref<64x128xf32, #tpu.memory_space<vmem>>) offsets(%dma_start3A_154 : memref<64xi32, #tpu.memory_space<vmem>>) semaphore(%dma_start3A_159 : memref<!tpu.dma_semaphore, #tpu.memory_space<semaphore_mem>>)
    %rem3A_160 = arith.constant 9 : i32
    %rem3A_161 = arith.constant 14 : i32
    %rem3A_162 = arith.remsi %rem3A_160, %rem3A_161 : i32
    %dma_start3A_163 = arith.constant 0 : i32
    %dma_start3A_164 = arith.constant 0 : i32
    %dma_start3A_165 = tpu.memref_slice %arg7[%rem3A_162, %dma_start3A_163, %dma_start3A_164] : memref<14x64x128xf32, #tpu.memory_space<vmem>> -> memref<1x64x128xf32, #tpu.memory_space<vmem>>
    %dma_start3A_166 = tpu.memref_squeeze %dma_start3A_165 : memref<1x64x128xf32, #tpu.memory_space<vmem>> -> memref<64x128xf32, #tpu.memory_space<vmem>>
    %dma_start3A_167 = arith.constant 1152 : i32
    %dma_start3A_168 = tpu.memref_slice %arg6[%dma_start3A_167] : memref<12800xi32, #tpu.memory_space<vmem>> -> memref<64xi32, #tpu.memory_space<vmem>>
    %dma_start3A_169 = arith.constant 0 : i32
    %dma_start3A_170 = arith.constant 0 : i32
    %dma_start3A_171 = tpu.memref_slice %arg3[%dma_start3A_169, %dma_start3A_170] : memref<100000x128xf32, #tpu.memory_space<hbm>> -> memref<100000x128xf32, #tpu.memory_space<hbm>>
    %dma_start3A_172 = tpu.memref_slice %arg9[%rem3A_162] : memref<14x!tpu.dma_semaphore, #tpu.memory_space<semaphore_mem>> -> memref<1x!tpu.dma_semaphore, #tpu.memory_space<semaphore_mem>>
    %dma_start3A_173 = tpu.memref_squeeze %dma_start3A_172 : memref<1x!tpu.dma_semaphore, #tpu.memory_space<semaphore_mem>> -> memref<!tpu.dma_semaphore, #tpu.memory_space<semaphore_mem>>
    tpu.enqueue_indirect_dma source(%dma_start3A_171 : memref<100000x128xf32, #tpu.memory_space<hbm>>) target(%dma_start3A_166 : memref<64x128xf32, #tpu.memory_space<vmem>>) offsets(%dma_start3A_168 : memref<64xi32, #tpu.memory_space<vmem>>) semaphore(%dma_start3A_173 : memref<!tpu.dma_semaphore, #tpu.memory_space<semaphore_mem>>)
    %rem3A_174 = arith.constant 10 : i32
    %rem3A_175 = arith.constant 14 : i32
    %rem3A_176 = arith.remsi %rem3A_174, %rem3A_175 : i32
    %dma_start3A_177 = arith.constant 0 : i32
    %dma_start3A_178 = arith.constant 0 : i32
    %dma_start3A_179 = tpu.memref_slice %arg7[%rem3A_176, %dma_start3A_177, %dma_start3A_178] : memref<14x64x128xf32, #tpu.memory_space<vmem>> -> memref<1x64x128xf32, #tpu.memory_space<vmem>>
    %dma_start3A_180 = tpu.memref_squeeze %dma_start3A_179 : memref<1x64x128xf32, #tpu.memory_space<vmem>> -> memref<64x128xf32, #tpu.memory_space<vmem>>
    %dma_start3A_181 = arith.constant 1280 : i32
    %dma_start3A_182 = tpu.memref_slice %arg6[%dma_start3A_181] : memref<12800xi32, #tpu.memory_space<vmem>> -> memref<64xi32, #tpu.memory_space<vmem>>
    %dma_start3A_183 = arith.constant 0 : i32
    %dma_start3A_184 = arith.constant 0 : i32
    %dma_start3A_185 = tpu.memref_slice %arg3[%dma_start3A_183, %dma_start3A_184] : memref<100000x128xf32, #tpu.memory_space<hbm>> -> memref<100000x128xf32, #tpu.memory_space<hbm>>
    %dma_start3A_186 = tpu.memref_slice %arg9[%rem3A_176] : memref<14x!tpu.dma_semaphore, #tpu.memory_space<semaphore_mem>> -> memref<1x!tpu.dma_semaphore, #tpu.memory_space<semaphore_mem>>
    %dma_start3A_187 = tpu.memref_squeeze %dma_start3A_186 : memref<1x!tpu.dma_semaphore, #tpu.memory_space<semaphore_mem>> -> memref<!tpu.dma_semaphore, #tpu.memory_space<semaphore_mem>>
    tpu.enqueue_indirect_dma source(%dma_start3A_185 : memref<100000x128xf32, #tpu.memory_space<hbm>>) target(%dma_start3A_180 : memref<64x128xf32, #tpu.memory_space<vmem>>) offsets(%dma_start3A_182 : memref<64xi32, #tpu.memory_space<vmem>>) semaphore(%dma_start3A_187 : memref<!tpu.dma_semaphore, #tpu.memory_space<semaphore_mem>>)
    %rem3A_188 = arith.constant 11 : i32
    %rem3A_189 = arith.constant 14 : i32
    %rem3A_190 = arith.remsi %rem3A_188, %rem3A_189 : i32
    %dma_start3A_191 = arith.constant 0 : i32
    %dma_start3A_192 = arith.constant 0 : i32
    %dma_start3A_193 = tpu.memref_slice %arg7[%rem3A_190, %dma_start3A_191, %dma_start3A_192] : memref<14x64x128xf32, #tpu.memory_space<vmem>> -> memref<1x64x128xf32, #tpu.memory_space<vmem>>
    %dma_start3A_194 = tpu.memref_squeeze %dma_start3A_193 : memref<1x64x128xf32, #tpu.memory_space<vmem>> -> memref<64x128xf32, #tpu.memory_space<vmem>>
    %dma_start3A_195 = arith.constant 1408 : i32
    %dma_start3A_196 = tpu.memref_slice %arg6[%dma_start3A_195] : memref<12800xi32, #tpu.memory_space<vmem>> -> memref<64xi32, #tpu.memory_space<vmem>>
    %dma_start3A_197 = arith.constant 0 : i32
    %dma_start3A_198 = arith.constant 0 : i32
    %dma_start3A_199 = tpu.memref_slice %arg3[%dma_start3A_197, %dma_start3A_198] : memref<100000x128xf32, #tpu.memory_space<hbm>> -> memref<100000x128xf32, #tpu.memory_space<hbm>>
    %dma_start3A_200 = tpu.memref_slice %arg9[%rem3A_190] : memref<14x!tpu.dma_semaphore, #tpu.memory_space<semaphore_mem>> -> memref<1x!tpu.dma_semaphore, #tpu.memory_space<semaphore_mem>>
    %dma_start3A_201 = tpu.memref_squeeze %dma_start3A_200 : memref<1x!tpu.dma_semaphore, #tpu.memory_space<semaphore_mem>> -> memref<!tpu.dma_semaphore, #tpu.memory_space<semaphore_mem>>
    tpu.enqueue_indirect_dma source(%dma_start3A_199 : memref<100000x128xf32, #tpu.memory_space<hbm>>) target(%dma_start3A_194 : memref<64x128xf32, #tpu.memory_space<vmem>>) offsets(%dma_start3A_196 : memref<64xi32, #tpu.memory_space<vmem>>) semaphore(%dma_start3A_201 : memref<!tpu.dma_semaphore, #tpu.memory_space<semaphore_mem>>)
    %rem3A_202 = arith.constant 12 : i32
    %rem3A_203 = arith.constant 14 : i32
    %rem3A_204 = arith.remsi %rem3A_202, %rem3A_203 : i32
    %dma_start3A_205 = arith.constant 0 : i32
    %dma_start3A_206 = arith.constant 0 : i32
    %dma_start3A_207 = tpu.memref_slice %arg7[%rem3A_204, %dma_start3A_205, %dma_start3A_206] : memref<14x64x128xf32, #tpu.memory_space<vmem>> -> memref<1x64x128xf32, #tpu.memory_space<vmem>>
    %dma_start3A_208 = tpu.memref_squeeze %dma_start3A_207 : memref<1x64x128xf32, #tpu.memory_space<vmem>> -> memref<64x128xf32, #tpu.memory_space<vmem>>
    %dma_start3A_209 = arith.constant 1536 : i32
    %dma_start3A_210 = tpu.memref_slice %arg6[%dma_start3A_209] : memref<12800xi32, #tpu.memory_space<vmem>> -> memref<64xi32, #tpu.memory_space<vmem>>
    %dma_start3A_211 = arith.constant 0 : i32
    %dma_start3A_212 = arith.constant 0 : i32
    %dma_start3A_213 = tpu.memref_slice %arg3[%dma_start3A_211, %dma_start3A_212] : memref<100000x128xf32, #tpu.memory_space<hbm>> -> memref<100000x128xf32, #tpu.memory_space<hbm>>
    %dma_start3A_214 = tpu.memref_slice %arg9[%rem3A_204] : memref<14x!tpu.dma_semaphore, #tpu.memory_space<semaphore_mem>> -> memref<1x!tpu.dma_semaphore, #tpu.memory_space<semaphore_mem>>
    %dma_start3A_215 = tpu.memref_squeeze %dma_start3A_214 : memref<1x!tpu.dma_semaphore, #tpu.memory_space<semaphore_mem>> -> memref<!tpu.dma_semaphore, #tpu.memory_space<semaphore_mem>>
    tpu.enqueue_indirect_dma source(%dma_start3A_213 : memref<100000x128xf32, #tpu.memory_space<hbm>>) target(%dma_start3A_208 : memref<64x128xf32, #tpu.memory_space<vmem>>) offsets(%dma_start3A_210 : memref<64xi32, #tpu.memory_space<vmem>>) semaphore(%dma_start3A_215 : memref<!tpu.dma_semaphore, #tpu.memory_space<semaphore_mem>>)
    %scan3A = arith.constant 0 : i32
    %scan3A_216 = arith.constant 0 : i32
    %scan3A_217 = arith.constant 100 : i32
    %scan3A_218 = arith.addi %scan3A_216, %scan3A_217 : i32
    %scan3A_219 = arith.constant 1 : i32
    scf.for %scan3A_1101 = %scan3A_216 to %scan3A_218 step %scan3A_219  : i32 {
      %rem3A_1102 = arith.constant 14 : i32
      %rem3A_1103 = arith.remsi %scan3A_1101, %rem3A_1102 : i32
      %mul3A_1104 = arith.constant 128 : i32
      %mul3A_1105 = arith.muli %scan3A_1101, %mul3A_1104 : i32
      %dma_wait3A_1106 = arith.constant 0 : i32
      %dma_wait3A_1107 = arith.constant 0 : i32
      %dma_wait3A_1108 = tpu.memref_slice %arg7[%rem3A_1103, %dma_wait3A_1106, %dma_wait3A_1107] : memref<14x64x128xf32, #tpu.memory_space<vmem>> -> memref<1x64x128xf32, #tpu.memory_space<vmem>>
      %dma_wait3A_1109 = tpu.memref_squeeze %dma_wait3A_1108 : memref<1x64x128xf32, #tpu.memory_space<vmem>> -> memref<64x128xf32, #tpu.memory_space<vmem>>
      %dma_wait3A_1110 = tpu.memref_slice %arg6[%mul3A_1105] : memref<12800xi32, #tpu.memory_space<vmem>> -> memref<64xi32, #tpu.memory_space<vmem>>
      %dma_wait3A_1111 = arith.constant 0 : i32
      %dma_wait3A_1112 = arith.constant 0 : i32
      %dma_wait3A_1113 = tpu.memref_slice %arg3[%dma_wait3A_1111, %dma_wait3A_1112] : memref<100000x128xf32, #tpu.memory_space<hbm>> -> memref<100000x128xf32, #tpu.memory_space<hbm>>
      %dma_wait3A_1114 = tpu.memref_slice %arg9[%rem3A_1103] : memref<14x!tpu.dma_semaphore, #tpu.memory_space<semaphore_mem>> -> memref<1x!tpu.dma_semaphore, #tpu.memory_space<semaphore_mem>>
      %dma_wait3A_1115 = tpu.memref_squeeze %dma_wait3A_1114 : memref<1x!tpu.dma_semaphore, #tpu.memory_space<semaphore_mem>> -> memref<!tpu.dma_semaphore, #tpu.memory_space<semaphore_mem>>
      tpu.wait_indirect_dma semaphore(%dma_wait3A_1115 : memref<!tpu.dma_semaphore, #tpu.memory_space<semaphore_mem>>) src(%dma_wait3A_1113 : memref<100000x128xf32, #tpu.memory_space<hbm>>) dst(%dma_wait3A_1109 : memref<64x128xf32, #tpu.memory_space<vmem>>)
      %add3A_1116 = arith.addi %mul3A_2, %scan3A_1101 : i32
      %jit3A_1117 = arith.constant 16 : i32
      %div3A_1118 = arith.divsi %add3A_1116, %jit3A_1117 : i32
      %sign3A_1119 = arith.constant 0 : i32
      %sign3A_1120 = arith.cmpi sgt, %add3A_1116, %sign3A_1119 : i32
      %sign3A_1121 = arith.extui %sign3A_1120 : i1 to i32
      %sign3A_1122 = arith.constant 0 : i32
      %sign3A_1123 = arith.cmpi slt, %add3A_1116, %sign3A_1122 : i32
      %sign3A_1124 = arith.extui %sign3A_1123 : i1 to i32
      %sign3A_1125 = arith.subi %sign3A_1121, %sign3A_1124 : i32
      %sign3A_1126 = arith.constant 0 : i32
      %sign3A_1127 = arith.cmpi sgt, %jit3A_1117, %sign3A_1126 : i32
      %sign3A_1128 = arith.extui %sign3A_1127 : i1 to i32
      %sign3A_1129 = arith.constant 0 : i32
      %sign3A_1130 = arith.cmpi slt, %jit3A_1117, %sign3A_1129 : i32
      %sign3A_1131 = arith.extui %sign3A_1130 : i1 to i32
      %sign3A_1132 = arith.subi %sign3A_1128, %sign3A_1131 : i32
      %ne3A_1133 = arith.cmpi ne, %sign3A_1125, %sign3A_1132 : i32
      %rem3A_1134 = arith.remsi %add3A_1116, %jit3A_1117 : i32
      %ne3A_1135 = arith.constant 0 : i32
      %ne3A_1136 = arith.cmpi ne, %rem3A_1134, %ne3A_1135 : i32
      %and3A_1137 = arith.andi %ne3A_1133, %ne3A_1136 : i1
      %sub3A_1138 = arith.constant 1 : i32
      %sub3A_1139 = arith.subi %div3A_1118, %sub3A_1138 : i32
      %select_n3A_1140 = arith.select %and3A_1137, %sub3A_1139, %div3A_1118 : i32
      %sub3A_1141 = arith.subi %select_n3A_1140, %multiple_of3A : i32
      %get3A = arith.index_cast %sub3A_1141 : i32 to index
      %get3A_1142 = arith.constant 0 : index
      %get3A_1143 = tpu.vector_load %arg8[%get3A, %get3A_1142] {strides = array<i32>} : memref<16x128xf32, #tpu.memory_space<vmem>>, vector<1x16xf32>,
      %get3A_1144 = vector.shape_cast %get3A_1143 : vector<1x16xf32> to vector<16xf32>
      %get3A_1145 = arith.index_cast %sub3A_1141 : i32 to index
      %get3A_1146 = arith.constant 16 : index
      %get3A_1147 = tpu.vector_load %arg8[%get3A_1145, %get3A_1146] {strides = array<i32>} : memref<16x128xf32, #tpu.memory_space<vmem>>, vector<1x16xf32>,
      %get3A_1148 = vector.shape_cast %get3A_1147 : vector<1x16xf32> to vector<16xf32>
      %get3A_1149 = arith.index_cast %sub3A_1141 : i32 to index
      %get3A_1150 = arith.constant 32 : index
      %get3A_1151 = tpu.vector_load %arg8[%get3A_1149, %get3A_1150] {strides = array<i32>} : memref<16x128xf32, #tpu.memory_space<vmem>>, vector<1x16xf32>,
      %get3A_1152 = vector.shape_cast %get3A_1151 : vector<1x16xf32> to vector<16xf32>
      %get3A_1153 = arith.index_cast %sub3A_1141 : i32 to index
      %get3A_1154 = arith.constant 48 : index
      %get3A_1155 = tpu.vector_load %arg8[%get3A_1153, %get3A_1154] {strides = array<i32>} : memref<16x128xf32, #tpu.memory_space<vmem>>, vector<1x16xf32>,
      %get3A_1156 = vector.shape_cast %get3A_1155 : vector<1x16xf32> to vector<16xf32>
      %get3A_1157 = arith.index_cast %sub3A_1141 : i32 to index
      %get3A_1158 = arith.constant 64 : index
      %get3A_1159 = tpu.vector_load %arg8[%get3A_1157, %get3A_1158] {strides = array<i32>} : memref<16x128xf32, #tpu.memory_space<vmem>>, vector<1x16xf32>,
      %get3A_1160 = vector.shape_cast %get3A_1159 : vector<1x16xf32> to vector<16xf32>
      %get3A_1161 = arith.index_cast %sub3A_1141 : i32 to index
      %get3A_1162 = arith.constant 80 : index
      %get3A_1163 = tpu.vector_load %arg8[%get3A_1161, %get3A_1162] {strides = array<i32>} : memref<16x128xf32, #tpu.memory_space<vmem>>, vector<1x16xf32>,
      %get3A_1164 = vector.shape_cast %get3A_1163 : vector<1x16xf32> to vector<16xf32>
      %get3A_1165 = arith.index_cast %sub3A_1141 : i32 to index
      %get3A_1166 = arith.constant 96 : index
      %get3A_1167 = tpu.vector_load %arg8[%get3A_1165, %get3A_1166] {strides = array<i32>} : memref<16x128xf32, #tpu.memory_space<vmem>>, vector<1x16xf32>,
      %get3A_1168 = vector.shape_cast %get3A_1167 : vector<1x16xf32> to vector<16xf32>
      %get3A_1169 = arith.index_cast %sub3A_1141 : i32 to index
      %get3A_1170 = arith.constant 112 : index
      %get3A_1171 = tpu.vector_load %arg8[%get3A_1169, %get3A_1170] {strides = array<i32>} : memref<16x128xf32, #tpu.memory_space<vmem>>, vector<1x16xf32>,
      %get3A_1172 = vector.shape_cast %get3A_1171 : vector<1x16xf32> to vector<16xf32>
      %rem3A_1173 = arith.constant 14 : i32
      %rem3A_1174 = arith.remsi %scan3A_1101, %rem3A_1173 : i32
      %scan3A_1175 = arith.constant 0 : i32
      %scan3A_1176 = arith.constant 0 : i32
      %scan3A_1177 = arith.constant 64 : i32
      %scan3A_1178 = arith.addi %scan3A_1176, %scan3A_1177 : i32
      %scan3A_1179 = arith.constant 8 : i32
      scf.for %scan3A_1256 = %scan3A_1176 to %scan3A_1178 step %scan3A_1179  : i32 {
        %get3A_1257 = arith.index_cast %rem3A_1174 : i32 to index
        %get3A_1258 = arith.index_cast %scan3A_1256 : i32 to index
        %get3A_1259 = arith.constant 0 : index
        %get3A_1260 = tpu.vector_load %arg7[%get3A_1257, %get3A_1258, %get3A_1259] {strides = array<i32>} : memref<14x64x128xf32, #tpu.memory_space<vmem>>, vector<1x1x16xf32>,
        %get3A_1261 = vector.shape_cast %get3A_1260 : vector<1x1x16xf32> to vector<16xf32>
        %add3A_1262 = arith.addf %get3A_1261, %get3A_1144 : vector<16xf32>
        %swap3A = arith.index_cast %rem3A_1174 : i32 to index
        %swap3A_1263 = arith.index_cast %scan3A_1256 : i32 to index
        %swap3A_1264 = arith.constant 0 : index
        %swap3A_1265 = tpu.vector_load %arg7[%swap3A, %swap3A_1263, %swap3A_1264] {strides = array<i32>} : memref<14x64x128xf32, #tpu.memory_space<vmem>>, vector<1x1x16xf32>,
        %swap3A_1266 = vector.shape_cast %swap3A_1265 : vector<1x1x16xf32> to vector<16xf32>
        %swap3A_1267 = vector.shape_cast %add3A_1262 : vector<16xf32> to vector<1x1x16xf32>
        tpu.vector_store %arg7[%swap3A, %swap3A_1263, %swap3A_1264], %swap3A_1267 {strides = array<i32>} : memref<14x64x128xf32, #tpu.memory_space<vmem>>, vector<1x1x16xf32>,
        %get3A_1268 = arith.index_cast %rem3A_1174 : i32 to index
        %get3A_1269 = arith.index_cast %scan3A_1256 : i32 to index
        %get3A_1270 = arith.constant 16 : index
        %get3A_1271 = tpu.vector_load %arg7[%get3A_1268, %get3A_1269, %get3A_1270] {strides = array<i32>} : memref<14x64x128xf32, #tpu.memory_space<vmem>>, vector<1x1x16xf32>,
        %get3A_1272 = vector.shape_cast %get3A_1271 : vector<1x1x16xf32> to vector<16xf32>
        %add3A_1273 = arith.addf %get3A_1272, %get3A_1148 : vector<16xf32>
        %swap3A_1274 = arith.index_cast %rem3A_1174 : i32 to index
        %swap3A_1275 = arith.index_cast %scan3A_1256 : i32 to index
        %swap3A_1276 = arith.constant 16 : index
        %swap3A_1277 = tpu.vector_load %arg7[%swap3A_1274, %swap3A_1275, %swap3A_1276] {strides = array<i32>} : memref<14x64x128xf32, #tpu.memory_space<vmem>>, vector<1x1x16xf32>,
        %swap3A_1278 = vector.shape_cast %swap3A_1277 : vector<1x1x16xf32> to vector<16xf32>
        %swap3A_1279 = vector.shape_cast %add3A_1273 : vector<16xf32> to vector<1x1x16xf32>
        tpu.vector_store %arg7[%swap3A_1274, %swap3A_1275, %swap3A_1276], %swap3A_1279 {strides = array<i32>} : memref<14x64x128xf32, #tpu.memory_space<vmem>>, vector<1x1x16xf32>,
        %get3A_1280 = arith.index_cast %rem3A_1174 : i32 to index
        %get3A_1281 = arith.index_cast %scan3A_1256 : i32 to index
        %get3A_1282 = arith.constant 32 : index
        %get3A_1283 = tpu.vector_load %arg7[%get3A_1280, %get3A_1281, %get3A_1282] {strides = array<i32>} : memref<14x64x128xf32, #tpu.memory_space<vmem>>, vector<1x1x16xf32>,
        %get3A_1284 = vector.shape_cast %get3A_1283 : vector<1x1x16xf32> to vector<16xf32>
        %add3A_1285 = arith.addf %get3A_1284, %get3A_1152 : vector<16xf32>
        %swap3A_1286 = arith.index_cast %rem3A_1174 : i32 to index
        %swap3A_1287 = arith.index_cast %scan3A_1256 : i32 to index
        %swap3A_1288 = arith.constant 32 : index
        %swap3A_1289 = tpu.vector_load %arg7[%swap3A_1286, %swap3A_1287, %swap3A_1288] {strides = array<i32>} : memref<14x64x128xf32, #tpu.memory_space<vmem>>, vector<1x1x16xf32>,
        %swap3A_1290 = vector.shape_cast %swap3A_1289 : vector<1x1x16xf32> to vector<16xf32>
        %swap3A_1291 = vector.shape_cast %add3A_1285 : vector<16xf32> to vector<1x1x16xf32>
        tpu.vector_store %arg7[%swap3A_1286, %swap3A_1287, %swap3A_1288], %swap3A_1291 {strides = array<i32>} : memref<14x64x128xf32, #tpu.memory_space<vmem>>, vector<1x1x16xf32>,
        %get3A_1292 = arith.index_cast %rem3A_1174 : i32 to index
        %get3A_1293 = arith.index_cast %scan3A_1256 : i32 to index
        %get3A_1294 = arith.constant 48 : index
        %get3A_1295 = tpu.vector_load %arg7[%get3A_1292, %get3A_1293, %get3A_1294] {strides = array<i32>} : memref<14x64x128xf32, #tpu.memory_space<vmem>>, vector<1x1x16xf32>,
        %get3A_1296 = vector.shape_cast %get3A_1295 : vector<1x1x16xf32> to vector<16xf32>
        %add3A_1297 = arith.addf %get3A_1296, %get3A_1156 : vector<16xf32>
        %swap3A_1298 = arith.index_cast %rem3A_1174 : i32 to index
        %swap3A_1299 = arith.index_cast %scan3A_1256 : i32 to index
        %swap3A_1300 = arith.constant 48 : index
        %swap3A_1301 = tpu.vector_load %arg7[%swap3A_1298, %swap3A_1299, %swap3A_1300] {strides = array<i32>} : memref<14x64x128xf32, #tpu.memory_space<vmem>>, vector<1x1x16xf32>,
        %swap3A_1302 = vector.shape_cast %swap3A_1301 : vector<1x1x16xf32> to vector<16xf32>
        %swap3A_1303 = vector.shape_cast %add3A_1297 : vector<16xf32> to vector<1x1x16xf32>
        tpu.vector_store %arg7[%swap3A_1298, %swap3A_1299, %swap3A_1300], %swap3A_1303 {strides = array<i32>} : memref<14x64x128xf32, #tpu.memory_space<vmem>>, vector<1x1x16xf32>,
        %get3A_1304 = arith.index_cast %rem3A_1174 : i32 to index
        %get3A_1305 = arith.index_cast %scan3A_1256 : i32 to index
        %get3A_1306 = arith.constant 64 : index
        %get3A_1307 = tpu.vector_load %arg7[%get3A_1304, %get3A_1305, %get3A_1306] {strides = array<i32>} : memref<14x64x128xf32, #tpu.memory_space<vmem>>, vector<1x1x16xf32>,
        %get3A_1308 = vector.shape_cast %get3A_1307 : vector<1x1x16xf32> to vector<16xf32>
        %add3A_1309 = arith.addf %get3A_1308, %get3A_1160 : vector<16xf32>
        %swap3A_1310 = arith.index_cast %rem3A_1174 : i32 to index
        %swap3A_1311 = arith.index_cast %scan3A_1256 : i32 to index
        %swap3A_1312 = arith.constant 64 : index
        %swap3A_1313 = tpu.vector_load %arg7[%swap3A_1310, %swap3A_1311, %swap3A_1312] {strides = array<i32>} : memref<14x64x128xf32, #tpu.memory_space<vmem>>, vector<1x1x16xf32>,
        %swap3A_1314 = vector.shape_cast %swap3A_1313 : vector<1x1x16xf32> to vector<16xf32>
        %swap3A_1315 = vector.shape_cast %add3A_1309 : vector<16xf32> to vector<1x1x16xf32>
        tpu.vector_store %arg7[%swap3A_1310, %swap3A_1311, %swap3A_1312], %swap3A_1315 {strides = array<i32>} : memref<14x64x128xf32, #tpu.memory_space<vmem>>, vector<1x1x16xf32>,
        %get3A_1316 = arith.index_cast %rem3A_1174 : i32 to index
        %get3A_1317 = arith.index_cast %scan3A_1256 : i32 to index
        %get3A_1318 = arith.constant 80 : index
        %get3A_1319 = tpu.vector_load %arg7[%get3A_1316, %get3A_1317, %get3A_1318] {strides = array<i32>} : memref<14x64x128xf32, #tpu.memory_space<vmem>>, vector<1x1x16xf32>,
        %get3A_1320 = vector.shape_cast %get3A_1319 : vector<1x1x16xf32> to vector<16xf32>
        %add3A_1321 = arith.addf %get3A_1320, %get3A_1164 : vector<16xf32>
        %swap3A_1322 = arith.index_cast %rem3A_1174 : i32 to index
        %swap3A_1323 = arith.index_cast %scan3A_1256 : i32 to index
        %swap3A_1324 = arith.constant 80 : index
        %swap3A_1325 = tpu.vector_load %arg7[%swap3A_1322, %swap3A_1323, %swap3A_1324] {strides = array<i32>} : memref<14x64x128xf32, #tpu.memory_space<vmem>>, vector<1x1x16xf32>,
        %swap3A_1326 = vector.shape_cast %swap3A_1325 : vector<1x1x16xf32> to vector<16xf32>
        %swap3A_1327 = vector.shape_cast %add3A_1321 : vector<16xf32> to vector<1x1x16xf32>
        tpu.vector_store %arg7[%swap3A_1322, %swap3A_1323, %swap3A_1324], %swap3A_1327 {strides = array<i32>} : memref<14x64x128xf32, #tpu.memory_space<vmem>>, vector<1x1x16xf32>,
        %get3A_1328 = arith.index_cast %rem3A_1174 : i32 to index
        %get3A_1329 = arith.index_cast %scan3A_1256 : i32 to index
        %get3A_1330 = arith.constant 96 : index
        %get3A_1331 = tpu.vector_load %arg7[%get3A_1328, %get3A_1329, %get3A_1330] {strides = array<i32>} : memref<14x64x128xf32, #tpu.memory_space<vmem>>, vector<1x1x16xf32>,
        %get3A_1332 = vector.shape_cast %get3A_1331 : vector<1x1x16xf32> to vector<16xf32>
        %add3A_1333 = arith.addf %get3A_1332, %get3A_1168 : vector<16xf32>
        %swap3A_1334 = arith.index_cast %rem3A_1174 : i32 to index
        %swap3A_1335 = arith.index_cast %scan3A_1256 : i32 to index
        %swap3A_1336 = arith.constant 96 : index
        %swap3A_1337 = tpu.vector_load %arg7[%swap3A_1334, %swap3A_1335, %swap3A_1336] {strides = array<i32>} : memref<14x64x128xf32, #tpu.memory_space<vmem>>, vector<1x1x16xf32>,
        %swap3A_1338 = vector.shape_cast %swap3A_1337 : vector<1x1x16xf32> to vector<16xf32>
        %swap3A_1339 = vector.shape_cast %add3A_1333 : vector<16xf32> to vector<1x1x16xf32>
        tpu.vector_store %arg7[%swap3A_1334, %swap3A_1335, %swap3A_1336], %swap3A_1339 {strides = array<i32>} : memref<14x64x128xf32, #tpu.memory_space<vmem>>, vector<1x1x16xf32>,
        %get3A_1340 = arith.index_cast %rem3A_1174 : i32 to index
        %get3A_1341 = arith.index_cast %scan3A_1256 : i32 to index
        %get3A_1342 = arith.constant 112 : index
        %get3A_1343 = tpu.vector_load %arg7[%get3A_1340, %get3A_1341, %get3A_1342] {strides = array<i32>} : memref<14x64x128xf32, #tpu.memory_space<vmem>>, vector<1x1x16xf32>,
        %get3A_1344 = vector.shape_cast %get3A_1343 : vector<1x1x16xf32> to vector<16xf32>
        %add3A_1345 = arith.addf %get3A_1344, %get3A_1172 : vector<16xf32>
        %swap3A_1346 = arith.index_cast %rem3A_1174 : i32 to index
        %swap3A_1347 = arith.index_cast %scan3A_1256 : i32 to index
        %swap3A_1348 = arith.constant 112 : index
        %swap3A_1349 = tpu.vector_load %arg7[%swap3A_1346, %swap3A_1347, %swap3A_1348] {strides = array<i32>} : memref<14x64x128xf32, #tpu.memory_space<vmem>>, vector<1x1x16xf32>,
        %swap3A_1350 = vector.shape_cast %swap3A_1349 : vector<1x1x16xf32> to vector<16xf32>
        %swap3A_1351 = vector.shape_cast %add3A_1345 : vector<16xf32> to vector<1x1x16xf32>
        tpu.vector_store %arg7[%swap3A_1346, %swap3A_1347, %swap3A_1348], %swap3A_1351 {strides = array<i32>} : memref<14x64x128xf32, #tpu.memory_space<vmem>>, vector<1x1x16xf32>,
        %scan3A_1352 = arith.constant 1 : i32
        %scan3A_1353 = arith.addi %scan3A_1256, %scan3A_1352 : i32
        %get3A_1354 = arith.index_cast %rem3A_1174 : i32 to index
        %get3A_1355 = arith.index_cast %scan3A_1353 : i32 to index
        %get3A_1356 = arith.constant 0 : index
        %get3A_1357 = tpu.vector_load %arg7[%get3A_1354, %get3A_1355, %get3A_1356] {strides = array<i32>} : memref<14x64x128xf32, #tpu.memory_space<vmem>>, vector<1x1x16xf32>,
        %get3A_1358 = vector.shape_cast %get3A_1357 : vector<1x1x16xf32> to vector<16xf32>
        %add3A_1359 = arith.addf %get3A_1358, %get3A_1144 : vector<16xf32>
        %swap3A_1360 = arith.index_cast %rem3A_1174 : i32 to index
        %swap3A_1361 = arith.index_cast %scan3A_1353 : i32 to index
        %swap3A_1362 = arith.constant 0 : index
        %swap3A_1363 = tpu.vector_load %arg7[%swap3A_1360, %swap3A_1361, %swap3A_1362] {strides = array<i32>} : memref<14x64x128xf32, #tpu.memory_space<vmem>>, vector<1x1x16xf32>,
        %swap3A_1364 = vector.shape_cast %swap3A_1363 : vector<1x1x16xf32> to vector<16xf32>
        %swap3A_1365 = vector.shape_cast %add3A_1359 : vector<16xf32> to vector<1x1x16xf32>
        tpu.vector_store %arg7[%swap3A_1360, %swap3A_1361, %swap3A_1362], %swap3A_1365 {strides = array<i32>} : memref<14x64x128xf32, #tpu.memory_space<vmem>>, vector<1x1x16xf32>,
        %get3A_1366 = arith.index_cast %rem3A_1174 : i32 to index
        %get3A_1367 = arith.index_cast %scan3A_1353 : i32 to index
        %get3A_1368 = arith.constant 16 : index
        %get3A_1369 = tpu.vector_load %arg7[%get3A_1366, %get3A_1367, %get3A_1368] {strides = array<i32>} : memref<14x64x128xf32, #tpu.memory_space<vmem>>, vector<1x1x16xf32>,
        %get3A_1370 = vector.shape_cast %get3A_1369 : vector<1x1x16xf32> to vector<16xf32>
        %add3A_1371 = arith.addf %get3A_1370, %get3A_1148 : vector<16xf32>
        %swap3A_1372 = arith.index_cast %rem3A_1174 : i32 to index
        %swap3A_1373 = arith.index_cast %scan3A_1353 : i32 to index
        %swap3A_1374 = arith.constant 16 : index
        %swap3A_1375 = tpu.vector_load %arg7[%swap3A_1372, %swap3A_1373, %swap3A_1374] {strides = array<i32>} : memref<14x64x128xf32, #tpu.memory_space<vmem>>, vector<1x1x16xf32>,
        %swap3A_1376 = vector.shape_cast %swap3A_1375 : vector<1x1x16xf32> to vector<16xf32>
        %swap3A_1377 = vector.shape_cast %add3A_1371 : vector<16xf32> to vector<1x1x16xf32>
        tpu.vector_store %arg7[%swap3A_1372, %swap3A_1373, %swap3A_1374], %swap3A_1377 {strides = array<i32>} : memref<14x64x128xf32, #tpu.memory_space<vmem>>, vector<1x1x16xf32>,
        %get3A_1378 = arith.index_cast %rem3A_1174 : i32 to index
        %get3A_1379 = arith.index_cast %scan3A_1353 : i32 to index
        %get3A_1380 = arith.constant 32 : index
        %get3A_1381 = tpu.vector_load %arg7[%get3A_1378, %get3A_1379, %get3A_1380] {strides = array<i32>} : memref<14x64x128xf32, #tpu.memory_space<vmem>>, vector<1x1x16xf32>,
        %get3A_1382 = vector.shape_cast %get3A_1381 : vector<1x1x16xf32> to vector<16xf32>
        %add3A_1383 = arith.addf %get3A_1382, %get3A_1152 : vector<16xf32>
        %swap3A_1384 = arith.index_cast %rem3A_1174 : i32 to index
        %swap3A_1385 = arith.index_cast %scan3A_1353 : i32 to index
        %swap3A_1386 = arith.constant 32 : index
        %swap3A_1387 = tpu.vector_load %arg7[%swap3A_1384, %swap3A_1385, %swap3A_1386] {strides = array<i32>} : memref<14x64x128xf32, #tpu.memory_space<vmem>>, vector<1x1x16xf32>,
        %swap3A_1388 = vector.shape_cast %swap3A_1387 : vector<1x1x16xf32> to vector<16xf32>
        %swap3A_1389 = vector.shape_cast %add3A_1383 : vector<16xf32> to vector<1x1x16xf32>
        tpu.vector_store %arg7[%swap3A_1384, %swap3A_1385, %swap3A_1386], %swap3A_1389 {strides = array<i32>} : memref<14x64x128xf32, #tpu.memory_space<vmem>>, vector<1x1x16xf32>,
        %get3A_1390 = arith.index_cast %rem3A_1174 : i32 to index
        %get3A_1391 = arith.index_cast %scan3A_1353 : i32 to index
        %get3A_1392 = arith.constant 48 : index
        %get3A_1393 = tpu.vector_load %arg7[%get3A_1390, %get3A_1391, %get3A_1392] {strides = array<i32>} : memref<14x64x128xf32, #tpu.memory_space<vmem>>, vector<1x1x16xf32>,
        %get3A_1394 = vector.shape_cast %get3A_1393 : vector<1x1x16xf32> to vector<16xf32>
        %add3A_1395 = arith.addf %get3A_1394, %get3A_1156 : vector<16xf32>
        %swap3A_1396 = arith.index_cast %rem3A_1174 : i32 to index
        %swap3A_1397 = arith.index_cast %scan3A_1353 : i32 to index
        %swap3A_1398 = arith.constant 48 : index
        %swap3A_1399 = tpu.vector_load %arg7[%swap3A_1396, %swap3A_1397, %swap3A_1398] {strides = array<i32>} : memref<14x64x128xf32, #tpu.memory_space<vmem>>, vector<1x1x16xf32>,
        %swap3A_1400 = vector.shape_cast %swap3A_1399 : vector<1x1x16xf32> to vector<16xf32>
        %swap3A_1401 = vector.shape_cast %add3A_1395 : vector<16xf32> to vector<1x1x16xf32>
        tpu.vector_store %arg7[%swap3A_1396, %swap3A_1397, %swap3A_1398], %swap3A_1401 {strides = array<i32>} : memref<14x64x128xf32, #tpu.memory_space<vmem>>, vector<1x1x16xf32>,
        %get3A_1402 = arith.index_cast %rem3A_1174 : i32 to index
        %get3A_1403 = arith.index_cast %scan3A_1353 : i32 to index
        %get3A_1404 = arith.constant 64 : index
        %get3A_1405 = tpu.vector_load %arg7[%get3A_1402, %get3A_1403, %get3A_1404] {strides = array<i32>} : memref<14x64x128xf32, #tpu.memory_space<vmem>>, vector<1x1x16xf32>,
        %get3A_1406 = vector.shape_cast %get3A_1405 : vector<1x1x16xf32> to vector<16xf32>
        %add3A_1407 = arith.addf %get3A_1406, %get3A_1160 : vector<16xf32>
        %swap3A_1408 = arith.index_cast %rem3A_1174 : i32 to index
        %swap3A_1409 = arith.index_cast %scan3A_1353 : i32 to index
        %swap3A_1410 = arith.constant 64 : index
        %swap3A_1411 = tpu.vector_load %arg7[%swap3A_1408, %swap3A_1409, %swap3A_1410] {strides = array<i32>} : memref<14x64x128xf32, #tpu.memory_space<vmem>>, vector<1x1x16xf32>,
        %swap3A_1412 = vector.shape_cast %swap3A_1411 : vector<1x1x16xf32> to vector<16xf32>
        %swap3A_1413 = vector.shape_cast %add3A_1407 : vector<16xf32> to vector<1x1x16xf32>
        tpu.vector_store %arg7[%swap3A_1408, %swap3A_1409, %swap3A_1410], %swap3A_1413 {strides = array<i32>} : memref<14x64x128xf32, #tpu.memory_space<vmem>>, vector<1x1x16xf32>,
        %get3A_1414 = arith.index_cast %rem3A_1174 : i32 to index
        %get3A_1415 = arith.index_cast %scan3A_1353 : i32 to index
        %get3A_1416 = arith.constant 80 : index
        %get3A_1417 = tpu.vector_load %arg7[%get3A_1414, %get3A_1415, %get3A_1416] {strides = array<i32>} : memref<14x64x128xf32, #tpu.memory_space<vmem>>, vector<1x1x16xf32>,
        %get3A_1418 = vector.shape_cast %get3A_1417 : vector<1x1x16xf32> to vector<16xf32>
        %add3A_1419 = arith.addf %get3A_1418, %get3A_1164 : vector<16xf32>
        %swap3A_1420 = arith.index_cast %rem3A_1174 : i32 to index
        %swap3A_1421 = arith.index_cast %scan3A_1353 : i32 to index
        %swap3A_1422 = arith.constant 80 : index
        %swap3A_1423 = tpu.vector_load %arg7[%swap3A_1420, %swap3A_1421, %swap3A_1422] {strides = array<i32>} : memref<14x64x128xf32, #tpu.memory_space<vmem>>, vector<1x1x16xf32>,
        %swap3A_1424 = vector.shape_cast %swap3A_1423 : vector<1x1x16xf32> to vector<16xf32>
        %swap3A_1425 = vector.shape_cast %add3A_1419 : vector<16xf32> to vector<1x1x16xf32>
        tpu.vector_store %arg7[%swap3A_1420, %swap3A_1421, %swap3A_1422], %swap3A_1425 {strides = array<i32>} : memref<14x64x128xf32, #tpu.memory_space<vmem>>, vector<1x1x16xf32>,
        %get3A_1426 = arith.index_cast %rem3A_1174 : i32 to index
        %get3A_1427 = arith.index_cast %scan3A_1353 : i32 to index
        %get3A_1428 = arith.constant 96 : index
        %get3A_1429 = tpu.vector_load %arg7[%get3A_1426, %get3A_1427, %get3A_1428] {strides = array<i32>} : memref<14x64x128xf32, #tpu.memory_space<vmem>>, vector<1x1x16xf32>,
        %get3A_1430 = vector.shape_cast %get3A_1429 : vector<1x1x16xf32> to vector<16xf32>
        %add3A_1431 = arith.addf %get3A_1430, %get3A_1168 : vector<16xf32>
        %swap3A_1432 = arith.index_cast %rem3A_1174 : i32 to index
        %swap3A_1433 = arith.index_cast %scan3A_1353 : i32 to index
        %swap3A_1434 = arith.constant 96 : index
        %swap3A_1435 = tpu.vector_load %arg7[%swap3A_1432, %swap3A_1433, %swap3A_1434] {strides = array<i32>} : memref<14x64x128xf32, #tpu.memory_space<vmem>>, vector<1x1x16xf32>,
        %swap3A_1436 = vector.shape_cast %swap3A_1435 : vector<1x1x16xf32> to vector<16xf32>
        %swap3A_1437 = vector.shape_cast %add3A_1431 : vector<16xf32> to vector<1x1x16xf32>
        tpu.vector_store %arg7[%swap3A_1432, %swap3A_1433, %swap3A_1434], %swap3A_1437 {strides = array<i32>} : memref<14x64x128xf32, #tpu.memory_space<vmem>>, vector<1x1x16xf32>,
        %get3A_1438 = arith.index_cast %rem3A_1174 : i32 to index
        %get3A_1439 = arith.index_cast %scan3A_1353 : i32 to index
        %get3A_1440 = arith.constant 112 : index
        %get3A_1441 = tpu.vector_load %arg7[%get3A_1438, %get3A_1439, %get3A_1440] {strides = array<i32>} : memref<14x64x128xf32, #tpu.memory_space<vmem>>, vector<1x1x16xf32>,
        %get3A_1442 = vector.shape_cast %get3A_1441 : vector<1x1x16xf32> to vector<16xf32>
        %add3A_1443 = arith.addf %get3A_1442, %get3A_1172 : vector<16xf32>
        %swap3A_1444 = arith.index_cast %rem3A_1174 : i32 to index
        %swap3A_1445 = arith.index_cast %scan3A_1353 : i32 to index
        %swap3A_1446 = arith.constant 112 : index
        %swap3A_1447 = tpu.vector_load %arg7[%swap3A_1444, %swap3A_1445, %swap3A_1446] {strides = array<i32>} : memref<14x64x128xf32, #tpu.memory_space<vmem>>, vector<1x1x16xf32>,
        %swap3A_1448 = vector.shape_cast %swap3A_1447 : vector<1x1x16xf32> to vector<16xf32>
        %swap3A_1449 = vector.shape_cast %add3A_1443 : vector<16xf32> to vector<1x1x16xf32>
        tpu.vector_store %arg7[%swap3A_1444, %swap3A_1445, %swap3A_1446], %swap3A_1449 {strides = array<i32>} : memref<14x64x128xf32, #tpu.memory_space<vmem>>, vector<1x1x16xf32>,
        %scan3A_1450 = arith.constant 2 : i32
        %scan3A_1451 = arith.addi %scan3A_1256, %scan3A_1450 : i32
        %get3A_1452 = arith.index_cast %rem3A_1174 : i32 to index
        %get3A_1453 = arith.index_cast %scan3A_1451 : i32 to index
        %get3A_1454 = arith.constant 0 : index
        %get3A_1455 = tpu.vector_load %arg7[%get3A_1452, %get3A_1453, %get3A_1454] {strides = array<i32>} : memref<14x64x128xf32, #tpu.memory_space<vmem>>, vector<1x1x16xf32>,
        %get3A_1456 = vector.shape_cast %get3A_1455 : vector<1x1x16xf32> to vector<16xf32>
        %add3A_1457 = arith.addf %get3A_1456, %get3A_1144 : vector<16xf32>
        %swap3A_1458 = arith.index_cast %rem3A_1174 : i32 to index
        %swap3A_1459 = arith.index_cast %scan3A_1451 : i32 to index
        %swap3A_1460 = arith.constant 0 : index
        %swap3A_1461 = tpu.vector_load %arg7[%swap3A_1458, %swap3A_1459, %swap3A_1460] {strides = array<i32>} : memref<14x64x128xf32, #tpu.memory_space<vmem>>, vector<1x1x16xf32>,
        %swap3A_1462 = vector.shape_cast %swap3A_1461 : vector<1x1x16xf32> to vector<16xf32>
        %swap3A_1463 = vector.shape_cast %add3A_1457 : vector<16xf32> to vector<1x1x16xf32>
        tpu.vector_store %arg7[%swap3A_1458, %swap3A_1459, %swap3A_1460], %swap3A_1463 {strides = array<i32>} : memref<14x64x128xf32, #tpu.memory_space<vmem>>, vector<1x1x16xf32>,
        %get3A_1464 = arith.index_cast %rem3A_1174 : i32 to index
        %get3A_1465 = arith.index_cast %scan3A_1451 : i32 to index
        %get3A_1466 = arith.constant 16 : index
        %get3A_1467 = tpu.vector_load %arg7[%get3A_1464, %get3A_1465, %get3A_1466] {strides = array<i32>} : memref<14x64x128xf32, #tpu.memory_space<vmem>>, vector<1x1x16xf32>,
        %get3A_1468 = vector.shape_cast %get3A_1467 : vector<1x1x16xf32> to vector<16xf32>
        %add3A_1469 = arith.addf %get3A_1468, %get3A_1148 : vector<16xf32>
        %swap3A_1470 = arith.index_cast %rem3A_1174 : i32 to index
        %swap3A_1471 = arith.index_cast %scan3A_1451 : i32 to index
        %swap3A_1472 = arith.constant 16 : index
        %swap3A_1473 = tpu.vector_load %arg7[%swap3A_1470, %swap3A_1471, %swap3A_1472] {strides = array<i32>} : memref<14x64x128xf32, #tpu.memory_space<vmem>>, vector<1x1x16xf32>,
        %swap3A_1474 = vector.shape_cast %swap3A_1473 : vector<1x1x16xf32> to vector<16xf32>
        %swap3A_1475 = vector.shape_cast %add3A_1469 : vector<16xf32> to vector<1x1x16xf32>
        tpu.vector_store %arg7[%swap3A_1470, %swap3A_1471, %swap3A_1472], %swap3A_1475 {strides = array<i32>} : memref<14x64x128xf32, #tpu.memory_space<vmem>>, vector<1x1x16xf32>,
        %get3A_1476 = arith.index_cast %rem3A_1174 : i32 to index
        %get3A_1477 = arith.index_cast %scan3A_1451 : i32 to index
        %get3A_1478 = arith.constant 32 : index
        %get3A_1479 = tpu.vector_load %arg7[%get3A_1476, %get3A_1477, %get3A_1478] {strides = array<i32>} : memref<14x64x128xf32, #tpu.memory_space<vmem>>, vector<1x1x16xf32>,
        %get3A_1480 = vector.shape_cast %get3A_1479 : vector<1x1x16xf32> to vector<16xf32>
        %add3A_1481 = arith.addf %get3A_1480, %get3A_1152 : vector<16xf32>
        %swap3A_1482 = arith.index_cast %rem3A_1174 : i32 to index
        %swap3A_1483 = arith.index_cast %scan3A_1451 : i32 to index
        %swap3A_1484 = arith.constant 32 : index
        %swap3A_1485 = tpu.vector_load %arg7[%swap3A_1482, %swap3A_1483, %swap3A_1484] {strides = array<i32>} : memref<14x64x128xf32, #tpu.memory_space<vmem>>, vector<1x1x16xf32>,
        %swap3A_1486 = vector.shape_cast %swap3A_1485 : vector<1x1x16xf32> to vector<16xf32>
        %swap3A_1487 = vector.shape_cast %add3A_1481 : vector<16xf32> to vector<1x1x16xf32>
        tpu.vector_store %arg7[%swap3A_1482, %swap3A_1483, %swap3A_1484], %swap3A_1487 {strides = array<i32>} : memref<14x64x128xf32, #tpu.memory_space<vmem>>, vector<1x1x16xf32>,
        %get3A_1488 = arith.index_cast %rem3A_1174 : i32 to index
        %get3A_1489 = arith.index_cast %scan3A_1451 : i32 to index
        %get3A_1490 = arith.constant 48 : index
        %get3A_1491 = tpu.vector_load %arg7[%get3A_1488, %get3A_1489, %get3A_1490] {strides = array<i32>} : memref<14x64x128xf32, #tpu.memory_space<vmem>>, vector<1x1x16xf32>,
        %get3A_1492 = vector.shape_cast %get3A_1491 : vector<1x1x16xf32> to vector<16xf32>
        %add3A_1493 = arith.addf %get3A_1492, %get3A_1156 : vector<16xf32>
        %swap3A_1494 = arith.index_cast %rem3A_1174 : i32 to index
        %swap3A_1495 = arith.index_cast %scan3A_1451 : i32 to index
        %swap3A_1496 = arith.constant 48 : index
        %swap3A_1497 = tpu.vector_load %arg7[%swap3A_1494, %swap3A_1495, %swap3A_1496] {strides = array<i32>} : memref<14x64x128xf32, #tpu.memory_space<vmem>>, vector<1x1x16xf32>,
        %swap3A_1498 = vector.shape_cast %swap3A_1497 : vector<1x1x16xf32> to vector<16xf32>
        %swap3A_1499 = vector.shape_cast %add3A_1493 : vector<16xf32> to vector<1x1x16xf32>
        tpu.vector_store %arg7[%swap3A_1494, %swap3A_1495, %swap3A_1496], %swap3A_1499 {strides = array<i32>} : memref<14x64x128xf32, #tpu.memory_space<vmem>>, vector<1x1x16xf32>,
        %get3A_1500 = arith.index_cast %rem3A_1174 : i32 to index
        %get3A_1501 = arith.index_cast %scan3A_1451 : i32 to index
        %get3A_1502 = arith.constant 64 : index
        %get3A_1503 = tpu.vector_load %arg7[%get3A_1500, %get3A_1501, %get3A_1502] {strides = array<i32>} : memref<14x64x128xf32, #tpu.memory_space<vmem>>, vector<1x1x16xf32>,
        %get3A_1504 = vector.shape_cast %get3A_1503 : vector<1x1x16xf32> to vector<16xf32>
        %add3A_1505 = arith.addf %get3A_1504, %get3A_1160 : vector<16xf32>
        %swap3A_1506 = arith.index_cast %rem3A_1174 : i32 to index
        %swap3A_1507 = arith.index_cast %scan3A_1451 : i32 to index
        %swap3A_1508 = arith.constant 64 : index
        %swap3A_1509 = tpu.vector_load %arg7[%swap3A_1506, %swap3A_1507, %swap3A_1508] {strides = array<i32>} : memref<14x64x128xf32, #tpu.memory_space<vmem>>, vector<1x1x16xf32>,
        %swap3A_1510 = vector.shape_cast %swap3A_1509 : vector<1x1x16xf32> to vector<16xf32>
        %swap3A_1511 = vector.shape_cast %add3A_1505 : vector<16xf32> to vector<1x1x16xf32>
        tpu.vector_store %arg7[%swap3A_1506, %swap3A_1507, %swap3A_1508], %swap3A_1511 {strides = array<i32>} : memref<14x64x128xf32, #tpu.memory_space<vmem>>, vector<1x1x16xf32>,
        %get3A_1512 = arith.index_cast %rem3A_1174 : i32 to index
        %get3A_1513 = arith.index_cast %scan3A_1451 : i32 to index
        %get3A_1514 = arith.constant 80 : index
        %get3A_1515 = tpu.vector_load %arg7[%get3A_1512, %get3A_1513, %get3A_1514] {strides = array<i32>} : memref<14x64x128xf32, #tpu.memory_space<vmem>>, vector<1x1x16xf32>,
        %get3A_1516 = vector.shape_cast %get3A_1515 : vector<1x1x16xf32> to vector<16xf32>
        %add3A_1517 = arith.addf %get3A_1516, %get3A_1164 : vector<16xf32>
        %swap3A_1518 = arith.index_cast %rem3A_1174 : i32 to index
        %swap3A_1519 = arith.index_cast %scan3A_1451 : i32 to index
        %swap3A_1520 = arith.constant 80 : index
        %swap3A_1521 = tpu.vector_load %arg7[%swap3A_1518, %swap3A_1519, %swap3A_1520] {strides = array<i32>} : memref<14x64x128xf32, #tpu.memory_space<vmem>>, vector<1x1x16xf32>,
        %swap3A_1522 = vector.shape_cast %swap3A_1521 : vector<1x1x16xf32> to vector<16xf32>
        %swap3A_1523 = vector.shape_cast %add3A_1517 : vector<16xf32> to vector<1x1x16xf32>
        tpu.vector_store %arg7[%swap3A_1518, %swap3A_1519, %swap3A_1520], %swap3A_1523 {strides = array<i32>} : memref<14x64x128xf32, #tpu.memory_space<vmem>>, vector<1x1x16xf32>,
        %get3A_1524 = arith.index_cast %rem3A_1174 : i32 to index
        %get3A_1525 = arith.index_cast %scan3A_1451 : i32 to index
        %get3A_1526 = arith.constant 96 : index
        %get3A_1527 = tpu.vector_load %arg7[%get3A_1524, %get3A_1525, %get3A_1526] {strides = array<i32>} : memref<14x64x128xf32, #tpu.memory_space<vmem>>, vector<1x1x16xf32>,
        %get3A_1528 = vector.shape_cast %get3A_1527 : vector<1x1x16xf32> to vector<16xf32>
        %add3A_1529 = arith.addf %get3A_1528, %get3A_1168 : vector<16xf32>
        %swap3A_1530 = arith.index_cast %rem3A_1174 : i32 to index
        %swap3A_1531 = arith.index_cast %scan3A_1451 : i32 to index
        %swap3A_1532 = arith.constant 96 : index
        %swap3A_1533 = tpu.vector_load %arg7[%swap3A_1530, %swap3A_1531, %swap3A_1532] {strides = array<i32>} : memref<14x64x128xf32, #tpu.memory_space<vmem>>, vector<1x1x16xf32>,
        %swap3A_1534 = vector.shape_cast %swap3A_1533 : vector<1x1x16xf32> to vector<16xf32>
        %swap3A_1535 = vector.shape_cast %add3A_1529 : vector<16xf32> to vector<1x1x16xf32>
        tpu.vector_store %arg7[%swap3A_1530, %swap3A_1531, %swap3A_1532], %swap3A_1535 {strides = array<i32>} : memref<14x64x128xf32, #tpu.memory_space<vmem>>, vector<1x1x16xf32>,
        %get3A_1536 = arith.index_cast %rem3A_1174 : i32 to index
        %get3A_1537 = arith.index_cast %scan3A_1451 : i32 to index
        %get3A_1538 = arith.constant 112 : index
        %get3A_1539 = tpu.vector_load %arg7[%get3A_1536, %get3A_1537, %get3A_1538] {strides = array<i32>} : memref<14x64x128xf32, #tpu.memory_space<vmem>>, vector<1x1x16xf32>,
        %get3A_1540 = vector.shape_cast %get3A_1539 : vector<1x1x16xf32> to vector<16xf32>
        %add3A_1541 = arith.addf %get3A_1540, %get3A_1172 : vector<16xf32>
        %swap3A_1542 = arith.index_cast %rem3A_1174 : i32 to index
        %swap3A_1543 = arith.index_cast %scan3A_1451 : i32 to index
        %swap3A_1544 = arith.constant 112 : index
        %swap3A_1545 = tpu.vector_load %arg7[%swap3A_1542, %swap3A_1543, %swap3A_1544] {strides = array<i32>} : memref<14x64x128xf32, #tpu.memory_space<vmem>>, vector<1x1x16xf32>,
        %swap3A_1546 = vector.shape_cast %swap3A_1545 : vector<1x1x16xf32> to vector<16xf32>
        %swap3A_1547 = vector.shape_cast %add3A_1541 : vector<16xf32> to vector<1x1x16xf32>
        tpu.vector_store %arg7[%swap3A_1542, %swap3A_1543, %swap3A_1544], %swap3A_1547 {strides = array<i32>} : memref<14x64x128xf32, #tpu.memory_space<vmem>>, vector<1x1x16xf32>,
        %scan3A_1548 = arith.constant 3 : i32
        %scan3A_1549 = arith.addi %scan3A_1256, %scan3A_1548 : i32
        %get3A_1550 = arith.index_cast %rem3A_1174 : i32 to index
        %get3A_1551 = arith.index_cast %scan3A_1549 : i32 to index
        %get3A_1552 = arith.constant 0 : index
        %get3A_1553 = tpu.vector_load %arg7[%get3A_1550, %get3A_1551, %get3A_1552] {strides = array<i32>} : memref<14x64x128xf32, #tpu.memory_space<vmem>>, vector<1x1x16xf32>,
        %get3A_1554 = vector.shape_cast %get3A_1553 : vector<1x1x16xf32> to vector<16xf32>
        %add3A_1555 = arith.addf %get3A_1554, %get3A_1144 : vector<16xf32>
        %swap3A_1556 = arith.index_cast %rem3A_1174 : i32 to index
        %swap3A_1557 = arith.index_cast %scan3A_1549 : i32 to index
        %swap3A_1558 = arith.constant 0 : index
        %swap3A_1559 = tpu.vector_load %arg7[%swap3A_1556, %swap3A_1557, %swap3A_1558] {strides = array<i32>} : memref<14x64x128xf32, #tpu.memory_space<vmem>>, vector<1x1x16xf32>,
        %swap3A_1560 = vector.shape_cast %swap3A_1559 : vector<1x1x16xf32> to vector<16xf32>
        %swap3A_1561 = vector.shape_cast %add3A_1555 : vector<16xf32> to vector<1x1x16xf32>
        tpu.vector_store %arg7[%swap3A_1556, %swap3A_1557, %swap3A_1558], %swap3A_1561 {strides = array<i32>} : memref<14x64x128xf32, #tpu.memory_space<vmem>>, vector<1x1x16xf32>,
        %get3A_1562 = arith.index_cast %rem3A_1174 : i32 to index
        %get3A_1563 = arith.index_cast %scan3A_1549 : i32 to index
        %get3A_1564 = arith.constant 16 : index
        %get3A_1565 = tpu.vector_load %arg7[%get3A_1562, %get3A_1563, %get3A_1564] {strides = array<i32>} : memref<14x64x128xf32, #tpu.memory_space<vmem>>, vector<1x1x16xf32>,
        %get3A_1566 = vector.shape_cast %get3A_1565 : vector<1x1x16xf32> to vector<16xf32>
        %add3A_1567 = arith.addf %get3A_1566, %get3A_1148 : vector<16xf32>
        %swap3A_1568 = arith.index_cast %rem3A_1174 : i32 to index
        %swap3A_1569 = arith.index_cast %scan3A_1549 : i32 to index
        %swap3A_1570 = arith.constant 16 : index
        %swap3A_1571 = tpu.vector_load %arg7[%swap3A_1568, %swap3A_1569, %swap3A_1570] {strides = array<i32>} : memref<14x64x128xf32, #tpu.memory_space<vmem>>, vector<1x1x16xf32>,
        %swap3A_1572 = vector.shape_cast %swap3A_1571 : vector<1x1x16xf32> to vector<16xf32>
        %swap3A_1573 = vector.shape_cast %add3A_1567 : vector<16xf32> to vector<1x1x16xf32>
        tpu.vector_store %arg7[%swap3A_1568, %swap3A_1569, %swap3A_1570], %swap3A_1573 {strides = array<i32>} : memref<14x64x128xf32, #tpu.memory_space<vmem>>, vector<1x1x16xf32>,
        %get3A_1574 = arith.index_cast %rem3A_1174 : i32 to index
        %get3A_1575 = arith.index_cast %scan3A_1549 : i32 to index
        %get3A_1576 = arith.constant 32 : index
        %get3A_1577 = tpu.vector_load %arg7[%get3A_1574, %get3A_1575, %get3A_1576] {strides = array<i32>} : memref<14x64x128xf32, #tpu.memory_space<vmem>>, vector<1x1x16xf32>,
        %get3A_1578 = vector.shape_cast %get3A_1577 : vector<1x1x16xf32> to vector<16xf32>
        %add3A_1579 = arith.addf %get3A_1578, %get3A_1152 : vector<16xf32>
        %swap3A_1580 = arith.index_cast %rem3A_1174 : i32 to index
        %swap3A_1581 = arith.index_cast %scan3A_1549 : i32 to index
        %swap3A_1582 = arith.constant 32 : index
        %swap3A_1583 = tpu.vector_load %arg7[%swap3A_1580, %swap3A_1581, %swap3A_1582] {strides = array<i32>} : memref<14x64x128xf32, #tpu.memory_space<vmem>>, vector<1x1x16xf32>,
        %swap3A_1584 = vector.shape_cast %swap3A_1583 : vector<1x1x16xf32> to vector<16xf32>
        %swap3A_1585 = vector.shape_cast %add3A_1579 : vector<16xf32> to vector<1x1x16xf32>
        tpu.vector_store %arg7[%swap3A_1580, %swap3A_1581, %swap3A_1582], %swap3A_1585 {strides = array<i32>} : memref<14x64x128xf32, #tpu.memory_space<vmem>>, vector<1x1x16xf32>,
        %get3A_1586 = arith.index_cast %rem3A_1174 : i32 to index
        %get3A_1587 = arith.index_cast %scan3A_1549 : i32 to index
        %get3A_1588 = arith.constant 48 : index
        %get3A_1589 = tpu.vector_load %arg7[%get3A_1586, %get3A_1587, %get3A_1588] {strides = array<i32>} : memref<14x64x128xf32, #tpu.memory_space<vmem>>, vector<1x1x16xf32>,
        %get3A_1590 = vector.shape_cast %get3A_1589 : vector<1x1x16xf32> to vector<16xf32>
        %add3A_1591 = arith.addf %get3A_1590, %get3A_1156 : vector<16xf32>
        %swap3A_1592 = arith.index_cast %rem3A_1174 : i32 to index
        %swap3A_1593 = arith.index_cast %scan3A_1549 : i32 to index
        %swap3A_1594 = arith.constant 48 : index
        %swap3A_1595 = tpu.vector_load %arg7[%swap3A_1592, %swap3A_1593, %swap3A_1594] {strides = array<i32>} : memref<14x64x128xf32, #tpu.memory_space<vmem>>, vector<1x1x16xf32>,
        %swap3A_1596 = vector.shape_cast %swap3A_1595 : vector<1x1x16xf32> to vector<16xf32>
        %swap3A_1597 = vector.shape_cast %add3A_1591 : vector<16xf32> to vector<1x1x16xf32>
        tpu.vector_store %arg7[%swap3A_1592, %swap3A_1593, %swap3A_1594], %swap3A_1597 {strides = array<i32>} : memref<14x64x128xf32, #tpu.memory_space<vmem>>, vector<1x1x16xf32>,
        %get3A_1598 = arith.index_cast %rem3A_1174 : i32 to index
        %get3A_1599 = arith.index_cast %scan3A_1549 : i32 to index
        %get3A_1600 = arith.constant 64 : index
        %get3A_1601 = tpu.vector_load %arg7[%get3A_1598, %get3A_1599, %get3A_1600] {strides = array<i32>} : memref<14x64x128xf32, #tpu.memory_space<vmem>>, vector<1x1x16xf32>,
        %get3A_1602 = vector.shape_cast %get3A_1601 : vector<1x1x16xf32> to vector<16xf32>
        %add3A_1603 = arith.addf %get3A_1602, %get3A_1160 : vector<16xf32>
        %swap3A_1604 = arith.index_cast %rem3A_1174 : i32 to index
        %swap3A_1605 = arith.index_cast %scan3A_1549 : i32 to index
        %swap3A_1606 = arith.constant 64 : index
        %swap3A_1607 = tpu.vector_load %arg7[%swap3A_1604, %swap3A_1605, %swap3A_1606] {strides = array<i32>} : memref<14x64x128xf32, #tpu.memory_space<vmem>>, vector<1x1x16xf32>,
        %swap3A_1608 = vector.shape_cast %swap3A_1607 : vector<1x1x16xf32> to vector<16xf32>
        %swap3A_1609 = vector.shape_cast %add3A_1603 : vector<16xf32> to vector<1x1x16xf32>
        tpu.vector_store %arg7[%swap3A_1604, %swap3A_1605, %swap3A_1606], %swap3A_1609 {strides = array<i32>} : memref<14x64x128xf32, #tpu.memory_space<vmem>>, vector<1x1x16xf32>,
        %get3A_1610 = arith.index_cast %rem3A_1174 : i32 to index
        %get3A_1611 = arith.index_cast %scan3A_1549 : i32 to index
        %get3A_1612 = arith.constant 80 : index
        %get3A_1613 = tpu.vector_load %arg7[%get3A_1610, %get3A_1611, %get3A_1612] {strides = array<i32>} : memref<14x64x128xf32, #tpu.memory_space<vmem>>, vector<1x1x16xf32>,
        %get3A_1614 = vector.shape_cast %get3A_1613 : vector<1x1x16xf32> to vector<16xf32>
        %add3A_1615 = arith.addf %get3A_1614, %get3A_1164 : vector<16xf32>
        %swap3A_1616 = arith.index_cast %rem3A_1174 : i32 to index
        %swap3A_1617 = arith.index_cast %scan3A_1549 : i32 to index
        %swap3A_1618 = arith.constant 80 : index
        %swap3A_1619 = tpu.vector_load %arg7[%swap3A_1616, %swap3A_1617, %swap3A_1618] {strides = array<i32>} : memref<14x64x128xf32, #tpu.memory_space<vmem>>, vector<1x1x16xf32>,
        %swap3A_1620 = vector.shape_cast %swap3A_1619 : vector<1x1x16xf32> to vector<16xf32>
        %swap3A_1621 = vector.shape_cast %add3A_1615 : vector<16xf32> to vector<1x1x16xf32>
        tpu.vector_store %arg7[%swap3A_1616, %swap3A_1617, %swap3A_1618], %swap3A_1621 {strides = array<i32>} : memref<14x64x128xf32, #tpu.memory_space<vmem>>, vector<1x1x16xf32>,
        %get3A_1622 = arith.index_cast %rem3A_1174 : i32 to index
        %get3A_1623 = arith.index_cast %scan3A_1549 : i32 to index
        %get3A_1624 = arith.constant 96 : index
        %get3A_1625 = tpu.vector_load %arg7[%get3A_1622, %get3A_1623, %get3A_1624] {strides = array<i32>} : memref<14x64x128xf32, #tpu.memory_space<vmem>>, vector<1x1x16xf32>,
        %get3A_1626 = vector.shape_cast %get3A_1625 : vector<1x1x16xf32> to vector<16xf32>
        %add3A_1627 = arith.addf %get3A_1626, %get3A_1168 : vector<16xf32>
        %swap3A_1628 = arith.index_cast %rem3A_1174 : i32 to index
        %swap3A_1629 = arith.index_cast %scan3A_1549 : i32 to index
        %swap3A_1630 = arith.constant 96 : index
        %swap3A_1631 = tpu.vector_load %arg7[%swap3A_1628, %swap3A_1629, %swap3A_1630] {strides = array<i32>} : memref<14x64x128xf32, #tpu.memory_space<vmem>>, vector<1x1x16xf32>,
        %swap3A_1632 = vector.shape_cast %swap3A_1631 : vector<1x1x16xf32> to vector<16xf32>
        %swap3A_1633 = vector.shape_cast %add3A_1627 : vector<16xf32> to vector<1x1x16xf32>
        tpu.vector_store %arg7[%swap3A_1628, %swap3A_1629, %swap3A_1630], %swap3A_1633 {strides = array<i32>} : memref<14x64x128xf32, #tpu.memory_space<vmem>>, vector<1x1x16xf32>,
        %get3A_1634 = arith.index_cast %rem3A_1174 : i32 to index
        %get3A_1635 = arith.index_cast %scan3A_1549 : i32 to index
        %get3A_1636 = arith.constant 112 : index
        %get3A_1637 = tpu.vector_load %arg7[%get3A_1634, %get3A_1635, %get3A_1636] {strides = array<i32>} : memref<14x64x128xf32, #tpu.memory_space<vmem>>, vector<1x1x16xf32>,
        %get3A_1638 = vector.shape_cast %get3A_1637 : vector<1x1x16xf32> to vector<16xf32>
        %add3A_1639 = arith.addf %get3A_1638, %get3A_1172 : vector<16xf32>
        %swap3A_1640 = arith.index_cast %rem3A_1174 : i32 to index
        %swap3A_1641 = arith.index_cast %scan3A_1549 : i32 to index
        %swap3A_1642 = arith.constant 112 : index
        %swap3A_1643 = tpu.vector_load %arg7[%swap3A_1640, %swap3A_1641, %swap3A_1642] {strides = array<i32>} : memref<14x64x128xf32, #tpu.memory_space<vmem>>, vector<1x1x16xf32>,
        %swap3A_1644 = vector.shape_cast %swap3A_1643 : vector<1x1x16xf32> to vector<16xf32>
        %swap3A_1645 = vector.shape_cast %add3A_1639 : vector<16xf32> to vector<1x1x16xf32>
        tpu.vector_store %arg7[%swap3A_1640, %swap3A_1641, %swap3A_1642], %swap3A_1645 {strides = array<i32>} : memref<14x64x128xf32, #tpu.memory_space<vmem>>, vector<1x1x16xf32>,
        %scan3A_1646 = arith.constant 4 : i32
        %scan3A_1647 = arith.addi %scan3A_1256, %scan3A_1646 : i32
        %get3A_1648 = arith.index_cast %rem3A_1174 : i32 to index
        %get3A_1649 = arith.index_cast %scan3A_1647 : i32 to index
        %get3A_1650 = arith.constant 0 : index
        %get3A_1651 = tpu.vector_load %arg7[%get3A_1648, %get3A_1649, %get3A_1650] {strides = array<i32>} : memref<14x64x128xf32, #tpu.memory_space<vmem>>, vector<1x1x16xf32>,
        %get3A_1652 = vector.shape_cast %get3A_1651 : vector<1x1x16xf32> to vector<16xf32>
        %add3A_1653 = arith.addf %get3A_1652, %get3A_1144 : vector<16xf32>
        %swap3A_1654 = arith.index_cast %rem3A_1174 : i32 to index
        %swap3A_1655 = arith.index_cast %scan3A_1647 : i32 to index
        %swap3A_1656 = arith.constant 0 : index
        %swap3A_1657 = tpu.vector_load %arg7[%swap3A_1654, %swap3A_1655, %swap3A_1656] {strides = array<i32>} : memref<14x64x128xf32, #tpu.memory_space<vmem>>, vector<1x1x16xf32>,
        %swap3A_1658 = vector.shape_cast %swap3A_1657 : vector<1x1x16xf32> to vector<16xf32>
        %swap3A_1659 = vector.shape_cast %add3A_1653 : vector<16xf32> to vector<1x1x16xf32>
        tpu.vector_store %arg7[%swap3A_1654, %swap3A_1655, %swap3A_1656], %swap3A_1659 {strides = array<i32>} : memref<14x64x128xf32, #tpu.memory_space<vmem>>, vector<1x1x16xf32>,
        %get3A_1660 = arith.index_cast %rem3A_1174 : i32 to index
        %get3A_1661 = arith.index_cast %scan3A_1647 : i32 to index
        %get3A_1662 = arith.constant 16 : index
        %get3A_1663 = tpu.vector_load %arg7[%get3A_1660, %get3A_1661, %get3A_1662] {strides = array<i32>} : memref<14x64x128xf32, #tpu.memory_space<vmem>>, vector<1x1x16xf32>,
        %get3A_1664 = vector.shape_cast %get3A_1663 : vector<1x1x16xf32> to vector<16xf32>
        %add3A_1665 = arith.addf %get3A_1664, %get3A_1148 : vector<16xf32>
        %swap3A_1666 = arith.index_cast %rem3A_1174 : i32 to index
        %swap3A_1667 = arith.index_cast %scan3A_1647 : i32 to index
        %swap3A_1668 = arith.constant 16 : index
        %swap3A_1669 = tpu.vector_load %arg7[%swap3A_1666, %swap3A_1667, %swap3A_1668] {strides = array<i32>} : memref<14x64x128xf32, #tpu.memory_space<vmem>>, vector<1x1x16xf32>,
        %swap3A_1670 = vector.shape_cast %swap3A_1669 : vector<1x1x16xf32> to vector<16xf32>
        %swap3A_1671 = vector.shape_cast %add3A_1665 : vector<16xf32> to vector<1x1x16xf32>
        tpu.vector_store %arg7[%swap3A_1666, %swap3A_1667, %swap3A_1668], %swap3A_1671 {strides = array<i32>} : memref<14x64x128xf32, #tpu.memory_space<vmem>>, vector<1x1x16xf32>,
        %get3A_1672 = arith.index_cast %rem3A_1174 : i32 to index
        %get3A_1673 = arith.index_cast %scan3A_1647 : i32 to index
        %get3A_1674 = arith.constant 32 : index
        %get3A_1675 = tpu.vector_load %arg7[%get3A_1672, %get3A_1673, %get3A_1674] {strides = array<i32>} : memref<14x64x128xf32, #tpu.memory_space<vmem>>, vector<1x1x16xf32>,
        %get3A_1676 = vector.shape_cast %get3A_1675 : vector<1x1x16xf32> to vector<16xf32>
        %add3A_1677 = arith.addf %get3A_1676, %get3A_1152 : vector<16xf32>
        %swap3A_1678 = arith.index_cast %rem3A_1174 : i32 to index
        %swap3A_1679 = arith.index_cast %scan3A_1647 : i32 to index
        %swap3A_1680 = arith.constant 32 : index
        %swap3A_1681 = tpu.vector_load %arg7[%swap3A_1678, %swap3A_1679, %swap3A_1680] {strides = array<i32>} : memref<14x64x128xf32, #tpu.memory_space<vmem>>, vector<1x1x16xf32>,
        %swap3A_1682 = vector.shape_cast %swap3A_1681 : vector<1x1x16xf32> to vector<16xf32>
        %swap3A_1683 = vector.shape_cast %add3A_1677 : vector<16xf32> to vector<1x1x16xf32>
        tpu.vector_store %arg7[%swap3A_1678, %swap3A_1679, %swap3A_1680], %swap3A_1683 {strides = array<i32>} : memref<14x64x128xf32, #tpu.memory_space<vmem>>, vector<1x1x16xf32>,
        %get3A_1684 = arith.index_cast %rem3A_1174 : i32 to index
        %get3A_1685 = arith.index_cast %scan3A_1647 : i32 to index
        %get3A_1686 = arith.constant 48 : index
        %get3A_1687 = tpu.vector_load %arg7[%get3A_1684, %get3A_1685, %get3A_1686] {strides = array<i32>} : memref<14x64x128xf32, #tpu.memory_space<vmem>>, vector<1x1x16xf32>,
        %get3A_1688 = vector.shape_cast %get3A_1687 : vector<1x1x16xf32> to vector<16xf32>
        %add3A_1689 = arith.addf %get3A_1688, %get3A_1156 : vector<16xf32>
        %swap3A_1690 = arith.index_cast %rem3A_1174 : i32 to index
        %swap3A_1691 = arith.index_cast %scan3A_1647 : i32 to index
        %swap3A_1692 = arith.constant 48 : index
        %swap3A_1693 = tpu.vector_load %arg7[%swap3A_1690, %swap3A_1691, %swap3A_1692] {strides = array<i32>} : memref<14x64x128xf32, #tpu.memory_space<vmem>>, vector<1x1x16xf32>,
        %swap3A_1694 = vector.shape_cast %swap3A_1693 : vector<1x1x16xf32> to vector<16xf32>
        %swap3A_1695 = vector.shape_cast %add3A_1689 : vector<16xf32> to vector<1x1x16xf32>
        tpu.vector_store %arg7[%swap3A_1690, %swap3A_1691, %swap3A_1692], %swap3A_1695 {strides = array<i32>} : memref<14x64x128xf32, #tpu.memory_space<vmem>>, vector<1x1x16xf32>,
        %get3A_1696 = arith.index_cast %rem3A_1174 : i32 to index
        %get3A_1697 = arith.index_cast %scan3A_1647 : i32 to index
        %get3A_1698 = arith.constant 64 : index
        %get3A_1699 = tpu.vector_load %arg7[%get3A_1696, %get3A_1697, %get3A_1698] {strides = array<i32>} : memref<14x64x128xf32, #tpu.memory_space<vmem>>, vector<1x1x16xf32>,
        %get3A_1700 = vector.shape_cast %get3A_1699 : vector<1x1x16xf32> to vector<16xf32>
        %add3A_1701 = arith.addf %get3A_1700, %get3A_1160 : vector<16xf32>
        %swap3A_1702 = arith.index_cast %rem3A_1174 : i32 to index
        %swap3A_1703 = arith.index_cast %scan3A_1647 : i32 to index
        %swap3A_1704 = arith.constant 64 : index
        %swap3A_1705 = tpu.vector_load %arg7[%swap3A_1702, %swap3A_1703, %swap3A_1704] {strides = array<i32>} : memref<14x64x128xf32, #tpu.memory_space<vmem>>, vector<1x1x16xf32>,
        %swap3A_1706 = vector.shape_cast %swap3A_1705 : vector<1x1x16xf32> to vector<16xf32>
        %swap3A_1707 = vector.shape_cast %add3A_1701 : vector<16xf32> to vector<1x1x16xf32>
        tpu.vector_store %arg7[%swap3A_1702, %swap3A_1703, %swap3A_1704], %swap3A_1707 {strides = array<i32>} : memref<14x64x128xf32, #tpu.memory_space<vmem>>, vector<1x1x16xf32>,
        %get3A_1708 = arith.index_cast %rem3A_1174 : i32 to index
        %get3A_1709 = arith.index_cast %scan3A_1647 : i32 to index
        %get3A_1710 = arith.constant 80 : index
        %get3A_1711 = tpu.vector_load %arg7[%get3A_1708, %get3A_1709, %get3A_1710] {strides = array<i32>} : memref<14x64x128xf32, #tpu.memory_space<vmem>>, vector<1x1x16xf32>,
        %get3A_1712 = vector.shape_cast %get3A_1711 : vector<1x1x16xf32> to vector<16xf32>
        %add3A_1713 = arith.addf %get3A_1712, %get3A_1164 : vector<16xf32>
        %swap3A_1714 = arith.index_cast %rem3A_1174 : i32 to index
        %swap3A_1715 = arith.index_cast %scan3A_1647 : i32 to index
        %swap3A_1716 = arith.constant 80 : index
        %swap3A_1717 = tpu.vector_load %arg7[%swap3A_1714, %swap3A_1715, %swap3A_1716] {strides = array<i32>} : memref<14x64x128xf32, #tpu.memory_space<vmem>>, vector<1x1x16xf32>,
        %swap3A_1718 = vector.shape_cast %swap3A_1717 : vector<1x1x16xf32> to vector<16xf32>
        %swap3A_1719 = vector.shape_cast %add3A_1713 : vector<16xf32> to vector<1x1x16xf32>
        tpu.vector_store %arg7[%swap3A_1714, %swap3A_1715, %swap3A_1716], %swap3A_1719 {strides = array<i32>} : memref<14x64x128xf32, #tpu.memory_space<vmem>>, vector<1x1x16xf32>,
        %get3A_1720 = arith.index_cast %rem3A_1174 : i32 to index
        %get3A_1721 = arith.index_cast %scan3A_1647 : i32 to index
        %get3A_1722 = arith.constant 96 : index
        %get3A_1723 = tpu.vector_load %arg7[%get3A_1720, %get3A_1721, %get3A_1722] {strides = array<i32>} : memref<14x64x128xf32, #tpu.memory_space<vmem>>, vector<1x1x16xf32>,
        %get3A_1724 = vector.shape_cast %get3A_1723 : vector<1x1x16xf32> to vector<16xf32>
        %add3A_1725 = arith.addf %get3A_1724, %get3A_1168 : vector<16xf32>
        %swap3A_1726 = arith.index_cast %rem3A_1174 : i32 to index
        %swap3A_1727 = arith.index_cast %scan3A_1647 : i32 to index
        %swap3A_1728 = arith.constant 96 : index
        %swap3A_1729 = tpu.vector_load %arg7[%swap3A_1726, %swap3A_1727, %swap3A_1728] {strides = array<i32>} : memref<14x64x128xf32, #tpu.memory_space<vmem>>, vector<1x1x16xf32>,
        %swap3A_1730 = vector.shape_cast %swap3A_1729 : vector<1x1x16xf32> to vector<16xf32>
        %swap3A_1731 = vector.shape_cast %add3A_1725 : vector<16xf32> to vector<1x1x16xf32>
        tpu.vector_store %arg7[%swap3A_1726, %swap3A_1727, %swap3A_1728], %swap3A_1731 {strides = array<i32>} : memref<14x64x128xf32, #tpu.memory_space<vmem>>, vector<1x1x16xf32>,
        %get3A_1732 = arith.index_cast %rem3A_1174 : i32 to index
        %get3A_1733 = arith.index_cast %scan3A_1647 : i32 to index
        %get3A_1734 = arith.constant 112 : index
        %get3A_1735 = tpu.vector_load %arg7[%get3A_1732, %get3A_1733, %get3A_1734] {strides = array<i32>} : memref<14x64x128xf32, #tpu.memory_space<vmem>>, vector<1x1x16xf32>,
        %get3A_1736 = vector.shape_cast %get3A_1735 : vector<1x1x16xf32> to vector<16xf32>
        %add3A_1737 = arith.addf %get3A_1736, %get3A_1172 : vector<16xf32>
        %swap3A_1738 = arith.index_cast %rem3A_1174 : i32 to index
        %swap3A_1739 = arith.index_cast %scan3A_1647 : i32 to index
        %swap3A_1740 = arith.constant 112 : index
        %swap3A_1741 = tpu.vector_load %arg7[%swap3A_1738, %swap3A_1739, %swap3A_1740] {strides = array<i32>} : memref<14x64x128xf32, #tpu.memory_space<vmem>>, vector<1x1x16xf32>,
        %swap3A_1742 = vector.shape_cast %swap3A_1741 : vector<1x1x16xf32> to vector<16xf32>
        %swap3A_1743 = vector.shape_cast %add3A_1737 : vector<16xf32> to vector<1x1x16xf32>
        tpu.vector_store %arg7[%swap3A_1738, %swap3A_1739, %swap3A_1740], %swap3A_1743 {strides = array<i32>} : memref<14x64x128xf32, #tpu.memory_space<vmem>>, vector<1x1x16xf32>,
        %scan3A_1744 = arith.constant 5 : i32
        %scan3A_1745 = arith.addi %scan3A_1256, %scan3A_1744 : i32
        %get3A_1746 = arith.index_cast %rem3A_1174 : i32 to index
        %get3A_1747 = arith.index_cast %scan3A_1745 : i32 to index
        %get3A_1748 = arith.constant 0 : index
        %get3A_1749 = tpu.vector_load %arg7[%get3A_1746, %get3A_1747, %get3A_1748] {strides = array<i32>} : memref<14x64x128xf32, #tpu.memory_space<vmem>>, vector<1x1x16xf32>,
        %get3A_1750 = vector.shape_cast %get3A_1749 : vector<1x1x16xf32> to vector<16xf32>
        %add3A_1751 = arith.addf %get3A_1750, %get3A_1144 : vector<16xf32>
        %swap3A_1752 = arith.index_cast %rem3A_1174 : i32 to index
        %swap3A_1753 = arith.index_cast %scan3A_1745 : i32 to index
        %swap3A_1754 = arith.constant 0 : index
        %swap3A_1755 = tpu.vector_load %arg7[%swap3A_1752, %swap3A_1753, %swap3A_1754] {strides = array<i32>} : memref<14x64x128xf32, #tpu.memory_space<vmem>>, vector<1x1x16xf32>,
        %swap3A_1756 = vector.shape_cast %swap3A_1755 : vector<1x1x16xf32> to vector<16xf32>
        %swap3A_1757 = vector.shape_cast %add3A_1751 : vector<16xf32> to vector<1x1x16xf32>
        tpu.vector_store %arg7[%swap3A_1752, %swap3A_1753, %swap3A_1754], %swap3A_1757 {strides = array<i32>} : memref<14x64x128xf32, #tpu.memory_space<vmem>>, vector<1x1x16xf32>,
        %get3A_1758 = arith.index_cast %rem3A_1174 : i32 to index
        %get3A_1759 = arith.index_cast %scan3A_1745 : i32 to index
        %get3A_1760 = arith.constant 16 : index
        %get3A_1761 = tpu.vector_load %arg7[%get3A_1758, %get3A_1759, %get3A_1760] {strides = array<i32>} : memref<14x64x128xf32, #tpu.memory_space<vmem>>, vector<1x1x16xf32>,
        %get3A_1762 = vector.shape_cast %get3A_1761 : vector<1x1x16xf32> to vector<16xf32>
        %add3A_1763 = arith.addf %get3A_1762, %get3A_1148 : vector<16xf32>
        %swap3A_1764 = arith.index_cast %rem3A_1174 : i32 to index
        %swap3A_1765 = arith.index_cast %scan3A_1745 : i32 to index
        %swap3A_1766 = arith.constant 16 : index
        %swap3A_1767 = tpu.vector_load %arg7[%swap3A_1764, %swap3A_1765, %swap3A_1766] {strides = array<i32>} : memref<14x64x128xf32, #tpu.memory_space<vmem>>, vector<1x1x16xf32>,
        %swap3A_1768 = vector.shape_cast %swap3A_1767 : vector<1x1x16xf32> to vector<16xf32>
        %swap3A_1769 = vector.shape_cast %add3A_1763 : vector<16xf32> to vector<1x1x16xf32>
        tpu.vector_store %arg7[%swap3A_1764, %swap3A_1765, %swap3A_1766], %swap3A_1769 {strides = array<i32>} : memref<14x64x128xf32, #tpu.memory_space<vmem>>, vector<1x1x16xf32>,
        %get3A_1770 = arith.index_cast %rem3A_1174 : i32 to index
        %get3A_1771 = arith.index_cast %scan3A_1745 : i32 to index
        %get3A_1772 = arith.constant 32 : index
        %get3A_1773 = tpu.vector_load %arg7[%get3A_1770, %get3A_1771, %get3A_1772] {strides = array<i32>} : memref<14x64x128xf32, #tpu.memory_space<vmem>>, vector<1x1x16xf32>,
        %get3A_1774 = vector.shape_cast %get3A_1773 : vector<1x1x16xf32> to vector<16xf32>
        %add3A_1775 = arith.addf %get3A_1774, %get3A_1152 : vector<16xf32>
        %swap3A_1776 = arith.index_cast %rem3A_1174 : i32 to index
        %swap3A_1777 = arith.index_cast %scan3A_1745 : i32 to index
        %swap3A_1778 = arith.constant 32 : index
        %swap3A_1779 = tpu.vector_load %arg7[%swap3A_1776, %swap3A_1777, %swap3A_1778] {strides = array<i32>} : memref<14x64x128xf32, #tpu.memory_space<vmem>>, vector<1x1x16xf32>,
        %swap3A_1780 = vector.shape_cast %swap3A_1779 : vector<1x1x16xf32> to vector<16xf32>
        %swap3A_1781 = vector.shape_cast %add3A_1775 : vector<16xf32> to vector<1x1x16xf32>
        tpu.vector_store %arg7[%swap3A_1776, %swap3A_1777, %swap3A_1778], %swap3A_1781 {strides = array<i32>} : memref<14x64x128xf32, #tpu.memory_space<vmem>>, vector<1x1x16xf32>,
        %get3A_1782 = arith.index_cast %rem3A_1174 : i32 to index
        %get3A_1783 = arith.index_cast %scan3A_1745 : i32 to index
        %get3A_1784 = arith.constant 48 : index
        %get3A_1785 = tpu.vector_load %arg7[%get3A_1782, %get3A_1783, %get3A_1784] {strides = array<i32>} : memref<14x64x128xf32, #tpu.memory_space<vmem>>, vector<1x1x16xf32>,
        %get3A_1786 = vector.shape_cast %get3A_1785 : vector<1x1x16xf32> to vector<16xf32>
        %add3A_1787 = arith.addf %get3A_1786, %get3A_1156 : vector<16xf32>
        %swap3A_1788 = arith.index_cast %rem3A_1174 : i32 to index
        %swap3A_1789 = arith.index_cast %scan3A_1745 : i32 to index
        %swap3A_1790 = arith.constant 48 : index
        %swap3A_1791 = tpu.vector_load %arg7[%swap3A_1788, %swap3A_1789, %swap3A_1790] {strides = array<i32>} : memref<14x64x128xf32, #tpu.memory_space<vmem>>, vector<1x1x16xf32>,
        %swap3A_1792 = vector.shape_cast %swap3A_1791 : vector<1x1x16xf32> to vector<16xf32>
        %swap3A_1793 = vector.shape_cast %add3A_1787 : vector<16xf32> to vector<1x1x16xf32>
        tpu.vector_store %arg7[%swap3A_1788, %swap3A_1789, %swap3A_1790], %swap3A_1793 {strides = array<i32>} : memref<14x64x128xf32, #tpu.memory_space<vmem>>, vector<1x1x16xf32>,
        %get3A_1794 = arith.index_cast %rem3A_1174 : i32 to index
        %get3A_1795 = arith.index_cast %scan3A_1745 : i32 to index
        %get3A_1796 = arith.constant 64 : index
        %get3A_1797 = tpu.vector_load %arg7[%get3A_1794, %get3A_1795, %get3A_1796] {strides = array<i32>} : memref<14x64x128xf32, #tpu.memory_space<vmem>>, vector<1x1x16xf32>,
        %get3A_1798 = vector.shape_cast %get3A_1797 : vector<1x1x16xf32> to vector<16xf32>
        %add3A_1799 = arith.addf %get3A_1798, %get3A_1160 : vector<16xf32>
        %swap3A_1800 = arith.index_cast %rem3A_1174 : i32 to index
        %swap3A_1801 = arith.index_cast %scan3A_1745 : i32 to index
        %swap3A_1802 = arith.constant 64 : index
        %swap3A_1803 = tpu.vector_load %arg7[%swap3A_1800, %swap3A_1801, %swap3A_1802] {strides = array<i32>} : memref<14x64x128xf32, #tpu.memory_space<vmem>>, vector<1x1x16xf32>,
        %swap3A_1804 = vector.shape_cast %swap3A_1803 : vector<1x1x16xf32> to vector<16xf32>
        %swap3A_1805 = vector.shape_cast %add3A_1799 : vector<16xf32> to vector<1x1x16xf32>
        tpu.vector_store %arg7[%swap3A_1800, %swap3A_1801, %swap3A_1802], %swap3A_1805 {strides = array<i32>} : memref<14x64x128xf32, #tpu.memory_space<vmem>>, vector<1x1x16xf32>,
        %get3A_1806 = arith.index_cast %rem3A_1174 : i32 to index
        %get3A_1807 = arith.index_cast %scan3A_1745 : i32 to index
        %get3A_1808 = arith.constant 80 : index
        %get3A_1809 = tpu.vector_load %arg7[%get3A_1806, %get3A_1807, %get3A_1808] {strides = array<i32>} : memref<14x64x128xf32, #tpu.memory_space<vmem>>, vector<1x1x16xf32>,
        %get3A_1810 = vector.shape_cast %get3A_1809 : vector<1x1x16xf32> to vector<16xf32>
        %add3A_1811 = arith.addf %get3A_1810, %get3A_1164 : vector<16xf32>
        %swap3A_1812 = arith.index_cast %rem3A_1174 : i32 to index
        %swap3A_1813 = arith.index_cast %scan3A_1745 : i32 to index
        %swap3A_1814 = arith.constant 80 : index
        %swap3A_1815 = tpu.vector_load %arg7[%swap3A_1812, %swap3A_1813, %swap3A_1814] {strides = array<i32>} : memref<14x64x128xf32, #tpu.memory_space<vmem>>, vector<1x1x16xf32>,
        %swap3A_1816 = vector.shape_cast %swap3A_1815 : vector<1x1x16xf32> to vector<16xf32>
        %swap3A_1817 = vector.shape_cast %add3A_1811 : vector<16xf32> to vector<1x1x16xf32>
        tpu.vector_store %arg7[%swap3A_1812, %swap3A_1813, %swap3A_1814], %swap3A_1817 {strides = array<i32>} : memref<14x64x128xf32, #tpu.memory_space<vmem>>, vector<1x1x16xf32>,
        %get3A_1818 = arith.index_cast %rem3A_1174 : i32 to index
        %get3A_1819 = arith.index_cast %scan3A_1745 : i32 to index
        %get3A_1820 = arith.constant 96 : index
        %get3A_1821 = tpu.vector_load %arg7[%get3A_1818, %get3A_1819, %get3A_1820] {strides = array<i32>} : memref<14x64x128xf32, #tpu.memory_space<vmem>>, vector<1x1x16xf32>,
        %get3A_1822 = vector.shape_cast %get3A_1821 : vector<1x1x16xf32> to vector<16xf32>
        %add3A_1823 = arith.addf %get3A_1822, %get3A_1168 : vector<16xf32>
        %swap3A_1824 = arith.index_cast %rem3A_1174 : i32 to index
        %swap3A_1825 = arith.index_cast %scan3A_1745 : i32 to index
        %swap3A_1826 = arith.constant 96 : index
        %swap3A_1827 = tpu.vector_load %arg7[%swap3A_1824, %swap3A_1825, %swap3A_1826] {strides = array<i32>} : memref<14x64x128xf32, #tpu.memory_space<vmem>>, vector<1x1x16xf32>,
        %swap3A_1828 = vector.shape_cast %swap3A_1827 : vector<1x1x16xf32> to vector<16xf32>
        %swap3A_1829 = vector.shape_cast %add3A_1823 : vector<16xf32> to vector<1x1x16xf32>
        tpu.vector_store %arg7[%swap3A_1824, %swap3A_1825, %swap3A_1826], %swap3A_1829 {strides = array<i32>} : memref<14x64x128xf32, #tpu.memory_space<vmem>>, vector<1x1x16xf32>,
        %get3A_1830 = arith.index_cast %rem3A_1174 : i32 to index
        %get3A_1831 = arith.index_cast %scan3A_1745 : i32 to index
        %get3A_1832 = arith.constant 112 : index
        %get3A_1833 = tpu.vector_load %arg7[%get3A_1830, %get3A_1831, %get3A_1832] {strides = array<i32>} : memref<14x64x128xf32, #tpu.memory_space<vmem>>, vector<1x1x16xf32>,
        %get3A_1834 = vector.shape_cast %get3A_1833 : vector<1x1x16xf32> to vector<16xf32>
        %add3A_1835 = arith.addf %get3A_1834, %get3A_1172 : vector<16xf32>
        %swap3A_1836 = arith.index_cast %rem3A_1174 : i32 to index
        %swap3A_1837 = arith.index_cast %scan3A_1745 : i32 to index
        %swap3A_1838 = arith.constant 112 : index
        %swap3A_1839 = tpu.vector_load %arg7[%swap3A_1836, %swap3A_1837, %swap3A_1838] {strides = array<i32>} : memref<14x64x128xf32, #tpu.memory_space<vmem>>, vector<1x1x16xf32>,
        %swap3A_1840 = vector.shape_cast %swap3A_1839 : vector<1x1x16xf32> to vector<16xf32>
        %swap3A_1841 = vector.shape_cast %add3A_1835 : vector<16xf32> to vector<1x1x16xf32>
        tpu.vector_store %arg7[%swap3A_1836, %swap3A_1837, %swap3A_1838], %swap3A_1841 {strides = array<i32>} : memref<14x64x128xf32, #tpu.memory_space<vmem>>, vector<1x1x16xf32>,
        %scan3A_1842 = arith.constant 6 : i32
        %scan3A_1843 = arith.addi %scan3A_1256, %scan3A_1842 : i32
        %get3A_1844 = arith.index_cast %rem3A_1174 : i32 to index
        %get3A_1845 = arith.index_cast %scan3A_1843 : i32 to index
        %get3A_1846 = arith.constant 0 : index
        %get3A_1847 = tpu.vector_load %arg7[%get3A_1844, %get3A_1845, %get3A_1846] {strides = array<i32>} : memref<14x64x128xf32, #tpu.memory_space<vmem>>, vector<1x1x16xf32>,
        %get3A_1848 = vector.shape_cast %get3A_1847 : vector<1x1x16xf32> to vector<16xf32>
        %add3A_1849 = arith.addf %get3A_1848, %get3A_1144 : vector<16xf32>
        %swap3A_1850 = arith.index_cast %rem3A_1174 : i32 to index
        %swap3A_1851 = arith.index_cast %scan3A_1843 : i32 to index
        %swap3A_1852 = arith.constant 0 : index
        %swap3A_1853 = tpu.vector_load %arg7[%swap3A_1850, %swap3A_1851, %swap3A_1852] {strides = array<i32>} : memref<14x64x128xf32, #tpu.memory_space<vmem>>, vector<1x1x16xf32>,
        %swap3A_1854 = vector.shape_cast %swap3A_1853 : vector<1x1x16xf32> to vector<16xf32>
        %swap3A_1855 = vector.shape_cast %add3A_1849 : vector<16xf32> to vector<1x1x16xf32>
        tpu.vector_store %arg7[%swap3A_1850, %swap3A_1851, %swap3A_1852], %swap3A_1855 {strides = array<i32>} : memref<14x64x128xf32, #tpu.memory_space<vmem>>, vector<1x1x16xf32>,
        %get3A_1856 = arith.index_cast %rem3A_1174 : i32 to index
        %get3A_1857 = arith.index_cast %scan3A_1843 : i32 to index
        %get3A_1858 = arith.constant 16 : index
        %get3A_1859 = tpu.vector_load %arg7[%get3A_1856, %get3A_1857, %get3A_1858] {strides = array<i32>} : memref<14x64x128xf32, #tpu.memory_space<vmem>>, vector<1x1x16xf32>,
        %get3A_1860 = vector.shape_cast %get3A_1859 : vector<1x1x16xf32> to vector<16xf32>
        %add3A_1861 = arith.addf %get3A_1860, %get3A_1148 : vector<16xf32>
        %swap3A_1862 = arith.index_cast %rem3A_1174 : i32 to index
        %swap3A_1863 = arith.index_cast %scan3A_1843 : i32 to index
        %swap3A_1864 = arith.constant 16 : index
        %swap3A_1865 = tpu.vector_load %arg7[%swap3A_1862, %swap3A_1863, %swap3A_1864] {strides = array<i32>} : memref<14x64x128xf32, #tpu.memory_space<vmem>>, vector<1x1x16xf32>,
        %swap3A_1866 = vector.shape_cast %swap3A_1865 : vector<1x1x16xf32> to vector<16xf32>
        %swap3A_1867 = vector.shape_cast %add3A_1861 : vector<16xf32> to vector<1x1x16xf32>
        tpu.vector_store %arg7[%swap3A_1862, %swap3A_1863, %swap3A_1864], %swap3A_1867 {strides = array<i32>} : memref<14x64x128xf32, #tpu.memory_space<vmem>>, vector<1x1x16xf32>,
        %get3A_1868 = arith.index_cast %rem3A_1174 : i32 to index
        %get3A_1869 = arith.index_cast %scan3A_1843 : i32 to index
        %get3A_1870 = arith.constant 32 : index
        %get3A_1871 = tpu.vector_load %arg7[%get3A_1868, %get3A_1869, %get3A_1870] {strides = array<i32>} : memref<14x64x128xf32, #tpu.memory_space<vmem>>, vector<1x1x16xf32>,
        %get3A_1872 = vector.shape_cast %get3A_1871 : vector<1x1x16xf32> to vector<16xf32>
        %add3A_1873 = arith.addf %get3A_1872, %get3A_1152 : vector<16xf32>
        %swap3A_1874 = arith.index_cast %rem3A_1174 : i32 to index
        %swap3A_1875 = arith.index_cast %scan3A_1843 : i32 to index
        %swap3A_1876 = arith.constant 32 : index
        %swap3A_1877 = tpu.vector_load %arg7[%swap3A_1874, %swap3A_1875, %swap3A_1876] {strides = array<i32>} : memref<14x64x128xf32, #tpu.memory_space<vmem>>, vector<1x1x16xf32>,
        %swap3A_1878 = vector.shape_cast %swap3A_1877 : vector<1x1x16xf32> to vector<16xf32>
        %swap3A_1879 = vector.shape_cast %add3A_1873 : vector<16xf32> to vector<1x1x16xf32>
        tpu.vector_store %arg7[%swap3A_1874, %swap3A_1875, %swap3A_1876], %swap3A_1879 {strides = array<i32>} : memref<14x64x128xf32, #tpu.memory_space<vmem>>, vector<1x1x16xf32>,
        %get3A_1880 = arith.index_cast %rem3A_1174 : i32 to index
        %get3A_1881 = arith.index_cast %scan3A_1843 : i32 to index
        %get3A_1882 = arith.constant 48 : index
        %get3A_1883 = tpu.vector_load %arg7[%get3A_1880, %get3A_1881, %get3A_1882] {strides = array<i32>} : memref<14x64x128xf32, #tpu.memory_space<vmem>>, vector<1x1x16xf32>,
        %get3A_1884 = vector.shape_cast %get3A_1883 : vector<1x1x16xf32> to vector<16xf32>
        %add3A_1885 = arith.addf %get3A_1884, %get3A_1156 : vector<16xf32>
        %swap3A_1886 = arith.index_cast %rem3A_1174 : i32 to index
        %swap3A_1887 = arith.index_cast %scan3A_1843 : i32 to index
        %swap3A_1888 = arith.constant 48 : index
        %swap3A_1889 = tpu.vector_load %arg7[%swap3A_1886, %swap3A_1887, %swap3A_1888] {strides = array<i32>} : memref<14x64x128xf32, #tpu.memory_space<vmem>>, vector<1x1x16xf32>,
        %swap3A_1890 = vector.shape_cast %swap3A_1889 : vector<1x1x16xf32> to vector<16xf32>
        %swap3A_1891 = vector.shape_cast %add3A_1885 : vector<16xf32> to vector<1x1x16xf32>
        tpu.vector_store %arg7[%swap3A_1886, %swap3A_1887, %swap3A_1888], %swap3A_1891 {strides = array<i32>} : memref<14x64x128xf32, #tpu.memory_space<vmem>>, vector<1x1x16xf32>,
        %get3A_1892 = arith.index_cast %rem3A_1174 : i32 to index
        %get3A_1893 = arith.index_cast %scan3A_1843 : i32 to index
        %get3A_1894 = arith.constant 64 : index
        %get3A_1895 = tpu.vector_load %arg7[%get3A_1892, %get3A_1893, %get3A_1894] {strides = array<i32>} : memref<14x64x128xf32, #tpu.memory_space<vmem>>, vector<1x1x16xf32>,
        %get3A_1896 = vector.shape_cast %get3A_1895 : vector<1x1x16xf32> to vector<16xf32>
        %add3A_1897 = arith.addf %get3A_1896, %get3A_1160 : vector<16xf32>
        %swap3A_1898 = arith.index_cast %rem3A_1174 : i32 to index
        %swap3A_1899 = arith.index_cast %scan3A_1843 : i32 to index
        %swap3A_1900 = arith.constant 64 : index
        %swap3A_1901 = tpu.vector_load %arg7[%swap3A_1898, %swap3A_1899, %swap3A_1900] {strides = array<i32>} : memref<14x64x128xf32, #tpu.memory_space<vmem>>, vector<1x1x16xf32>,
        %swap3A_1902 = vector.shape_cast %swap3A_1901 : vector<1x1x16xf32> to vector<16xf32>
        %swap3A_1903 = vector.shape_cast %add3A_1897 : vector<16xf32> to vector<1x1x16xf32>
        tpu.vector_store %arg7[%swap3A_1898, %swap3A_1899, %swap3A_1900], %swap3A_1903 {strides = array<i32>} : memref<14x64x128xf32, #tpu.memory_space<vmem>>, vector<1x1x16xf32>,
        %get3A_1904 = arith.index_cast %rem3A_1174 : i32 to index
        %get3A_1905 = arith.index_cast %scan3A_1843 : i32 to index
        %get3A_1906 = arith.constant 80 : index
        %get3A_1907 = tpu.vector_load %arg7[%get3A_1904, %get3A_1905, %get3A_1906] {strides = array<i32>} : memref<14x64x128xf32, #tpu.memory_space<vmem>>, vector<1x1x16xf32>,
        %get3A_1908 = vector.shape_cast %get3A_1907 : vector<1x1x16xf32> to vector<16xf32>
        %add3A_1909 = arith.addf %get3A_1908, %get3A_1164 : vector<16xf32>
        %swap3A_1910 = arith.index_cast %rem3A_1174 : i32 to index
        %swap3A_1911 = arith.index_cast %scan3A_1843 : i32 to index
        %swap3A_1912 = arith.constant 80 : index
        %swap3A_1913 = tpu.vector_load %arg7[%swap3A_1910, %swap3A_1911, %swap3A_1912] {strides = array<i32>} : memref<14x64x128xf32, #tpu.memory_space<vmem>>, vector<1x1x16xf32>,
        %swap3A_1914 = vector.shape_cast %swap3A_1913 : vector<1x1x16xf32> to vector<16xf32>
        %swap3A_1915 = vector.shape_cast %add3A_1909 : vector<16xf32> to vector<1x1x16xf32>
        tpu.vector_store %arg7[%swap3A_1910, %swap3A_1911, %swap3A_1912], %swap3A_1915 {strides = array<i32>} : memref<14x64x128xf32, #tpu.memory_space<vmem>>, vector<1x1x16xf32>,
        %get3A_1916 = arith.index_cast %rem3A_1174 : i32 to index
        %get3A_1917 = arith.index_cast %scan3A_1843 : i32 to index
        %get3A_1918 = arith.constant 96 : index
        %get3A_1919 = tpu.vector_load %arg7[%get3A_1916, %get3A_1917, %get3A_1918] {strides = array<i32>} : memref<14x64x128xf32, #tpu.memory_space<vmem>>, vector<1x1x16xf32>,
        %get3A_1920 = vector.shape_cast %get3A_1919 : vector<1x1x16xf32> to vector<16xf32>
        %add3A_1921 = arith.addf %get3A_1920, %get3A_1168 : vector<16xf32>
        %swap3A_1922 = arith.index_cast %rem3A_1174 : i32 to index
        %swap3A_1923 = arith.index_cast %scan3A_1843 : i32 to index
        %swap3A_1924 = arith.constant 96 : index
        %swap3A_1925 = tpu.vector_load %arg7[%swap3A_1922, %swap3A_1923, %swap3A_1924] {strides = array<i32>} : memref<14x64x128xf32, #tpu.memory_space<vmem>>, vector<1x1x16xf32>,
        %swap3A_1926 = vector.shape_cast %swap3A_1925 : vector<1x1x16xf32> to vector<16xf32>
        %swap3A_1927 = vector.shape_cast %add3A_1921 : vector<16xf32> to vector<1x1x16xf32>
        tpu.vector_store %arg7[%swap3A_1922, %swap3A_1923, %swap3A_1924], %swap3A_1927 {strides = array<i32>} : memref<14x64x128xf32, #tpu.memory_space<vmem>>, vector<1x1x16xf32>,
        %get3A_1928 = arith.index_cast %rem3A_1174 : i32 to index
        %get3A_1929 = arith.index_cast %scan3A_1843 : i32 to index
        %get3A_1930 = arith.constant 112 : index
        %get3A_1931 = tpu.vector_load %arg7[%get3A_1928, %get3A_1929, %get3A_1930] {strides = array<i32>} : memref<14x64x128xf32, #tpu.memory_space<vmem>>, vector<1x1x16xf32>,
        %get3A_1932 = vector.shape_cast %get3A_1931 : vector<1x1x16xf32> to vector<16xf32>
        %add3A_1933 = arith.addf %get3A_1932, %get3A_1172 : vector<16xf32>
        %swap3A_1934 = arith.index_cast %rem3A_1174 : i32 to index
        %swap3A_1935 = arith.index_cast %scan3A_1843 : i32 to index
        %swap3A_1936 = arith.constant 112 : index
        %swap3A_1937 = tpu.vector_load %arg7[%swap3A_1934, %swap3A_1935, %swap3A_1936] {strides = array<i32>} : memref<14x64x128xf32, #tpu.memory_space<vmem>>, vector<1x1x16xf32>,
        %swap3A_1938 = vector.shape_cast %swap3A_1937 : vector<1x1x16xf32> to vector<16xf32>
        %swap3A_1939 = vector.shape_cast %add3A_1933 : vector<16xf32> to vector<1x1x16xf32>
        tpu.vector_store %arg7[%swap3A_1934, %swap3A_1935, %swap3A_1936], %swap3A_1939 {strides = array<i32>} : memref<14x64x128xf32, #tpu.memory_space<vmem>>, vector<1x1x16xf32>,
        %scan3A_1940 = arith.constant 7 : i32
        %scan3A_1941 = arith.addi %scan3A_1256, %scan3A_1940 : i32
        %get3A_1942 = arith.index_cast %rem3A_1174 : i32 to index
        %get3A_1943 = arith.index_cast %scan3A_1941 : i32 to index
        %get3A_1944 = arith.constant 0 : index
        %get3A_1945 = tpu.vector_load %arg7[%get3A_1942, %get3A_1943, %get3A_1944] {strides = array<i32>} : memref<14x64x128xf32, #tpu.memory_space<vmem>>, vector<1x1x16xf32>,
        %get3A_1946 = vector.shape_cast %get3A_1945 : vector<1x1x16xf32> to vector<16xf32>
        %add3A_1947 = arith.addf %get3A_1946, %get3A_1144 : vector<16xf32>
        %swap3A_1948 = arith.index_cast %rem3A_1174 : i32 to index
        %swap3A_1949 = arith.index_cast %scan3A_1941 : i32 to index
        %swap3A_1950 = arith.constant 0 : index
        %swap3A_1951 = tpu.vector_load %arg7[%swap3A_1948, %swap3A_1949, %swap3A_1950] {strides = array<i32>} : memref<14x64x128xf32, #tpu.memory_space<vmem>>, vector<1x1x16xf32>,
        %swap3A_1952 = vector.shape_cast %swap3A_1951 : vector<1x1x16xf32> to vector<16xf32>
        %swap3A_1953 = vector.shape_cast %add3A_1947 : vector<16xf32> to vector<1x1x16xf32>
        tpu.vector_store %arg7[%swap3A_1948, %swap3A_1949, %swap3A_1950], %swap3A_1953 {strides = array<i32>} : memref<14x64x128xf32, #tpu.memory_space<vmem>>, vector<1x1x16xf32>,
        %get3A_1954 = arith.index_cast %rem3A_1174 : i32 to index
        %get3A_1955 = arith.index_cast %scan3A_1941 : i32 to index
        %get3A_1956 = arith.constant 16 : index
        %get3A_1957 = tpu.vector_load %arg7[%get3A_1954, %get3A_1955, %get3A_1956] {strides = array<i32>} : memref<14x64x128xf32, #tpu.memory_space<vmem>>, vector<1x1x16xf32>,
        %get3A_1958 = vector.shape_cast %get3A_1957 : vector<1x1x16xf32> to vector<16xf32>
        %add3A_1959 = arith.addf %get3A_1958, %get3A_1148 : vector<16xf32>
        %swap3A_1960 = arith.index_cast %rem3A_1174 : i32 to index
        %swap3A_1961 = arith.index_cast %scan3A_1941 : i32 to index
        %swap3A_1962 = arith.constant 16 : index
        %swap3A_1963 = tpu.vector_load %arg7[%swap3A_1960, %swap3A_1961, %swap3A_1962] {strides = array<i32>} : memref<14x64x128xf32, #tpu.memory_space<vmem>>, vector<1x1x16xf32>,
        %swap3A_1964 = vector.shape_cast %swap3A_1963 : vector<1x1x16xf32> to vector<16xf32>
        %swap3A_1965 = vector.shape_cast %add3A_1959 : vector<16xf32> to vector<1x1x16xf32>
        tpu.vector_store %arg7[%swap3A_1960, %swap3A_1961, %swap3A_1962], %swap3A_1965 {strides = array<i32>} : memref<14x64x128xf32, #tpu.memory_space<vmem>>, vector<1x1x16xf32>,
        %get3A_1966 = arith.index_cast %rem3A_1174 : i32 to index
        %get3A_1967 = arith.index_cast %scan3A_1941 : i32 to index
        %get3A_1968 = arith.constant 32 : index
        %get3A_1969 = tpu.vector_load %arg7[%get3A_1966, %get3A_1967, %get3A_1968] {strides = array<i32>} : memref<14x64x128xf32, #tpu.memory_space<vmem>>, vector<1x1x16xf32>,
        %get3A_1970 = vector.shape_cast %get3A_1969 : vector<1x1x16xf32> to vector<16xf32>
        %add3A_1971 = arith.addf %get3A_1970, %get3A_1152 : vector<16xf32>
        %swap3A_1972 = arith.index_cast %rem3A_1174 : i32 to index
        %swap3A_1973 = arith.index_cast %scan3A_1941 : i32 to index
        %swap3A_1974 = arith.constant 32 : index
        %swap3A_1975 = tpu.vector_load %arg7[%swap3A_1972, %swap3A_1973, %swap3A_1974] {strides = array<i32>} : memref<14x64x128xf32, #tpu.memory_space<vmem>>, vector<1x1x16xf32>,
        %swap3A_1976 = vector.shape_cast %swap3A_1975 : vector<1x1x16xf32> to vector<16xf32>
        %swap3A_1977 = vector.shape_cast %add3A_1971 : vector<16xf32> to vector<1x1x16xf32>
        tpu.vector_store %arg7[%swap3A_1972, %swap3A_1973, %swap3A_1974], %swap3A_1977 {strides = array<i32>} : memref<14x64x128xf32, #tpu.memory_space<vmem>>, vector<1x1x16xf32>,
        %get3A_1978 = arith.index_cast %rem3A_1174 : i32 to index
        %get3A_1979 = arith.index_cast %scan3A_1941 : i32 to index
        %get3A_1980 = arith.constant 48 : index
        %get3A_1981 = tpu.vector_load %arg7[%get3A_1978, %get3A_1979, %get3A_1980] {strides = array<i32>} : memref<14x64x128xf32, #tpu.memory_space<vmem>>, vector<1x1x16xf32>,
        %get3A_1982 = vector.shape_cast %get3A_1981 : vector<1x1x16xf32> to vector<16xf32>
        %add3A_1983 = arith.addf %get3A_1982, %get3A_1156 : vector<16xf32>
        %swap3A_1984 = arith.index_cast %rem3A_1174 : i32 to index
        %swap3A_1985 = arith.index_cast %scan3A_1941 : i32 to index
        %swap3A_1986 = arith.constant 48 : index
        %swap3A_1987 = tpu.vector_load %arg7[%swap3A_1984, %swap3A_1985, %swap3A_1986] {strides = array<i32>} : memref<14x64x128xf32, #tpu.memory_space<vmem>>, vector<1x1x16xf32>,
        %swap3A_1988 = vector.shape_cast %swap3A_1987 : vector<1x1x16xf32> to vector<16xf32>
        %swap3A_1989 = vector.shape_cast %add3A_1983 : vector<16xf32> to vector<1x1x16xf32>
        tpu.vector_store %arg7[%swap3A_1984, %swap3A_1985, %swap3A_1986], %swap3A_1989 {strides = array<i32>} : memref<14x64x128xf32, #tpu.memory_space<vmem>>, vector<1x1x16xf32>,
        %get3A_1990 = arith.index_cast %rem3A_1174 : i32 to index
        %get3A_1991 = arith.index_cast %scan3A_1941 : i32 to index
        %get3A_1992 = arith.constant 64 : index
        %get3A_1993 = tpu.vector_load %arg7[%get3A_1990, %get3A_1991, %get3A_1992] {strides = array<i32>} : memref<14x64x128xf32, #tpu.memory_space<vmem>>, vector<1x1x16xf32>,
        %get3A_1994 = vector.shape_cast %get3A_1993 : vector<1x1x16xf32> to vector<16xf32>
        %add3A_1995 = arith.addf %get3A_1994, %get3A_1160 : vector<16xf32>
        %swap3A_1996 = arith.index_cast %rem3A_1174 : i32 to index
        %swap3A_1997 = arith.index_cast %scan3A_1941 : i32 to index
        %swap3A_1998 = arith.constant 64 : index
        %swap3A_1999 = tpu.vector_load %arg7[%swap3A_1996, %swap3A_1997, %swap3A_1998] {strides = array<i32>} : memref<14x64x128xf32, #tpu.memory_space<vmem>>, vector<1x1x16xf32>,
        %swap3A_2000 = vector.shape_cast %swap3A_1999 : vector<1x1x16xf32> to vector<16xf32>
        %swap3A_2001 = vector.shape_cast %add3A_1995 : vector<16xf32> to vector<1x1x16xf32>
        tpu.vector_store %arg7[%swap3A_1996, %swap3A_1997, %swap3A_1998], %swap3A_2001 {strides = array<i32>} : memref<14x64x128xf32, #tpu.memory_space<vmem>>, vector<1x1x16xf32>,
        %get3A_2002 = arith.index_cast %rem3A_1174 : i32 to index
        %get3A_2003 = arith.index_cast %scan3A_1941 : i32 to index
        %get3A_2004 = arith.constant 80 : index
        %get3A_2005 = tpu.vector_load %arg7[%get3A_2002, %get3A_2003, %get3A_2004] {strides = array<i32>} : memref<14x64x128xf32, #tpu.memory_space<vmem>>, vector<1x1x16xf32>,
        %get3A_2006 = vector.shape_cast %get3A_2005 : vector<1x1x16xf32> to vector<16xf32>
        %add3A_2007 = arith.addf %get3A_2006, %get3A_1164 : vector<16xf32>
        %swap3A_2008 = arith.index_cast %rem3A_1174 : i32 to index
        %swap3A_2009 = arith.index_cast %scan3A_1941 : i32 to index
        %swap3A_2010 = arith.constant 80 : index
        %swap3A_2011 = tpu.vector_load %arg7[%swap3A_2008, %swap3A_2009, %swap3A_2010] {strides = array<i32>} : memref<14x64x128xf32, #tpu.memory_space<vmem>>, vector<1x1x16xf32>,
        %swap3A_2012 = vector.shape_cast %swap3A_2011 : vector<1x1x16xf32> to vector<16xf32>
        %swap3A_2013 = vector.shape_cast %add3A_2007 : vector<16xf32> to vector<1x1x16xf32>
        tpu.vector_store %arg7[%swap3A_2008, %swap3A_2009, %swap3A_2010], %swap3A_2013 {strides = array<i32>} : memref<14x64x128xf32, #tpu.memory_space<vmem>>, vector<1x1x16xf32>,
        %get3A_2014 = arith.index_cast %rem3A_1174 : i32 to index
        %get3A_2015 = arith.index_cast %scan3A_1941 : i32 to index
        %get3A_2016 = arith.constant 96 : index
        %get3A_2017 = tpu.vector_load %arg7[%get3A_2014, %get3A_2015, %get3A_2016] {strides = array<i32>} : memref<14x64x128xf32, #tpu.memory_space<vmem>>, vector<1x1x16xf32>,
        %get3A_2018 = vector.shape_cast %get3A_2017 : vector<1x1x16xf32> to vector<16xf32>
        %add3A_2019 = arith.addf %get3A_2018, %get3A_1168 : vector<16xf32>
        %swap3A_2020 = arith.index_cast %rem3A_1174 : i32 to index
        %swap3A_2021 = arith.index_cast %scan3A_1941 : i32 to index
        %swap3A_2022 = arith.constant 96 : index
        %swap3A_2023 = tpu.vector_load %arg7[%swap3A_2020, %swap3A_2021, %swap3A_2022] {strides = array<i32>} : memref<14x64x128xf32, #tpu.memory_space<vmem>>, vector<1x1x16xf32>,
        %swap3A_2024 = vector.shape_cast %swap3A_2023 : vector<1x1x16xf32> to vector<16xf32>
        %swap3A_2025 = vector.shape_cast %add3A_2019 : vector<16xf32> to vector<1x1x16xf32>
        tpu.vector_store %arg7[%swap3A_2020, %swap3A_2021, %swap3A_2022], %swap3A_2025 {strides = array<i32>} : memref<14x64x128xf32, #tpu.memory_space<vmem>>, vector<1x1x16xf32>,
        %get3A_2026 = arith.index_cast %rem3A_1174 : i32 to index
        %get3A_2027 = arith.index_cast %scan3A_1941 : i32 to index
        %get3A_2028 = arith.constant 112 : index
        %get3A_2029 = tpu.vector_load %arg7[%get3A_2026, %get3A_2027, %get3A_2028] {strides = array<i32>} : memref<14x64x128xf32, #tpu.memory_space<vmem>>, vector<1x1x16xf32>,
        %get3A_2030 = vector.shape_cast %get3A_2029 : vector<1x1x16xf32> to vector<16xf32>
        %add3A_2031 = arith.addf %get3A_2030, %get3A_1172 : vector<16xf32>
        %swap3A_2032 = arith.index_cast %rem3A_1174 : i32 to index
        %swap3A_2033 = arith.index_cast %scan3A_1941 : i32 to index
        %swap3A_2034 = arith.constant 112 : index
        %swap3A_2035 = tpu.vector_load %arg7[%swap3A_2032, %swap3A_2033, %swap3A_2034] {strides = array<i32>} : memref<14x64x128xf32, #tpu.memory_space<vmem>>, vector<1x1x16xf32>,
        %swap3A_2036 = vector.shape_cast %swap3A_2035 : vector<1x1x16xf32> to vector<16xf32>
        %swap3A_2037 = vector.shape_cast %add3A_2031 : vector<16xf32> to vector<1x1x16xf32>
        tpu.vector_store %arg7[%swap3A_2032, %swap3A_2033, %swap3A_2034], %swap3A_2037 {strides = array<i32>} : memref<14x64x128xf32, #tpu.memory_space<vmem>>, vector<1x1x16xf32>,
      }
      %scan3A_1180 = arith.constant 64 : i32
      %rem3A_1181 = arith.constant 14 : i32
      %rem3A_1182 = arith.remsi %scan3A_1101, %rem3A_1181 : i32
      %add3A_1183 = arith.addi %mul3A_2, %scan3A_1101 : i32
      %jit3A_1184 = arith.constant 16 : i32
      %div3A_1185 = arith.divsi %add3A_1183, %jit3A_1184 : i32
      %sign3A_1186 = arith.constant 0 : i32
      %sign3A_1187 = arith.cmpi sgt, %add3A_1183, %sign3A_1186 : i32
      %sign3A_1188 = arith.extui %sign3A_1187 : i1 to i32
      %sign3A_1189 = arith.constant 0 : i32
      %sign3A_1190 = arith.cmpi slt, %add3A_1183, %sign3A_1189 : i32
      %sign3A_1191 = arith.extui %sign3A_1190 : i1 to i32
      %sign3A_1192 = arith.subi %sign3A_1188, %sign3A_1191 : i32
      %sign3A_1193 = arith.constant 0 : i32
      %sign3A_1194 = arith.cmpi sgt, %jit3A_1184, %sign3A_1193 : i32
      %sign3A_1195 = arith.extui %sign3A_1194 : i1 to i32
      %sign3A_1196 = arith.constant 0 : i32
      %sign3A_1197 = arith.cmpi slt, %jit3A_1184, %sign3A_1196 : i32
      %sign3A_1198 = arith.extui %sign3A_1197 : i1 to i32
      %sign3A_1199 = arith.subi %sign3A_1195, %sign3A_1198 : i32
      %ne3A_1200 = arith.cmpi ne, %sign3A_1192, %sign3A_1199 : i32
      %rem3A_1201 = arith.remsi %add3A_1183, %jit3A_1184 : i32
      %ne3A_1202 = arith.constant 0 : i32
      %ne3A_1203 = arith.cmpi ne, %rem3A_1201, %ne3A_1202 : i32
      %and3A_1204 = arith.andi %ne3A_1200, %ne3A_1203 : i1
      %sub3A_1205 = arith.constant 1 : i32
      %sub3A_1206 = arith.subi %div3A_1185, %sub3A_1205 : i32
      %select_n3A_1207 = arith.select %and3A_1204, %sub3A_1206, %div3A_1185 : i32
      %jit3A_1208 = arith.constant 16 : i32
      %eq3A_1209 = arith.constant 0 : i32
      %eq3A_1210 = arith.cmpi eq, %jit3A_1208, %eq3A_1209 : i32
      %jit3A_1211 = arith.constant 1 : i32
      %select_n3A_1212 = arith.select %eq3A_1210, %jit3A_1211, %jit3A_1208 : i32
      %rem3A_1213 = arith.remsi %add3A_1183, %select_n3A_1212 : i32
      %ne3A_1214 = arith.constant 0 : i32
      %ne3A_1215 = arith.cmpi ne, %rem3A_1213, %ne3A_1214 : i32
      %lt3A_1216 = arith.constant 0 : i32
      %lt3A_1217 = arith.cmpi slt, %rem3A_1213, %lt3A_1216 : i32
      %lt3A_1218 = arith.constant 0 : i32
      %lt3A_1219 = arith.cmpi slt, %select_n3A_1212, %lt3A_1218 : i32
      %ne3A_1220 = arith.xori %lt3A_1217, %lt3A_1219 : i1
      %and3A_1221 = arith.andi %ne3A_1220, %ne3A_1215 : i1
      %add3A_1222 = arith.addi %rem3A_1213, %select_n3A_1212 : i32
      %select_n3A_1223 = arith.select %and3A_1221, %add3A_1222, %rem3A_1213 : i32
      %mul3A_1224 = arith.constant 64 : i32
      %mul3A_1225 = arith.muli %select_n3A_1223, %mul3A_1224 : i32
      %dma_start3A_1226 = arith.constant 0 : i32
      %dma_start3A_1227 = arith.constant 0 : i32
      %dma_start3A_1228 = tpu.memref_slice %arg7[%rem3A_1182, %dma_start3A_1226, %dma_start3A_1227] : memref<14x64x128xf32, #tpu.memory_space<vmem>> -> memref<1x64x128xf32, #tpu.memory_space<vmem>>
      %dma_start3A_1229 = tpu.memref_squeeze %dma_start3A_1228 : memref<1x64x128xf32, #tpu.memory_space<vmem>> -> memref<64x128xf32, #tpu.memory_space<vmem>>
      %dma_start3A_1230 = arith.constant 0 : i32
      %dma_start3A_1231 = tpu.memref_slice %arg5[%mul3A_1225, %select_n3A_1207, %dma_start3A_1230] : memref<1024x200x128xf32, #tpu.memory_space<hbm>> -> memref<64x1x128xf32, #tpu.memory_space<hbm>>
      %dma_start3A_1232 = tpu.memref_squeeze %dma_start3A_1231 : memref<64x1x128xf32, #tpu.memory_space<hbm>> -> memref<64x128xf32, #tpu.memory_space<hbm>>
      %dma_start3A_1233 = tpu.memref_slice %arg10[%rem3A_1182] : memref<14x!tpu.dma_semaphore, #tpu.memory_space<semaphore_mem>> -> memref<1x!tpu.dma_semaphore, #tpu.memory_space<semaphore_mem>>
      %dma_start3A_1234 = tpu.memref_squeeze %dma_start3A_1233 : memref<1x!tpu.dma_semaphore, #tpu.memory_space<semaphore_mem>> -> memref<!tpu.dma_semaphore, #tpu.memory_space<semaphore_mem>>
      %dma_start3A_1235 = arith.constant 0 : i32
      %dma_start3A_1236 = tpu.memref_slice %arg5[%mul3A_1225, %select_n3A_1207, %dma_start3A_1235] : memref<1024x200x128xf32, #tpu.memory_space<hbm>> -> memref<64x1x128xf32, #tpu.memory_space<hbm>>
      %dma_start3A_1237 = tpu.memref_squeeze %dma_start3A_1236 : memref<64x1x128xf32, #tpu.memory_space<hbm>> -> memref<64x128xf32, #tpu.memory_space<hbm>>
      %dma_start3A_1238 = arith.constant 0 : i32
      %dma_start3A_1239 = arith.constant 0 : i32
      %dma_start3A_1240 = tpu.memref_slice %arg7[%rem3A_1182, %dma_start3A_1238, %dma_start3A_1239] : memref<14x64x128xf32, #tpu.memory_space<vmem>> -> memref<1x64x128xf32, #tpu.memory_space<vmem>>
      %dma_start3A_1241 = tpu.memref_squeeze %dma_start3A_1240 : memref<1x64x128xf32, #tpu.memory_space<vmem>> -> memref<64x128xf32, #tpu.memory_space<vmem>>
      tpu.enqueue_dma source(%dma_start3A_1241 : memref<64x128xf32, #tpu.memory_space<vmem>>) target(%dma_start3A_1237 : memref<64x128xf32, #tpu.memory_space<hbm>>) target_semaphore(%dma_start3A_1234 : memref<!tpu.dma_semaphore, #tpu.memory_space<semaphore_mem>>)
      %ge3A = arith.constant 1 : i32
      %ge3A_1242 = arith.cmpi sge, %scan3A_1101, %ge3A : i32
      %add3A_1243 = arith.constant 13 : i32
      %add3A_1244 = arith.addi %scan3A_1101, %add3A_1243 : i32
      %lt3A_1245 = arith.constant 100 : i32
      %lt3A_1246 = arith.cmpi slt, %add3A_1244, %lt3A_1245 : i32
      %and3A_1247 = arith.andi %ge3A_1242, %lt3A_1246 : i1
      %convert_element_type3A = arith.extui %and3A_1247 : i1 to i32
      %cond3A = arith.constant 0 : i32
      %cond3A_1248 = arith.cmpi ne, %convert_element_type3A, %cond3A : i32
      scf.if %cond3A_1248 {
        %sub3A_1256 = arith.constant 1 : i32
        %sub3A_1257 = arith.subi %scan3A_1101, %sub3A_1256 : i32
        %rem3A_1258 = arith.constant 14 : i32
        %rem3A_1259 = arith.remsi %sub3A_1257, %rem3A_1258 : i32
        %add3A_1260 = arith.addi %mul3A_2, %sub3A_1257 : i32
        %jit3A_1261 = arith.constant 16 : i32
        %div3A_1262 = arith.divsi %add3A_1260, %jit3A_1261 : i32
        %sign3A_1263 = arith.constant 0 : i32
        %sign3A_1264 = arith.cmpi sgt, %add3A_1260, %sign3A_1263 : i32
        %sign3A_1265 = arith.extui %sign3A_1264 : i1 to i32
        %sign3A_1266 = arith.constant 0 : i32
        %sign3A_1267 = arith.cmpi slt, %add3A_1260, %sign3A_1266 : i32
        %sign3A_1268 = arith.extui %sign3A_1267 : i1 to i32
        %sign3A_1269 = arith.subi %sign3A_1265, %sign3A_1268 : i32
        %sign3A_1270 = arith.constant 0 : i32
        %sign3A_1271 = arith.cmpi sgt, %jit3A_1261, %sign3A_1270 : i32
        %sign3A_1272 = arith.extui %sign3A_1271 : i1 to i32
        %sign3A_1273 = arith.constant 0 : i32
        %sign3A_1274 = arith.cmpi slt, %jit3A_1261, %sign3A_1273 : i32
        %sign3A_1275 = arith.extui %sign3A_1274 : i1 to i32
        %sign3A_1276 = arith.subi %sign3A_1272, %sign3A_1275 : i32
        %ne3A_1277 = arith.cmpi ne, %sign3A_1269, %sign3A_1276 : i32
        %rem3A_1278 = arith.remsi %add3A_1260, %jit3A_1261 : i32
        %ne3A_1279 = arith.constant 0 : i32
        %ne3A_1280 = arith.cmpi ne, %rem3A_1278, %ne3A_1279 : i32
        %and3A_1281 = arith.andi %ne3A_1277, %ne3A_1280 : i1
        %sub3A_1282 = arith.constant 1 : i32
        %sub3A_1283 = arith.subi %div3A_1262, %sub3A_1282 : i32
        %select_n3A_1284 = arith.select %and3A_1281, %sub3A_1283, %div3A_1262 : i32
        %jit3A_1285 = arith.constant 16 : i32
        %eq3A_1286 = arith.constant 0 : i32
        %eq3A_1287 = arith.cmpi eq, %jit3A_1285, %eq3A_1286 : i32
        %jit3A_1288 = arith.constant 1 : i32
        %select_n3A_1289 = arith.select %eq3A_1287, %jit3A_1288, %jit3A_1285 : i32
        %rem3A_1290 = arith.remsi %add3A_1260, %select_n3A_1289 : i32
        %ne3A_1291 = arith.constant 0 : i32
        %ne3A_1292 = arith.cmpi ne, %rem3A_1290, %ne3A_1291 : i32
        %lt3A_1293 = arith.constant 0 : i32
        %lt3A_1294 = arith.cmpi slt, %rem3A_1290, %lt3A_1293 : i32
        %lt3A_1295 = arith.constant 0 : i32
        %lt3A_1296 = arith.cmpi slt, %select_n3A_1289, %lt3A_1295 : i32
        %ne3A_1297 = arith.xori %lt3A_1294, %lt3A_1296 : i1
        %and3A_1298 = arith.andi %ne3A_1297, %ne3A_1292 : i1
        %add3A_1299 = arith.addi %rem3A_1290, %select_n3A_1289 : i32
        %select_n3A_1300 = arith.select %and3A_1298, %add3A_1299, %rem3A_1290 : i32
        %mul3A_1301 = arith.constant 64 : i32
        %mul3A_1302 = arith.muli %select_n3A_1300, %mul3A_1301 : i32
        %dma_wait3A_1303 = arith.constant 0 : i32
        %dma_wait3A_1304 = arith.constant 0 : i32
        %dma_wait3A_1305 = tpu.memref_slice %arg7[%rem3A_1259, %dma_wait3A_1303, %dma_wait3A_1304] : memref<14x64x128xf32, #tpu.memory_space<vmem>> -> memref<1x64x128xf32, #tpu.memory_space<vmem>>
        %dma_wait3A_1306 = tpu.memref_squeeze %dma_wait3A_1305 : memref<1x64x128xf32, #tpu.memory_space<vmem>> -> memref<64x128xf32, #tpu.memory_space<vmem>>
        %dma_wait3A_1307 = arith.constant 0 : i32
        %dma_wait3A_1308 = tpu.memref_slice %arg5[%mul3A_1302, %select_n3A_1284, %dma_wait3A_1307] : memref<1024x200x128xf32, #tpu.memory_space<hbm>> -> memref<64x1x128xf32, #tpu.memory_space<hbm>>
        %dma_wait3A_1309 = tpu.memref_squeeze %dma_wait3A_1308 : memref<64x1x128xf32, #tpu.memory_space<hbm>> -> memref<64x128xf32, #tpu.memory_space<hbm>>
        %dma_wait3A_1310 = tpu.memref_slice %arg10[%rem3A_1259] : memref<14x!tpu.dma_semaphore, #tpu.memory_space<semaphore_mem>> -> memref<1x!tpu.dma_semaphore, #tpu.memory_space<semaphore_mem>>
        %dma_wait3A_1311 = tpu.memref_squeeze %dma_wait3A_1310 : memref<1x!tpu.dma_semaphore, #tpu.memory_space<semaphore_mem>> -> memref<!tpu.dma_semaphore, #tpu.memory_space<semaphore_mem>>
        %dma_wait3A_1312 = arith.constant 0 : i32
        %dma_wait3A_1313 = tpu.memref_slice %arg5[%mul3A_1302, %select_n3A_1284, %dma_wait3A_1312] : memref<1024x200x128xf32, #tpu.memory_space<hbm>> -> memref<64x1x128xf32, #tpu.memory_space<hbm>>
        %dma_wait3A_1314 = tpu.memref_squeeze %dma_wait3A_1313 : memref<64x1x128xf32, #tpu.memory_space<hbm>> -> memref<64x128xf32, #tpu.memory_space<hbm>>
        %dma_wait3A_1315 = arith.constant 0 : i32
        %dma_wait3A_1316 = arith.constant 0 : i32
        %dma_wait3A_1317 = tpu.memref_slice %arg7[%rem3A_1259, %dma_wait3A_1315, %dma_wait3A_1316] : memref<14x64x128xf32, #tpu.memory_space<vmem>> -> memref<1x64x128xf32, #tpu.memory_space<vmem>>
        %dma_wait3A_1318 = tpu.memref_squeeze %dma_wait3A_1317 : memref<1x64x128xf32, #tpu.memory_space<vmem>> -> memref<64x128xf32, #tpu.memory_space<vmem>>
        tpu.wait_dma2 semaphore(%dma_wait3A_1311 : memref<!tpu.dma_semaphore, #tpu.memory_space<semaphore_mem>>) src(%dma_wait3A_1318 : memref<64x128xf32, #tpu.memory_space<vmem>>) dst(%dma_wait3A_1314 : memref<64x128xf32, #tpu.memory_space<hbm>>)
      } else {
      }
      %add3A_1249 = arith.constant 13 : i32
      %add3A_1250 = arith.addi %scan3A_1101, %add3A_1249 : i32
      %lt3A_1251 = arith.constant 100 : i32
      %lt3A_1252 = arith.cmpi slt, %add3A_1250, %lt3A_1251 : i32
      %convert_element_type3A_1253 = arith.extui %lt3A_1252 : i1 to i32
      %cond3A_1254 = arith.constant 0 : i32
      %cond3A_1255 = arith.cmpi ne, %convert_element_type3A_1253, %cond3A_1254 : i32
      scf.if %cond3A_1255 {
        %add3A_1256 = arith.constant 13 : i32
        %add3A_1257 = arith.addi %scan3A_1101, %add3A_1256 : i32
        %rem3A_1258 = arith.constant 14 : i32
        %rem3A_1259 = arith.remsi %add3A_1257, %rem3A_1258 : i32
        %mul3A_1260 = arith.constant 128 : i32
        %mul3A_1261 = arith.muli %add3A_1257, %mul3A_1260 : i32
        %dma_start3A_1262 = arith.constant 0 : i32
        %dma_start3A_1263 = arith.constant 0 : i32
        %dma_start3A_1264 = tpu.memref_slice %arg7[%rem3A_1259, %dma_start3A_1262, %dma_start3A_1263] : memref<14x64x128xf32, #tpu.memory_space<vmem>> -> memref<1x64x128xf32, #tpu.memory_space<vmem>>
        %dma_start3A_1265 = tpu.memref_squeeze %dma_start3A_1264 : memref<1x64x128xf32, #tpu.memory_space<vmem>> -> memref<64x128xf32, #tpu.memory_space<vmem>>
        %dma_start3A_1266 = tpu.memref_slice %arg6[%mul3A_1261] : memref<12800xi32, #tpu.memory_space<vmem>> -> memref<64xi32, #tpu.memory_space<vmem>>
        %dma_start3A_1267 = arith.constant 0 : i32
        %dma_start3A_1268 = arith.constant 0 : i32
        %dma_start3A_1269 = tpu.memref_slice %arg3[%dma_start3A_1267, %dma_start3A_1268] : memref<100000x128xf32, #tpu.memory_space<hbm>> -> memref<100000x128xf32, #tpu.memory_space<hbm>>
        %dma_start3A_1270 = tpu.memref_slice %arg9[%rem3A_1259] : memref<14x!tpu.dma_semaphore, #tpu.memory_space<semaphore_mem>> -> memref<1x!tpu.dma_semaphore, #tpu.memory_space<semaphore_mem>>
        %dma_start3A_1271 = tpu.memref_squeeze %dma_start3A_1270 : memref<1x!tpu.dma_semaphore, #tpu.memory_space<semaphore_mem>> -> memref<!tpu.dma_semaphore, #tpu.memory_space<semaphore_mem>>
        tpu.enqueue_indirect_dma source(%dma_start3A_1269 : memref<100000x128xf32, #tpu.memory_space<hbm>>) target(%dma_start3A_1265 : memref<64x128xf32, #tpu.memory_space<vmem>>) offsets(%dma_start3A_1266 : memref<64xi32, #tpu.memory_space<vmem>>) semaphore(%dma_start3A_1271 : memref<!tpu.dma_semaphore, #tpu.memory_space<semaphore_mem>>)
      } else {
      }
    }
    %scan3A_220 = arith.constant 100 : i32
    %rem3A_221 = arith.constant 86 : i32
    %rem3A_222 = arith.constant 14 : i32
    %rem3A_223 = arith.remsi %rem3A_221, %rem3A_222 : i32
    %add3A_224 = arith.constant 86 : i32
    %add3A_225 = arith.addi %mul3A_2, %add3A_224 : i32
    %jit3A_226 = arith.constant 16 : i32
    %div3A_227 = arith.divsi %add3A_225, %jit3A_226 : i32
    %sign3A_228 = arith.constant 0 : i32
    %sign3A_229 = arith.cmpi sgt, %add3A_225, %sign3A_228 : i32
    %sign3A_230 = arith.extui %sign3A_229 : i1 to i32
    %sign3A_231 = arith.constant 0 : i32
    %sign3A_232 = arith.cmpi slt, %add3A_225, %sign3A_231 : i32
    %sign3A_233 = arith.extui %sign3A_232 : i1 to i32
    %sign3A_234 = arith.subi %sign3A_230, %sign3A_233 : i32
    %sign3A_235 = arith.constant 0 : i32
    %sign3A_236 = arith.cmpi sgt, %jit3A_226, %sign3A_235 : i32
    %sign3A_237 = arith.extui %sign3A_236 : i1 to i32
    %sign3A_238 = arith.constant 0 : i32
    %sign3A_239 = arith.cmpi slt, %jit3A_226, %sign3A_238 : i32
    %sign3A_240 = arith.extui %sign3A_239 : i1 to i32
    %sign3A_241 = arith.subi %sign3A_237, %sign3A_240 : i32
    %ne3A_242 = arith.cmpi ne, %sign3A_234, %sign3A_241 : i32
    %rem3A_243 = arith.remsi %add3A_225, %jit3A_226 : i32
    %ne3A_244 = arith.constant 0 : i32
    %ne3A_245 = arith.cmpi ne, %rem3A_243, %ne3A_244 : i32
    %and3A_246 = arith.andi %ne3A_242, %ne3A_245 : i1
    %sub3A_247 = arith.constant 1 : i32
    %sub3A_248 = arith.subi %div3A_227, %sub3A_247 : i32
    %select_n3A_249 = arith.select %and3A_246, %sub3A_248, %div3A_227 : i32
    %jit3A_250 = arith.constant 16 : i32
    %eq3A = arith.constant 0 : i32
    %eq3A_251 = arith.cmpi eq, %jit3A_250, %eq3A : i32
    %jit3A_252 = arith.constant 1 : i32
    %select_n3A_253 = arith.select %eq3A_251, %jit3A_252, %jit3A_250 : i32
    %rem3A_254 = arith.remsi %add3A_225, %select_n3A_253 : i32
    %ne3A_255 = arith.constant 0 : i32
    %ne3A_256 = arith.cmpi ne, %rem3A_254, %ne3A_255 : i32
    %lt3A = arith.constant 0 : i32
    %lt3A_257 = arith.cmpi slt, %rem3A_254, %lt3A : i32
    %lt3A_258 = arith.constant 0 : i32
    %lt3A_259 = arith.cmpi slt, %select_n3A_253, %lt3A_258 : i32
    %ne3A_260 = arith.xori %lt3A_257, %lt3A_259 : i1
    %and3A_261 = arith.andi %ne3A_260, %ne3A_256 : i1
    %add3A_262 = arith.addi %rem3A_254, %select_n3A_253 : i32
    %select_n3A_263 = arith.select %and3A_261, %add3A_262, %rem3A_254 : i32
    %mul3A_264 = arith.constant 64 : i32
    %mul3A_265 = arith.muli %select_n3A_263, %mul3A_264 : i32
    %dma_wait3A_266 = arith.constant 0 : i32
    %dma_wait3A_267 = arith.constant 0 : i32
    %dma_wait3A_268 = tpu.memref_slice %arg7[%rem3A_223, %dma_wait3A_266, %dma_wait3A_267] : memref<14x64x128xf32, #tpu.memory_space<vmem>> -> memref<1x64x128xf32, #tpu.memory_space<vmem>>
    %dma_wait3A_269 = tpu.memref_squeeze %dma_wait3A_268 : memref<1x64x128xf32, #tpu.memory_space<vmem>> -> memref<64x128xf32, #tpu.memory_space<vmem>>
    %dma_wait3A_270 = arith.constant 0 : i32
    %dma_wait3A_271 = tpu.memref_slice %arg5[%mul3A_265, %select_n3A_249, %dma_wait3A_270] : memref<1024x200x128xf32, #tpu.memory_space<hbm>> -> memref<64x1x128xf32, #tpu.memory_space<hbm>>
    %dma_wait3A_272 = tpu.memref_squeeze %dma_wait3A_271 : memref<64x1x128xf32, #tpu.memory_space<hbm>> -> memref<64x128xf32, #tpu.memory_space<hbm>>
    %dma_wait3A_273 = tpu.memref_slice %arg10[%rem3A_223] : memref<14x!tpu.dma_semaphore, #tpu.memory_space<semaphore_mem>> -> memref<1x!tpu.dma_semaphore, #tpu.memory_space<semaphore_mem>>
    %dma_wait3A_274 = tpu.memref_squeeze %dma_wait3A_273 : memref<1x!tpu.dma_semaphore, #tpu.memory_space<semaphore_mem>> -> memref<!tpu.dma_semaphore, #tpu.memory_space<semaphore_mem>>
    %dma_wait3A_275 = arith.constant 0 : i32
    %dma_wait3A_276 = tpu.memref_slice %arg5[%mul3A_265, %select_n3A_249, %dma_wait3A_275] : memref<1024x200x128xf32, #tpu.memory_space<hbm>> -> memref<64x1x128xf32, #tpu.memory_space<hbm>>
    %dma_wait3A_277 = tpu.memref_squeeze %dma_wait3A_276 : memref<64x1x128xf32, #tpu.memory_space<hbm>> -> memref<64x128xf32, #tpu.memory_space<hbm>>
    %dma_wait3A_278 = arith.constant 0 : i32
    %dma_wait3A_279 = arith.constant 0 : i32
    %dma_wait3A_280 = tpu.memref_slice %arg7[%rem3A_223, %dma_wait3A_278, %dma_wait3A_279] : memref<14x64x128xf32, #tpu.memory_space<vmem>> -> memref<1x64x128xf32, #tpu.memory_space<vmem>>
    %dma_wait3A_281 = tpu.memref_squeeze %dma_wait3A_280 : memref<1x64x128xf32, #tpu.memory_space<vmem>> -> memref<64x128xf32, #tpu.memory_space<vmem>>
    tpu.wait_dma2 semaphore(%dma_wait3A_274 : memref<!tpu.dma_semaphore, #tpu.memory_space<semaphore_mem>>) src(%dma_wait3A_281 : memref<64x128xf32, #tpu.memory_space<vmem>>) dst(%dma_wait3A_277 : memref<64x128xf32, #tpu.memory_space<hbm>>)
    %rem3A_282 = arith.constant 87 : i32
    %rem3A_283 = arith.constant 14 : i32
    %rem3A_284 = arith.remsi %rem3A_282, %rem3A_283 : i32
    %add3A_285 = arith.constant 87 : i32
    %add3A_286 = arith.addi %mul3A_2, %add3A_285 : i32
    %jit3A_287 = arith.constant 16 : i32
    %div3A_288 = arith.divsi %add3A_286, %jit3A_287 : i32
    %sign3A_289 = arith.constant 0 : i32
    %sign3A_290 = arith.cmpi sgt, %add3A_286, %sign3A_289 : i32
    %sign3A_291 = arith.extui %sign3A_290 : i1 to i32
    %sign3A_292 = arith.constant 0 : i32
    %sign3A_293 = arith.cmpi slt, %add3A_286, %sign3A_292 : i32
    %sign3A_294 = arith.extui %sign3A_293 : i1 to i32
    %sign3A_295 = arith.subi %sign3A_291, %sign3A_294 : i32
    %sign3A_296 = arith.constant 0 : i32
    %sign3A_297 = arith.cmpi sgt, %jit3A_287, %sign3A_296 : i32
    %sign3A_298 = arith.extui %sign3A_297 : i1 to i32
    %sign3A_299 = arith.constant 0 : i32
    %sign3A_300 = arith.cmpi slt, %jit3A_287, %sign3A_299 : i32
    %sign3A_301 = arith.extui %sign3A_300 : i1 to i32
    %sign3A_302 = arith.subi %sign3A_298, %sign3A_301 : i32
    %ne3A_303 = arith.cmpi ne, %sign3A_295, %sign3A_302 : i32
    %rem3A_304 = arith.remsi %add3A_286, %jit3A_287 : i32
    %ne3A_305 = arith.constant 0 : i32
    %ne3A_306 = arith.cmpi ne, %rem3A_304, %ne3A_305 : i32
    %and3A_307 = arith.andi %ne3A_303, %ne3A_306 : i1
    %sub3A_308 = arith.constant 1 : i32
    %sub3A_309 = arith.subi %div3A_288, %sub3A_308 : i32
    %select_n3A_310 = arith.select %and3A_307, %sub3A_309, %div3A_288 : i32
    %jit3A_311 = arith.constant 16 : i32
    %eq3A_312 = arith.constant 0 : i32
    %eq3A_313 = arith.cmpi eq, %jit3A_311, %eq3A_312 : i32
    %jit3A_314 = arith.constant 1 : i32
    %select_n3A_315 = arith.select %eq3A_313, %jit3A_314, %jit3A_311 : i32
    %rem3A_316 = arith.remsi %add3A_286, %select_n3A_315 : i32
    %ne3A_317 = arith.constant 0 : i32
    %ne3A_318 = arith.cmpi ne, %rem3A_316, %ne3A_317 : i32
    %lt3A_319 = arith.constant 0 : i32
    %lt3A_320 = arith.cmpi slt, %rem3A_316, %lt3A_319 : i32
    %lt3A_321 = arith.constant 0 : i32
    %lt3A_322 = arith.cmpi slt, %select_n3A_315, %lt3A_321 : i32
    %ne3A_323 = arith.xori %lt3A_320, %lt3A_322 : i1
    %and3A_324 = arith.andi %ne3A_323, %ne3A_318 : i1
    %add3A_325 = arith.addi %rem3A_316, %select_n3A_315 : i32
    %select_n3A_326 = arith.select %and3A_324, %add3A_325, %rem3A_316 : i32
    %mul3A_327 = arith.constant 64 : i32
    %mul3A_328 = arith.muli %select_n3A_326, %mul3A_327 : i32
    %dma_wait3A_329 = arith.constant 0 : i32
    %dma_wait3A_330 = arith.constant 0 : i32
    %dma_wait3A_331 = tpu.memref_slice %arg7[%rem3A_284, %dma_wait3A_329, %dma_wait3A_330] : memref<14x64x128xf32, #tpu.memory_space<vmem>> -> memref<1x64x128xf32, #tpu.memory_space<vmem>>
    %dma_wait3A_332 = tpu.memref_squeeze %dma_wait3A_331 : memref<1x64x128xf32, #tpu.memory_space<vmem>> -> memref<64x128xf32, #tpu.memory_space<vmem>>
    %dma_wait3A_333 = arith.constant 0 : i32
    %dma_wait3A_334 = tpu.memref_slice %arg5[%mul3A_328, %select_n3A_310, %dma_wait3A_333] : memref<1024x200x128xf32, #tpu.memory_space<hbm>> -> memref<64x1x128xf32, #tpu.memory_space<hbm>>
    %dma_wait3A_335 = tpu.memref_squeeze %dma_wait3A_334 : memref<64x1x128xf32, #tpu.memory_space<hbm>> -> memref<64x128xf32, #tpu.memory_space<hbm>>
    %dma_wait3A_336 = tpu.memref_slice %arg10[%rem3A_284] : memref<14x!tpu.dma_semaphore, #tpu.memory_space<semaphore_mem>> -> memref<1x!tpu.dma_semaphore, #tpu.memory_space<semaphore_mem>>
    %dma_wait3A_337 = tpu.memref_squeeze %dma_wait3A_336 : memref<1x!tpu.dma_semaphore, #tpu.memory_space<semaphore_mem>> -> memref<!tpu.dma_semaphore, #tpu.memory_space<semaphore_mem>>
    %dma_wait3A_338 = arith.constant 0 : i32
    %dma_wait3A_339 = tpu.memref_slice %arg5[%mul3A_328, %select_n3A_310, %dma_wait3A_338] : memref<1024x200x128xf32, #tpu.memory_space<hbm>> -> memref<64x1x128xf32, #tpu.memory_space<hbm>>
    %dma_wait3A_340 = tpu.memref_squeeze %dma_wait3A_339 : memref<64x1x128xf32, #tpu.memory_space<hbm>> -> memref<64x128xf32, #tpu.memory_space<hbm>>
    %dma_wait3A_341 = arith.constant 0 : i32
    %dma_wait3A_342 = arith.constant 0 : i32
    %dma_wait3A_343 = tpu.memref_slice %arg7[%rem3A_284, %dma_wait3A_341, %dma_wait3A_342] : memref<14x64x128xf32, #tpu.memory_space<vmem>> -> memref<1x64x128xf32, #tpu.memory_space<vmem>>
    %dma_wait3A_344 = tpu.memref_squeeze %dma_wait3A_343 : memref<1x64x128xf32, #tpu.memory_space<vmem>> -> memref<64x128xf32, #tpu.memory_space<vmem>>
    tpu.wait_dma2 semaphore(%dma_wait3A_337 : memref<!tpu.dma_semaphore, #tpu.memory_space<semaphore_mem>>) src(%dma_wait3A_344 : memref<64x128xf32, #tpu.memory_space<vmem>>) dst(%dma_wait3A_340 : memref<64x128xf32, #tpu.memory_space<hbm>>)
    %rem3A_345 = arith.constant 88 : i32
    %rem3A_346 = arith.constant 14 : i32
    %rem3A_347 = arith.remsi %rem3A_345, %rem3A_346 : i32
    %add3A_348 = arith.constant 88 : i32
    %add3A_349 = arith.addi %mul3A_2, %add3A_348 : i32
    %jit3A_350 = arith.constant 16 : i32
    %div3A_351 = arith.divsi %add3A_349, %jit3A_350 : i32
    %sign3A_352 = arith.constant 0 : i32
    %sign3A_353 = arith.cmpi sgt, %add3A_349, %sign3A_352 : i32
    %sign3A_354 = arith.extui %sign3A_353 : i1 to i32
    %sign3A_355 = arith.constant 0 : i32
    %sign3A_356 = arith.cmpi slt, %add3A_349, %sign3A_355 : i32
    %sign3A_357 = arith.extui %sign3A_356 : i1 to i32
    %sign3A_358 = arith.subi %sign3A_354, %sign3A_357 : i32
    %sign3A_359 = arith.constant 0 : i32
    %sign3A_360 = arith.cmpi sgt, %jit3A_350, %sign3A_359 : i32
    %sign3A_361 = arith.extui %sign3A_360 : i1 to i32
    %sign3A_362 = arith.constant 0 : i32
    %sign3A_363 = arith.cmpi slt, %jit3A_350, %sign3A_362 : i32
    %sign3A_364 = arith.extui %sign3A_363 : i1 to i32
    %sign3A_365 = arith.subi %sign3A_361, %sign3A_364 : i32
    %ne3A_366 = arith.cmpi ne, %sign3A_358, %sign3A_365 : i32
    %rem3A_367 = arith.remsi %add3A_349, %jit3A_350 : i32
    %ne3A_368 = arith.constant 0 : i32
    %ne3A_369 = arith.cmpi ne, %rem3A_367, %ne3A_368 : i32
    %and3A_370 = arith.andi %ne3A_366, %ne3A_369 : i1
    %sub3A_371 = arith.constant 1 : i32
    %sub3A_372 = arith.subi %div3A_351, %sub3A_371 : i32
    %select_n3A_373 = arith.select %and3A_370, %sub3A_372, %div3A_351 : i32
    %jit3A_374 = arith.constant 16 : i32
    %eq3A_375 = arith.constant 0 : i32
    %eq3A_376 = arith.cmpi eq, %jit3A_374, %eq3A_375 : i32
    %jit3A_377 = arith.constant 1 : i32
    %select_n3A_378 = arith.select %eq3A_376, %jit3A_377, %jit3A_374 : i32
    %rem3A_379 = arith.remsi %add3A_349, %select_n3A_378 : i32
    %ne3A_380 = arith.constant 0 : i32
    %ne3A_381 = arith.cmpi ne, %rem3A_379, %ne3A_380 : i32
    %lt3A_382 = arith.constant 0 : i32
    %lt3A_383 = arith.cmpi slt, %rem3A_379, %lt3A_382 : i32
    %lt3A_384 = arith.constant 0 : i32
    %lt3A_385 = arith.cmpi slt, %select_n3A_378, %lt3A_384 : i32
    %ne3A_386 = arith.xori %lt3A_383, %lt3A_385 : i1
    %and3A_387 = arith.andi %ne3A_386, %ne3A_381 : i1
    %add3A_388 = arith.addi %rem3A_379, %select_n3A_378 : i32
    %select_n3A_389 = arith.select %and3A_387, %add3A_388, %rem3A_379 : i32
    %mul3A_390 = arith.constant 64 : i32
    %mul3A_391 = arith.muli %select_n3A_389, %mul3A_390 : i32
    %dma_wait3A_392 = arith.constant 0 : i32
    %dma_wait3A_393 = arith.constant 0 : i32
    %dma_wait3A_394 = tpu.memref_slice %arg7[%rem3A_347, %dma_wait3A_392, %dma_wait3A_393] : memref<14x64x128xf32, #tpu.memory_space<vmem>> -> memref<1x64x128xf32, #tpu.memory_space<vmem>>
    %dma_wait3A_395 = tpu.memref_squeeze %dma_wait3A_394 : memref<1x64x128xf32, #tpu.memory_space<vmem>> -> memref<64x128xf32, #tpu.memory_space<vmem>>
    %dma_wait3A_396 = arith.constant 0 : i32
    %dma_wait3A_397 = tpu.memref_slice %arg5[%mul3A_391, %select_n3A_373, %dma_wait3A_396] : memref<1024x200x128xf32, #tpu.memory_space<hbm>> -> memref<64x1x128xf32, #tpu.memory_space<hbm>>
    %dma_wait3A_398 = tpu.memref_squeeze %dma_wait3A_397 : memref<64x1x128xf32, #tpu.memory_space<hbm>> -> memref<64x128xf32, #tpu.memory_space<hbm>>
    %dma_wait3A_399 = tpu.memref_slice %arg10[%rem3A_347] : memref<14x!tpu.dma_semaphore, #tpu.memory_space<semaphore_mem>> -> memref<1x!tpu.dma_semaphore, #tpu.memory_space<semaphore_mem>>
    %dma_wait3A_400 = tpu.memref_squeeze %dma_wait3A_399 : memref<1x!tpu.dma_semaphore, #tpu.memory_space<semaphore_mem>> -> memref<!tpu.dma_semaphore, #tpu.memory_space<semaphore_mem>>
    %dma_wait3A_401 = arith.constant 0 : i32
    %dma_wait3A_402 = tpu.memref_slice %arg5[%mul3A_391, %select_n3A_373, %dma_wait3A_401] : memref<1024x200x128xf32, #tpu.memory_space<hbm>> -> memref<64x1x128xf32, #tpu.memory_space<hbm>>
    %dma_wait3A_403 = tpu.memref_squeeze %dma_wait3A_402 : memref<64x1x128xf32, #tpu.memory_space<hbm>> -> memref<64x128xf32, #tpu.memory_space<hbm>>
    %dma_wait3A_404 = arith.constant 0 : i32
    %dma_wait3A_405 = arith.constant 0 : i32
    %dma_wait3A_406 = tpu.memref_slice %arg7[%rem3A_347, %dma_wait3A_404, %dma_wait3A_405] : memref<14x64x128xf32, #tpu.memory_space<vmem>> -> memref<1x64x128xf32, #tpu.memory_space<vmem>>
    %dma_wait3A_407 = tpu.memref_squeeze %dma_wait3A_406 : memref<1x64x128xf32, #tpu.memory_space<vmem>> -> memref<64x128xf32, #tpu.memory_space<vmem>>
    tpu.wait_dma2 semaphore(%dma_wait3A_400 : memref<!tpu.dma_semaphore, #tpu.memory_space<semaphore_mem>>) src(%dma_wait3A_407 : memref<64x128xf32, #tpu.memory_space<vmem>>) dst(%dma_wait3A_403 : memref<64x128xf32, #tpu.memory_space<hbm>>)
    %rem3A_408 = arith.constant 89 : i32
    %rem3A_409 = arith.constant 14 : i32
    %rem3A_410 = arith.remsi %rem3A_408, %rem3A_409 : i32
    %add3A_411 = arith.constant 89 : i32
    %add3A_412 = arith.addi %mul3A_2, %add3A_411 : i32
    %jit3A_413 = arith.constant 16 : i32
    %div3A_414 = arith.divsi %add3A_412, %jit3A_413 : i32
    %sign3A_415 = arith.constant 0 : i32
    %sign3A_416 = arith.cmpi sgt, %add3A_412, %sign3A_415 : i32
    %sign3A_417 = arith.extui %sign3A_416 : i1 to i32
    %sign3A_418 = arith.constant 0 : i32
    %sign3A_419 = arith.cmpi slt, %add3A_412, %sign3A_418 : i32
    %sign3A_420 = arith.extui %sign3A_419 : i1 to i32
    %sign3A_421 = arith.subi %sign3A_417, %sign3A_420 : i32
    %sign3A_422 = arith.constant 0 : i32
    %sign3A_423 = arith.cmpi sgt, %jit3A_413, %sign3A_422 : i32
    %sign3A_424 = arith.extui %sign3A_423 : i1 to i32
    %sign3A_425 = arith.constant 0 : i32
    %sign3A_426 = arith.cmpi slt, %jit3A_413, %sign3A_425 : i32
    %sign3A_427 = arith.extui %sign3A_426 : i1 to i32
    %sign3A_428 = arith.subi %sign3A_424, %sign3A_427 : i32
    %ne3A_429 = arith.cmpi ne, %sign3A_421, %sign3A_428 : i32
    %rem3A_430 = arith.remsi %add3A_412, %jit3A_413 : i32
    %ne3A_431 = arith.constant 0 : i32
    %ne3A_432 = arith.cmpi ne, %rem3A_430, %ne3A_431 : i32
    %and3A_433 = arith.andi %ne3A_429, %ne3A_432 : i1
    %sub3A_434 = arith.constant 1 : i32
    %sub3A_435 = arith.subi %div3A_414, %sub3A_434 : i32
    %select_n3A_436 = arith.select %and3A_433, %sub3A_435, %div3A_414 : i32
    %jit3A_437 = arith.constant 16 : i32
    %eq3A_438 = arith.constant 0 : i32
    %eq3A_439 = arith.cmpi eq, %jit3A_437, %eq3A_438 : i32
    %jit3A_440 = arith.constant 1 : i32
    %select_n3A_441 = arith.select %eq3A_439, %jit3A_440, %jit3A_437 : i32
    %rem3A_442 = arith.remsi %add3A_412, %select_n3A_441 : i32
    %ne3A_443 = arith.constant 0 : i32
    %ne3A_444 = arith.cmpi ne, %rem3A_442, %ne3A_443 : i32
    %lt3A_445 = arith.constant 0 : i32
    %lt3A_446 = arith.cmpi slt, %rem3A_442, %lt3A_445 : i32
    %lt3A_447 = arith.constant 0 : i32
    %lt3A_448 = arith.cmpi slt, %select_n3A_441, %lt3A_447 : i32
    %ne3A_449 = arith.xori %lt3A_446, %lt3A_448 : i1
    %and3A_450 = arith.andi %ne3A_449, %ne3A_444 : i1
    %add3A_451 = arith.addi %rem3A_442, %select_n3A_441 : i32
    %select_n3A_452 = arith.select %and3A_450, %add3A_451, %rem3A_442 : i32
    %mul3A_453 = arith.constant 64 : i32
    %mul3A_454 = arith.muli %select_n3A_452, %mul3A_453 : i32
    %dma_wait3A_455 = arith.constant 0 : i32
    %dma_wait3A_456 = arith.constant 0 : i32
    %dma_wait3A_457 = tpu.memref_slice %arg7[%rem3A_410, %dma_wait3A_455, %dma_wait3A_456] : memref<14x64x128xf32, #tpu.memory_space<vmem>> -> memref<1x64x128xf32, #tpu.memory_space<vmem>>
    %dma_wait3A_458 = tpu.memref_squeeze %dma_wait3A_457 : memref<1x64x128xf32, #tpu.memory_space<vmem>> -> memref<64x128xf32, #tpu.memory_space<vmem>>
    %dma_wait3A_459 = arith.constant 0 : i32
    %dma_wait3A_460 = tpu.memref_slice %arg5[%mul3A_454, %select_n3A_436, %dma_wait3A_459] : memref<1024x200x128xf32, #tpu.memory_space<hbm>> -> memref<64x1x128xf32, #tpu.memory_space<hbm>>
    %dma_wait3A_461 = tpu.memref_squeeze %dma_wait3A_460 : memref<64x1x128xf32, #tpu.memory_space<hbm>> -> memref<64x128xf32, #tpu.memory_space<hbm>>
    %dma_wait3A_462 = tpu.memref_slice %arg10[%rem3A_410] : memref<14x!tpu.dma_semaphore, #tpu.memory_space<semaphore_mem>> -> memref<1x!tpu.dma_semaphore, #tpu.memory_space<semaphore_mem>>
    %dma_wait3A_463 = tpu.memref_squeeze %dma_wait3A_462 : memref<1x!tpu.dma_semaphore, #tpu.memory_space<semaphore_mem>> -> memref<!tpu.dma_semaphore, #tpu.memory_space<semaphore_mem>>
    %dma_wait3A_464 = arith.constant 0 : i32
    %dma_wait3A_465 = tpu.memref_slice %arg5[%mul3A_454, %select_n3A_436, %dma_wait3A_464] : memref<1024x200x128xf32, #tpu.memory_space<hbm>> -> memref<64x1x128xf32, #tpu.memory_space<hbm>>
    %dma_wait3A_466 = tpu.memref_squeeze %dma_wait3A_465 : memref<64x1x128xf32, #tpu.memory_space<hbm>> -> memref<64x128xf32, #tpu.memory_space<hbm>>
    %dma_wait3A_467 = arith.constant 0 : i32
    %dma_wait3A_468 = arith.constant 0 : i32
    %dma_wait3A_469 = tpu.memref_slice %arg7[%rem3A_410, %dma_wait3A_467, %dma_wait3A_468] : memref<14x64x128xf32, #tpu.memory_space<vmem>> -> memref<1x64x128xf32, #tpu.memory_space<vmem>>
    %dma_wait3A_470 = tpu.memref_squeeze %dma_wait3A_469 : memref<1x64x128xf32, #tpu.memory_space<vmem>> -> memref<64x128xf32, #tpu.memory_space<vmem>>
    tpu.wait_dma2 semaphore(%dma_wait3A_463 : memref<!tpu.dma_semaphore, #tpu.memory_space<semaphore_mem>>) src(%dma_wait3A_470 : memref<64x128xf32, #tpu.memory_space<vmem>>) dst(%dma_wait3A_466 : memref<64x128xf32, #tpu.memory_space<hbm>>)
    %rem3A_471 = arith.constant 90 : i32
    %rem3A_472 = arith.constant 14 : i32
    %rem3A_473 = arith.remsi %rem3A_471, %rem3A_472 : i32
    %add3A_474 = arith.constant 90 : i32
    %add3A_475 = arith.addi %mul3A_2, %add3A_474 : i32
    %jit3A_476 = arith.constant 16 : i32
    %div3A_477 = arith.divsi %add3A_475, %jit3A_476 : i32
    %sign3A_478 = arith.constant 0 : i32
    %sign3A_479 = arith.cmpi sgt, %add3A_475, %sign3A_478 : i32
    %sign3A_480 = arith.extui %sign3A_479 : i1 to i32
    %sign3A_481 = arith.constant 0 : i32
    %sign3A_482 = arith.cmpi slt, %add3A_475, %sign3A_481 : i32
    %sign3A_483 = arith.extui %sign3A_482 : i1 to i32
    %sign3A_484 = arith.subi %sign3A_480, %sign3A_483 : i32
    %sign3A_485 = arith.constant 0 : i32
    %sign3A_486 = arith.cmpi sgt, %jit3A_476, %sign3A_485 : i32
    %sign3A_487 = arith.extui %sign3A_486 : i1 to i32
    %sign3A_488 = arith.constant 0 : i32
    %sign3A_489 = arith.cmpi slt, %jit3A_476, %sign3A_488 : i32
    %sign3A_490 = arith.extui %sign3A_489 : i1 to i32
    %sign3A_491 = arith.subi %sign3A_487, %sign3A_490 : i32
    %ne3A_492 = arith.cmpi ne, %sign3A_484, %sign3A_491 : i32
    %rem3A_493 = arith.remsi %add3A_475, %jit3A_476 : i32
    %ne3A_494 = arith.constant 0 : i32
    %ne3A_495 = arith.cmpi ne, %rem3A_493, %ne3A_494 : i32
    %and3A_496 = arith.andi %ne3A_492, %ne3A_495 : i1
    %sub3A_497 = arith.constant 1 : i32
    %sub3A_498 = arith.subi %div3A_477, %sub3A_497 : i32
    %select_n3A_499 = arith.select %and3A_496, %sub3A_498, %div3A_477 : i32
    %jit3A_500 = arith.constant 16 : i32
    %eq3A_501 = arith.constant 0 : i32
    %eq3A_502 = arith.cmpi eq, %jit3A_500, %eq3A_501 : i32
    %jit3A_503 = arith.constant 1 : i32
    %select_n3A_504 = arith.select %eq3A_502, %jit3A_503, %jit3A_500 : i32
    %rem3A_505 = arith.remsi %add3A_475, %select_n3A_504 : i32
    %ne3A_506 = arith.constant 0 : i32
    %ne3A_507 = arith.cmpi ne, %rem3A_505, %ne3A_506 : i32
    %lt3A_508 = arith.constant 0 : i32
    %lt3A_509 = arith.cmpi slt, %rem3A_505, %lt3A_508 : i32
    %lt3A_510 = arith.constant 0 : i32
    %lt3A_511 = arith.cmpi slt, %select_n3A_504, %lt3A_510 : i32
    %ne3A_512 = arith.xori %lt3A_509, %lt3A_511 : i1
    %and3A_513 = arith.andi %ne3A_512, %ne3A_507 : i1
    %add3A_514 = arith.addi %rem3A_505, %select_n3A_504 : i32
    %select_n3A_515 = arith.select %and3A_513, %add3A_514, %rem3A_505 : i32
    %mul3A_516 = arith.constant 64 : i32
    %mul3A_517 = arith.muli %select_n3A_515, %mul3A_516 : i32
    %dma_wait3A_518 = arith.constant 0 : i32
    %dma_wait3A_519 = arith.constant 0 : i32
    %dma_wait3A_520 = tpu.memref_slice %arg7[%rem3A_473, %dma_wait3A_518, %dma_wait3A_519] : memref<14x64x128xf32, #tpu.memory_space<vmem>> -> memref<1x64x128xf32, #tpu.memory_space<vmem>>
    %dma_wait3A_521 = tpu.memref_squeeze %dma_wait3A_520 : memref<1x64x128xf32, #tpu.memory_space<vmem>> -> memref<64x128xf32, #tpu.memory_space<vmem>>
    %dma_wait3A_522 = arith.constant 0 : i32
    %dma_wait3A_523 = tpu.memref_slice %arg5[%mul3A_517, %select_n3A_499, %dma_wait3A_522] : memref<1024x200x128xf32, #tpu.memory_space<hbm>> -> memref<64x1x128xf32, #tpu.memory_space<hbm>>
    %dma_wait3A_524 = tpu.memref_squeeze %dma_wait3A_523 : memref<64x1x128xf32, #tpu.memory_space<hbm>> -> memref<64x128xf32, #tpu.memory_space<hbm>>
    %dma_wait3A_525 = tpu.memref_slice %arg10[%rem3A_473] : memref<14x!tpu.dma_semaphore, #tpu.memory_space<semaphore_mem>> -> memref<1x!tpu.dma_semaphore, #tpu.memory_space<semaphore_mem>>
    %dma_wait3A_526 = tpu.memref_squeeze %dma_wait3A_525 : memref<1x!tpu.dma_semaphore, #tpu.memory_space<semaphore_mem>> -> memref<!tpu.dma_semaphore, #tpu.memory_space<semaphore_mem>>
    %dma_wait3A_527 = arith.constant 0 : i32
    %dma_wait3A_528 = tpu.memref_slice %arg5[%mul3A_517, %select_n3A_499, %dma_wait3A_527] : memref<1024x200x128xf32, #tpu.memory_space<hbm>> -> memref<64x1x128xf32, #tpu.memory_space<hbm>>
    %dma_wait3A_529 = tpu.memref_squeeze %dma_wait3A_528 : memref<64x1x128xf32, #tpu.memory_space<hbm>> -> memref<64x128xf32, #tpu.memory_space<hbm>>
    %dma_wait3A_530 = arith.constant 0 : i32
    %dma_wait3A_531 = arith.constant 0 : i32
    %dma_wait3A_532 = tpu.memref_slice %arg7[%rem3A_473, %dma_wait3A_530, %dma_wait3A_531] : memref<14x64x128xf32, #tpu.memory_space<vmem>> -> memref<1x64x128xf32, #tpu.memory_space<vmem>>
    %dma_wait3A_533 = tpu.memref_squeeze %dma_wait3A_532 : memref<1x64x128xf32, #tpu.memory_space<vmem>> -> memref<64x128xf32, #tpu.memory_space<vmem>>
    tpu.wait_dma2 semaphore(%dma_wait3A_526 : memref<!tpu.dma_semaphore, #tpu.memory_space<semaphore_mem>>) src(%dma_wait3A_533 : memref<64x128xf32, #tpu.memory_space<vmem>>) dst(%dma_wait3A_529 : memref<64x128xf32, #tpu.memory_space<hbm>>)
    %rem3A_534 = arith.constant 91 : i32
    %rem3A_535 = arith.constant 14 : i32
    %rem3A_536 = arith.remsi %rem3A_534, %rem3A_535 : i32
    %add3A_537 = arith.constant 91 : i32
    %add3A_538 = arith.addi %mul3A_2, %add3A_537 : i32
    %jit3A_539 = arith.constant 16 : i32
    %div3A_540 = arith.divsi %add3A_538, %jit3A_539 : i32
    %sign3A_541 = arith.constant 0 : i32
    %sign3A_542 = arith.cmpi sgt, %add3A_538, %sign3A_541 : i32
    %sign3A_543 = arith.extui %sign3A_542 : i1 to i32
    %sign3A_544 = arith.constant 0 : i32
    %sign3A_545 = arith.cmpi slt, %add3A_538, %sign3A_544 : i32
    %sign3A_546 = arith.extui %sign3A_545 : i1 to i32
    %sign3A_547 = arith.subi %sign3A_543, %sign3A_546 : i32
    %sign3A_548 = arith.constant 0 : i32
    %sign3A_549 = arith.cmpi sgt, %jit3A_539, %sign3A_548 : i32
    %sign3A_550 = arith.extui %sign3A_549 : i1 to i32
    %sign3A_551 = arith.constant 0 : i32
    %sign3A_552 = arith.cmpi slt, %jit3A_539, %sign3A_551 : i32
    %sign3A_553 = arith.extui %sign3A_552 : i1 to i32
    %sign3A_554 = arith.subi %sign3A_550, %sign3A_553 : i32
    %ne3A_555 = arith.cmpi ne, %sign3A_547, %sign3A_554 : i32
    %rem3A_556 = arith.remsi %add3A_538, %jit3A_539 : i32
    %ne3A_557 = arith.constant 0 : i32
    %ne3A_558 = arith.cmpi ne, %rem3A_556, %ne3A_557 : i32
    %and3A_559 = arith.andi %ne3A_555, %ne3A_558 : i1
    %sub3A_560 = arith.constant 1 : i32
    %sub3A_561 = arith.subi %div3A_540, %sub3A_560 : i32
    %select_n3A_562 = arith.select %and3A_559, %sub3A_561, %div3A_540 : i32
    %jit3A_563 = arith.constant 16 : i32
    %eq3A_564 = arith.constant 0 : i32
    %eq3A_565 = arith.cmpi eq, %jit3A_563, %eq3A_564 : i32
    %jit3A_566 = arith.constant 1 : i32
    %select_n3A_567 = arith.select %eq3A_565, %jit3A_566, %jit3A_563 : i32
    %rem3A_568 = arith.remsi %add3A_538, %select_n3A_567 : i32
    %ne3A_569 = arith.constant 0 : i32
    %ne3A_570 = arith.cmpi ne, %rem3A_568, %ne3A_569 : i32
    %lt3A_571 = arith.constant 0 : i32
    %lt3A_572 = arith.cmpi slt, %rem3A_568, %lt3A_571 : i32
    %lt3A_573 = arith.constant 0 : i32
    %lt3A_574 = arith.cmpi slt, %select_n3A_567, %lt3A_573 : i32
    %ne3A_575 = arith.xori %lt3A_572, %lt3A_574 : i1
    %and3A_576 = arith.andi %ne3A_575, %ne3A_570 : i1
    %add3A_577 = arith.addi %rem3A_568, %select_n3A_567 : i32
    %select_n3A_578 = arith.select %and3A_576, %add3A_577, %rem3A_568 : i32
    %mul3A_579 = arith.constant 64 : i32
    %mul3A_580 = arith.muli %select_n3A_578, %mul3A_579 : i32
    %dma_wait3A_581 = arith.constant 0 : i32
    %dma_wait3A_582 = arith.constant 0 : i32
    %dma_wait3A_583 = tpu.memref_slice %arg7[%rem3A_536, %dma_wait3A_581, %dma_wait3A_582] : memref<14x64x128xf32, #tpu.memory_space<vmem>> -> memref<1x64x128xf32, #tpu.memory_space<vmem>>
    %dma_wait3A_584 = tpu.memref_squeeze %dma_wait3A_583 : memref<1x64x128xf32, #tpu.memory_space<vmem>> -> memref<64x128xf32, #tpu.memory_space<vmem>>
    %dma_wait3A_585 = arith.constant 0 : i32
    %dma_wait3A_586 = tpu.memref_slice %arg5[%mul3A_580, %select_n3A_562, %dma_wait3A_585] : memref<1024x200x128xf32, #tpu.memory_space<hbm>> -> memref<64x1x128xf32, #tpu.memory_space<hbm>>
    %dma_wait3A_587 = tpu.memref_squeeze %dma_wait3A_586 : memref<64x1x128xf32, #tpu.memory_space<hbm>> -> memref<64x128xf32, #tpu.memory_space<hbm>>
    %dma_wait3A_588 = tpu.memref_slice %arg10[%rem3A_536] : memref<14x!tpu.dma_semaphore, #tpu.memory_space<semaphore_mem>> -> memref<1x!tpu.dma_semaphore, #tpu.memory_space<semaphore_mem>>
    %dma_wait3A_589 = tpu.memref_squeeze %dma_wait3A_588 : memref<1x!tpu.dma_semaphore, #tpu.memory_space<semaphore_mem>> -> memref<!tpu.dma_semaphore, #tpu.memory_space<semaphore_mem>>
    %dma_wait3A_590 = arith.constant 0 : i32
    %dma_wait3A_591 = tpu.memref_slice %arg5[%mul3A_580, %select_n3A_562, %dma_wait3A_590] : memref<1024x200x128xf32, #tpu.memory_space<hbm>> -> memref<64x1x128xf32, #tpu.memory_space<hbm>>
    %dma_wait3A_592 = tpu.memref_squeeze %dma_wait3A_591 : memref<64x1x128xf32, #tpu.memory_space<hbm>> -> memref<64x128xf32, #tpu.memory_space<hbm>>
    %dma_wait3A_593 = arith.constant 0 : i32
    %dma_wait3A_594 = arith.constant 0 : i32
    %dma_wait3A_595 = tpu.memref_slice %arg7[%rem3A_536, %dma_wait3A_593, %dma_wait3A_594] : memref<14x64x128xf32, #tpu.memory_space<vmem>> -> memref<1x64x128xf32, #tpu.memory_space<vmem>>
    %dma_wait3A_596 = tpu.memref_squeeze %dma_wait3A_595 : memref<1x64x128xf32, #tpu.memory_space<vmem>> -> memref<64x128xf32, #tpu.memory_space<vmem>>
    tpu.wait_dma2 semaphore(%dma_wait3A_589 : memref<!tpu.dma_semaphore, #tpu.memory_space<semaphore_mem>>) src(%dma_wait3A_596 : memref<64x128xf32, #tpu.memory_space<vmem>>) dst(%dma_wait3A_592 : memref<64x128xf32, #tpu.memory_space<hbm>>)
    %rem3A_597 = arith.constant 92 : i32
    %rem3A_598 = arith.constant 14 : i32
    %rem3A_599 = arith.remsi %rem3A_597, %rem3A_598 : i32
    %add3A_600 = arith.constant 92 : i32
    %add3A_601 = arith.addi %mul3A_2, %add3A_600 : i32
    %jit3A_602 = arith.constant 16 : i32
    %div3A_603 = arith.divsi %add3A_601, %jit3A_602 : i32
    %sign3A_604 = arith.constant 0 : i32
    %sign3A_605 = arith.cmpi sgt, %add3A_601, %sign3A_604 : i32
    %sign3A_606 = arith.extui %sign3A_605 : i1 to i32
    %sign3A_607 = arith.constant 0 : i32
    %sign3A_608 = arith.cmpi slt, %add3A_601, %sign3A_607 : i32
    %sign3A_609 = arith.extui %sign3A_608 : i1 to i32
    %sign3A_610 = arith.subi %sign3A_606, %sign3A_609 : i32
    %sign3A_611 = arith.constant 0 : i32
    %sign3A_612 = arith.cmpi sgt, %jit3A_602, %sign3A_611 : i32
    %sign3A_613 = arith.extui %sign3A_612 : i1 to i32
    %sign3A_614 = arith.constant 0 : i32
    %sign3A_615 = arith.cmpi slt, %jit3A_602, %sign3A_614 : i32
    %sign3A_616 = arith.extui %sign3A_615 : i1 to i32
    %sign3A_617 = arith.subi %sign3A_613, %sign3A_616 : i32
    %ne3A_618 = arith.cmpi ne, %sign3A_610, %sign3A_617 : i32
    %rem3A_619 = arith.remsi %add3A_601, %jit3A_602 : i32
    %ne3A_620 = arith.constant 0 : i32
    %ne3A_621 = arith.cmpi ne, %rem3A_619, %ne3A_620 : i32
    %and3A_622 = arith.andi %ne3A_618, %ne3A_621 : i1
    %sub3A_623 = arith.constant 1 : i32
    %sub3A_624 = arith.subi %div3A_603, %sub3A_623 : i32
    %select_n3A_625 = arith.select %and3A_622, %sub3A_624, %div3A_603 : i32
    %jit3A_626 = arith.constant 16 : i32
    %eq3A_627 = arith.constant 0 : i32
    %eq3A_628 = arith.cmpi eq, %jit3A_626, %eq3A_627 : i32
    %jit3A_629 = arith.constant 1 : i32
    %select_n3A_630 = arith.select %eq3A_628, %jit3A_629, %jit3A_626 : i32
    %rem3A_631 = arith.remsi %add3A_601, %select_n3A_630 : i32
    %ne3A_632 = arith.constant 0 : i32
    %ne3A_633 = arith.cmpi ne, %rem3A_631, %ne3A_632 : i32
    %lt3A_634 = arith.constant 0 : i32
    %lt3A_635 = arith.cmpi slt, %rem3A_631, %lt3A_634 : i32
    %lt3A_636 = arith.constant 0 : i32
    %lt3A_637 = arith.cmpi slt, %select_n3A_630, %lt3A_636 : i32
    %ne3A_638 = arith.xori %lt3A_635, %lt3A_637 : i1
    %and3A_639 = arith.andi %ne3A_638, %ne3A_633 : i1
    %add3A_640 = arith.addi %rem3A_631, %select_n3A_630 : i32
    %select_n3A_641 = arith.select %and3A_639, %add3A_640, %rem3A_631 : i32
    %mul3A_642 = arith.constant 64 : i32
    %mul3A_643 = arith.muli %select_n3A_641, %mul3A_642 : i32
    %dma_wait3A_644 = arith.constant 0 : i32
    %dma_wait3A_645 = arith.constant 0 : i32
    %dma_wait3A_646 = tpu.memref_slice %arg7[%rem3A_599, %dma_wait3A_644, %dma_wait3A_645] : memref<14x64x128xf32, #tpu.memory_space<vmem>> -> memref<1x64x128xf32, #tpu.memory_space<vmem>>
    %dma_wait3A_647 = tpu.memref_squeeze %dma_wait3A_646 : memref<1x64x128xf32, #tpu.memory_space<vmem>> -> memref<64x128xf32, #tpu.memory_space<vmem>>
    %dma_wait3A_648 = arith.constant 0 : i32
    %dma_wait3A_649 = tpu.memref_slice %arg5[%mul3A_643, %select_n3A_625, %dma_wait3A_648] : memref<1024x200x128xf32, #tpu.memory_space<hbm>> -> memref<64x1x128xf32, #tpu.memory_space<hbm>>
    %dma_wait3A_650 = tpu.memref_squeeze %dma_wait3A_649 : memref<64x1x128xf32, #tpu.memory_space<hbm>> -> memref<64x128xf32, #tpu.memory_space<hbm>>
    %dma_wait3A_651 = tpu.memref_slice %arg10[%rem3A_599] : memref<14x!tpu.dma_semaphore, #tpu.memory_space<semaphore_mem>> -> memref<1x!tpu.dma_semaphore, #tpu.memory_space<semaphore_mem>>
    %dma_wait3A_652 = tpu.memref_squeeze %dma_wait3A_651 : memref<1x!tpu.dma_semaphore, #tpu.memory_space<semaphore_mem>> -> memref<!tpu.dma_semaphore, #tpu.memory_space<semaphore_mem>>
    %dma_wait3A_653 = arith.constant 0 : i32
    %dma_wait3A_654 = tpu.memref_slice %arg5[%mul3A_643, %select_n3A_625, %dma_wait3A_653] : memref<1024x200x128xf32, #tpu.memory_space<hbm>> -> memref<64x1x128xf32, #tpu.memory_space<hbm>>
    %dma_wait3A_655 = tpu.memref_squeeze %dma_wait3A_654 : memref<64x1x128xf32, #tpu.memory_space<hbm>> -> memref<64x128xf32, #tpu.memory_space<hbm>>
    %dma_wait3A_656 = arith.constant 0 : i32
    %dma_wait3A_657 = arith.constant 0 : i32
    %dma_wait3A_658 = tpu.memref_slice %arg7[%rem3A_599, %dma_wait3A_656, %dma_wait3A_657] : memref<14x64x128xf32, #tpu.memory_space<vmem>> -> memref<1x64x128xf32, #tpu.memory_space<vmem>>
    %dma_wait3A_659 = tpu.memref_squeeze %dma_wait3A_658 : memref<1x64x128xf32, #tpu.memory_space<vmem>> -> memref<64x128xf32, #tpu.memory_space<vmem>>
    tpu.wait_dma2 semaphore(%dma_wait3A_652 : memref<!tpu.dma_semaphore, #tpu.memory_space<semaphore_mem>>) src(%dma_wait3A_659 : memref<64x128xf32, #tpu.memory_space<vmem>>) dst(%dma_wait3A_655 : memref<64x128xf32, #tpu.memory_space<hbm>>)
    %rem3A_660 = arith.constant 93 : i32
    %rem3A_661 = arith.constant 14 : i32
    %rem3A_662 = arith.remsi %rem3A_660, %rem3A_661 : i32
    %add3A_663 = arith.constant 93 : i32
    %add3A_664 = arith.addi %mul3A_2, %add3A_663 : i32
    %jit3A_665 = arith.constant 16 : i32
    %div3A_666 = arith.divsi %add3A_664, %jit3A_665 : i32
    %sign3A_667 = arith.constant 0 : i32
    %sign3A_668 = arith.cmpi sgt, %add3A_664, %sign3A_667 : i32
    %sign3A_669 = arith.extui %sign3A_668 : i1 to i32
    %sign3A_670 = arith.constant 0 : i32
    %sign3A_671 = arith.cmpi slt, %add3A_664, %sign3A_670 : i32
    %sign3A_672 = arith.extui %sign3A_671 : i1 to i32
    %sign3A_673 = arith.subi %sign3A_669, %sign3A_672 : i32
    %sign3A_674 = arith.constant 0 : i32
    %sign3A_675 = arith.cmpi sgt, %jit3A_665, %sign3A_674 : i32
    %sign3A_676 = arith.extui %sign3A_675 : i1 to i32
    %sign3A_677 = arith.constant 0 : i32
    %sign3A_678 = arith.cmpi slt, %jit3A_665, %sign3A_677 : i32
    %sign3A_679 = arith.extui %sign3A_678 : i1 to i32
    %sign3A_680 = arith.subi %sign3A_676, %sign3A_679 : i32
    %ne3A_681 = arith.cmpi ne, %sign3A_673, %sign3A_680 : i32
    %rem3A_682 = arith.remsi %add3A_664, %jit3A_665 : i32
    %ne3A_683 = arith.constant 0 : i32
    %ne3A_684 = arith.cmpi ne, %rem3A_682, %ne3A_683 : i32
    %and3A_685 = arith.andi %ne3A_681, %ne3A_684 : i1
    %sub3A_686 = arith.constant 1 : i32
    %sub3A_687 = arith.subi %div3A_666, %sub3A_686 : i32
    %select_n3A_688 = arith.select %and3A_685, %sub3A_687, %div3A_666 : i32
    %jit3A_689 = arith.constant 16 : i32
    %eq3A_690 = arith.constant 0 : i32
    %eq3A_691 = arith.cmpi eq, %jit3A_689, %eq3A_690 : i32
    %jit3A_692 = arith.constant 1 : i32
    %select_n3A_693 = arith.select %eq3A_691, %jit3A_692, %jit3A_689 : i32
    %rem3A_694 = arith.remsi %add3A_664, %select_n3A_693 : i32
    %ne3A_695 = arith.constant 0 : i32
    %ne3A_696 = arith.cmpi ne, %rem3A_694, %ne3A_695 : i32
    %lt3A_697 = arith.constant 0 : i32
    %lt3A_698 = arith.cmpi slt, %rem3A_694, %lt3A_697 : i32
    %lt3A_699 = arith.constant 0 : i32
    %lt3A_700 = arith.cmpi slt, %select_n3A_693, %lt3A_699 : i32
    %ne3A_701 = arith.xori %lt3A_698, %lt3A_700 : i1
    %and3A_702 = arith.andi %ne3A_701, %ne3A_696 : i1
    %add3A_703 = arith.addi %rem3A_694, %select_n3A_693 : i32
    %select_n3A_704 = arith.select %and3A_702, %add3A_703, %rem3A_694 : i32
    %mul3A_705 = arith.constant 64 : i32
    %mul3A_706 = arith.muli %select_n3A_704, %mul3A_705 : i32
    %dma_wait3A_707 = arith.constant 0 : i32
    %dma_wait3A_708 = arith.constant 0 : i32
    %dma_wait3A_709 = tpu.memref_slice %arg7[%rem3A_662, %dma_wait3A_707, %dma_wait3A_708] : memref<14x64x128xf32, #tpu.memory_space<vmem>> -> memref<1x64x128xf32, #tpu.memory_space<vmem>>
    %dma_wait3A_710 = tpu.memref_squeeze %dma_wait3A_709 : memref<1x64x128xf32, #tpu.memory_space<vmem>> -> memref<64x128xf32, #tpu.memory_space<vmem>>
    %dma_wait3A_711 = arith.constant 0 : i32
    %dma_wait3A_712 = tpu.memref_slice %arg5[%mul3A_706, %select_n3A_688, %dma_wait3A_711] : memref<1024x200x128xf32, #tpu.memory_space<hbm>> -> memref<64x1x128xf32, #tpu.memory_space<hbm>>
    %dma_wait3A_713 = tpu.memref_squeeze %dma_wait3A_712 : memref<64x1x128xf32, #tpu.memory_space<hbm>> -> memref<64x128xf32, #tpu.memory_space<hbm>>
    %dma_wait3A_714 = tpu.memref_slice %arg10[%rem3A_662] : memref<14x!tpu.dma_semaphore, #tpu.memory_space<semaphore_mem>> -> memref<1x!tpu.dma_semaphore, #tpu.memory_space<semaphore_mem>>
    %dma_wait3A_715 = tpu.memref_squeeze %dma_wait3A_714 : memref<1x!tpu.dma_semaphore, #tpu.memory_space<semaphore_mem>> -> memref<!tpu.dma_semaphore, #tpu.memory_space<semaphore_mem>>
    %dma_wait3A_716 = arith.constant 0 : i32
    %dma_wait3A_717 = tpu.memref_slice %arg5[%mul3A_706, %select_n3A_688, %dma_wait3A_716] : memref<1024x200x128xf32, #tpu.memory_space<hbm>> -> memref<64x1x128xf32, #tpu.memory_space<hbm>>
    %dma_wait3A_718 = tpu.memref_squeeze %dma_wait3A_717 : memref<64x1x128xf32, #tpu.memory_space<hbm>> -> memref<64x128xf32, #tpu.memory_space<hbm>>
    %dma_wait3A_719 = arith.constant 0 : i32
    %dma_wait3A_720 = arith.constant 0 : i32
    %dma_wait3A_721 = tpu.memref_slice %arg7[%rem3A_662, %dma_wait3A_719, %dma_wait3A_720] : memref<14x64x128xf32, #tpu.memory_space<vmem>> -> memref<1x64x128xf32, #tpu.memory_space<vmem>>
    %dma_wait3A_722 = tpu.memref_squeeze %dma_wait3A_721 : memref<1x64x128xf32, #tpu.memory_space<vmem>> -> memref<64x128xf32, #tpu.memory_space<vmem>>
    tpu.wait_dma2 semaphore(%dma_wait3A_715 : memref<!tpu.dma_semaphore, #tpu.memory_space<semaphore_mem>>) src(%dma_wait3A_722 : memref<64x128xf32, #tpu.memory_space<vmem>>) dst(%dma_wait3A_718 : memref<64x128xf32, #tpu.memory_space<hbm>>)
    %rem3A_723 = arith.constant 94 : i32
    %rem3A_724 = arith.constant 14 : i32
    %rem3A_725 = arith.remsi %rem3A_723, %rem3A_724 : i32
    %add3A_726 = arith.constant 94 : i32
    %add3A_727 = arith.addi %mul3A_2, %add3A_726 : i32
    %jit3A_728 = arith.constant 16 : i32
    %div3A_729 = arith.divsi %add3A_727, %jit3A_728 : i32
    %sign3A_730 = arith.constant 0 : i32
    %sign3A_731 = arith.cmpi sgt, %add3A_727, %sign3A_730 : i32
    %sign3A_732 = arith.extui %sign3A_731 : i1 to i32
    %sign3A_733 = arith.constant 0 : i32
    %sign3A_734 = arith.cmpi slt, %add3A_727, %sign3A_733 : i32
    %sign3A_735 = arith.extui %sign3A_734 : i1 to i32
    %sign3A_736 = arith.subi %sign3A_732, %sign3A_735 : i32
    %sign3A_737 = arith.constant 0 : i32
    %sign3A_738 = arith.cmpi sgt, %jit3A_728, %sign3A_737 : i32
    %sign3A_739 = arith.extui %sign3A_738 : i1 to i32
    %sign3A_740 = arith.constant 0 : i32
    %sign3A_741 = arith.cmpi slt, %jit3A_728, %sign3A_740 : i32
    %sign3A_742 = arith.extui %sign3A_741 : i1 to i32
    %sign3A_743 = arith.subi %sign3A_739, %sign3A_742 : i32
    %ne3A_744 = arith.cmpi ne, %sign3A_736, %sign3A_743 : i32
    %rem3A_745 = arith.remsi %add3A_727, %jit3A_728 : i32
    %ne3A_746 = arith.constant 0 : i32
    %ne3A_747 = arith.cmpi ne, %rem3A_745, %ne3A_746 : i32
    %and3A_748 = arith.andi %ne3A_744, %ne3A_747 : i1
    %sub3A_749 = arith.constant 1 : i32
    %sub3A_750 = arith.subi %div3A_729, %sub3A_749 : i32
    %select_n3A_751 = arith.select %and3A_748, %sub3A_750, %div3A_729 : i32
    %jit3A_752 = arith.constant 16 : i32
    %eq3A_753 = arith.constant 0 : i32
    %eq3A_754 = arith.cmpi eq, %jit3A_752, %eq3A_753 : i32
    %jit3A_755 = arith.constant 1 : i32
    %select_n3A_756 = arith.select %eq3A_754, %jit3A_755, %jit3A_752 : i32
    %rem3A_757 = arith.remsi %add3A_727, %select_n3A_756 : i32
    %ne3A_758 = arith.constant 0 : i32
    %ne3A_759 = arith.cmpi ne, %rem3A_757, %ne3A_758 : i32
    %lt3A_760 = arith.constant 0 : i32
    %lt3A_761 = arith.cmpi slt, %rem3A_757, %lt3A_760 : i32
    %lt3A_762 = arith.constant 0 : i32
    %lt3A_763 = arith.cmpi slt, %select_n3A_756, %lt3A_762 : i32
    %ne3A_764 = arith.xori %lt3A_761, %lt3A_763 : i1
    %and3A_765 = arith.andi %ne3A_764, %ne3A_759 : i1
    %add3A_766 = arith.addi %rem3A_757, %select_n3A_756 : i32
    %select_n3A_767 = arith.select %and3A_765, %add3A_766, %rem3A_757 : i32
    %mul3A_768 = arith.constant 64 : i32
    %mul3A_769 = arith.muli %select_n3A_767, %mul3A_768 : i32
    %dma_wait3A_770 = arith.constant 0 : i32
    %dma_wait3A_771 = arith.constant 0 : i32
    %dma_wait3A_772 = tpu.memref_slice %arg7[%rem3A_725, %dma_wait3A_770, %dma_wait3A_771] : memref<14x64x128xf32, #tpu.memory_space<vmem>> -> memref<1x64x128xf32, #tpu.memory_space<vmem>>
    %dma_wait3A_773 = tpu.memref_squeeze %dma_wait3A_772 : memref<1x64x128xf32, #tpu.memory_space<vmem>> -> memref<64x128xf32, #tpu.memory_space<vmem>>
    %dma_wait3A_774 = arith.constant 0 : i32
    %dma_wait3A_775 = tpu.memref_slice %arg5[%mul3A_769, %select_n3A_751, %dma_wait3A_774] : memref<1024x200x128xf32, #tpu.memory_space<hbm>> -> memref<64x1x128xf32, #tpu.memory_space<hbm>>
    %dma_wait3A_776 = tpu.memref_squeeze %dma_wait3A_775 : memref<64x1x128xf32, #tpu.memory_space<hbm>> -> memref<64x128xf32, #tpu.memory_space<hbm>>
    %dma_wait3A_777 = tpu.memref_slice %arg10[%rem3A_725] : memref<14x!tpu.dma_semaphore, #tpu.memory_space<semaphore_mem>> -> memref<1x!tpu.dma_semaphore, #tpu.memory_space<semaphore_mem>>
    %dma_wait3A_778 = tpu.memref_squeeze %dma_wait3A_777 : memref<1x!tpu.dma_semaphore, #tpu.memory_space<semaphore_mem>> -> memref<!tpu.dma_semaphore, #tpu.memory_space<semaphore_mem>>
    %dma_wait3A_779 = arith.constant 0 : i32
    %dma_wait3A_780 = tpu.memref_slice %arg5[%mul3A_769, %select_n3A_751, %dma_wait3A_779] : memref<1024x200x128xf32, #tpu.memory_space<hbm>> -> memref<64x1x128xf32, #tpu.memory_space<hbm>>
    %dma_wait3A_781 = tpu.memref_squeeze %dma_wait3A_780 : memref<64x1x128xf32, #tpu.memory_space<hbm>> -> memref<64x128xf32, #tpu.memory_space<hbm>>
    %dma_wait3A_782 = arith.constant 0 : i32
    %dma_wait3A_783 = arith.constant 0 : i32
    %dma_wait3A_784 = tpu.memref_slice %arg7[%rem3A_725, %dma_wait3A_782, %dma_wait3A_783] : memref<14x64x128xf32, #tpu.memory_space<vmem>> -> memref<1x64x128xf32, #tpu.memory_space<vmem>>
    %dma_wait3A_785 = tpu.memref_squeeze %dma_wait3A_784 : memref<1x64x128xf32, #tpu.memory_space<vmem>> -> memref<64x128xf32, #tpu.memory_space<vmem>>
    tpu.wait_dma2 semaphore(%dma_wait3A_778 : memref<!tpu.dma_semaphore, #tpu.memory_space<semaphore_mem>>) src(%dma_wait3A_785 : memref<64x128xf32, #tpu.memory_space<vmem>>) dst(%dma_wait3A_781 : memref<64x128xf32, #tpu.memory_space<hbm>>)
    %rem3A_786 = arith.constant 95 : i32
    %rem3A_787 = arith.constant 14 : i32
    %rem3A_788 = arith.remsi %rem3A_786, %rem3A_787 : i32
    %add3A_789 = arith.constant 95 : i32
    %add3A_790 = arith.addi %mul3A_2, %add3A_789 : i32
    %jit3A_791 = arith.constant 16 : i32
    %div3A_792 = arith.divsi %add3A_790, %jit3A_791 : i32
    %sign3A_793 = arith.constant 0 : i32
    %sign3A_794 = arith.cmpi sgt, %add3A_790, %sign3A_793 : i32
    %sign3A_795 = arith.extui %sign3A_794 : i1 to i32
    %sign3A_796 = arith.constant 0 : i32
    %sign3A_797 = arith.cmpi slt, %add3A_790, %sign3A_796 : i32
    %sign3A_798 = arith.extui %sign3A_797 : i1 to i32
    %sign3A_799 = arith.subi %sign3A_795, %sign3A_798 : i32
    %sign3A_800 = arith.constant 0 : i32
    %sign3A_801 = arith.cmpi sgt, %jit3A_791, %sign3A_800 : i32
    %sign3A_802 = arith.extui %sign3A_801 : i1 to i32
    %sign3A_803 = arith.constant 0 : i32
    %sign3A_804 = arith.cmpi slt, %jit3A_791, %sign3A_803 : i32
    %sign3A_805 = arith.extui %sign3A_804 : i1 to i32
    %sign3A_806 = arith.subi %sign3A_802, %sign3A_805 : i32
    %ne3A_807 = arith.cmpi ne, %sign3A_799, %sign3A_806 : i32
    %rem3A_808 = arith.remsi %add3A_790, %jit3A_791 : i32
    %ne3A_809 = arith.constant 0 : i32
    %ne3A_810 = arith.cmpi ne, %rem3A_808, %ne3A_809 : i32
    %and3A_811 = arith.andi %ne3A_807, %ne3A_810 : i1
    %sub3A_812 = arith.constant 1 : i32
    %sub3A_813 = arith.subi %div3A_792, %sub3A_812 : i32
    %select_n3A_814 = arith.select %and3A_811, %sub3A_813, %div3A_792 : i32
    %jit3A_815 = arith.constant 16 : i32
    %eq3A_816 = arith.constant 0 : i32
    %eq3A_817 = arith.cmpi eq, %jit3A_815, %eq3A_816 : i32
    %jit3A_818 = arith.constant 1 : i32
    %select_n3A_819 = arith.select %eq3A_817, %jit3A_818, %jit3A_815 : i32
    %rem3A_820 = arith.remsi %add3A_790, %select_n3A_819 : i32
    %ne3A_821 = arith.constant 0 : i32
    %ne3A_822 = arith.cmpi ne, %rem3A_820, %ne3A_821 : i32
    %lt3A_823 = arith.constant 0 : i32
    %lt3A_824 = arith.cmpi slt, %rem3A_820, %lt3A_823 : i32
    %lt3A_825 = arith.constant 0 : i32
    %lt3A_826 = arith.cmpi slt, %select_n3A_819, %lt3A_825 : i32
    %ne3A_827 = arith.xori %lt3A_824, %lt3A_826 : i1
    %and3A_828 = arith.andi %ne3A_827, %ne3A_822 : i1
    %add3A_829 = arith.addi %rem3A_820, %select_n3A_819 : i32
    %select_n3A_830 = arith.select %and3A_828, %add3A_829, %rem3A_820 : i32
    %mul3A_831 = arith.constant 64 : i32
    %mul3A_832 = arith.muli %select_n3A_830, %mul3A_831 : i32
    %dma_wait3A_833 = arith.constant 0 : i32
    %dma_wait3A_834 = arith.constant 0 : i32
    %dma_wait3A_835 = tpu.memref_slice %arg7[%rem3A_788, %dma_wait3A_833, %dma_wait3A_834] : memref<14x64x128xf32, #tpu.memory_space<vmem>> -> memref<1x64x128xf32, #tpu.memory_space<vmem>>
    %dma_wait3A_836 = tpu.memref_squeeze %dma_wait3A_835 : memref<1x64x128xf32, #tpu.memory_space<vmem>> -> memref<64x128xf32, #tpu.memory_space<vmem>>
    %dma_wait3A_837 = arith.constant 0 : i32
    %dma_wait3A_838 = tpu.memref_slice %arg5[%mul3A_832, %select_n3A_814, %dma_wait3A_837] : memref<1024x200x128xf32, #tpu.memory_space<hbm>> -> memref<64x1x128xf32, #tpu.memory_space<hbm>>
    %dma_wait3A_839 = tpu.memref_squeeze %dma_wait3A_838 : memref<64x1x128xf32, #tpu.memory_space<hbm>> -> memref<64x128xf32, #tpu.memory_space<hbm>>
    %dma_wait3A_840 = tpu.memref_slice %arg10[%rem3A_788] : memref<14x!tpu.dma_semaphore, #tpu.memory_space<semaphore_mem>> -> memref<1x!tpu.dma_semaphore, #tpu.memory_space<semaphore_mem>>
    %dma_wait3A_841 = tpu.memref_squeeze %dma_wait3A_840 : memref<1x!tpu.dma_semaphore, #tpu.memory_space<semaphore_mem>> -> memref<!tpu.dma_semaphore, #tpu.memory_space<semaphore_mem>>
    %dma_wait3A_842 = arith.constant 0 : i32
    %dma_wait3A_843 = tpu.memref_slice %arg5[%mul3A_832, %select_n3A_814, %dma_wait3A_842] : memref<1024x200x128xf32, #tpu.memory_space<hbm>> -> memref<64x1x128xf32, #tpu.memory_space<hbm>>
    %dma_wait3A_844 = tpu.memref_squeeze %dma_wait3A_843 : memref<64x1x128xf32, #tpu.memory_space<hbm>> -> memref<64x128xf32, #tpu.memory_space<hbm>>
    %dma_wait3A_845 = arith.constant 0 : i32
    %dma_wait3A_846 = arith.constant 0 : i32
    %dma_wait3A_847 = tpu.memref_slice %arg7[%rem3A_788, %dma_wait3A_845, %dma_wait3A_846] : memref<14x64x128xf32, #tpu.memory_space<vmem>> -> memref<1x64x128xf32, #tpu.memory_space<vmem>>
    %dma_wait3A_848 = tpu.memref_squeeze %dma_wait3A_847 : memref<1x64x128xf32, #tpu.memory_space<vmem>> -> memref<64x128xf32, #tpu.memory_space<vmem>>
    tpu.wait_dma2 semaphore(%dma_wait3A_841 : memref<!tpu.dma_semaphore, #tpu.memory_space<semaphore_mem>>) src(%dma_wait3A_848 : memref<64x128xf32, #tpu.memory_space<vmem>>) dst(%dma_wait3A_844 : memref<64x128xf32, #tpu.memory_space<hbm>>)
    %rem3A_849 = arith.constant 96 : i32
    %rem3A_850 = arith.constant 14 : i32
    %rem3A_851 = arith.remsi %rem3A_849, %rem3A_850 : i32
    %add3A_852 = arith.constant 96 : i32
    %add3A_853 = arith.addi %mul3A_2, %add3A_852 : i32
    %jit3A_854 = arith.constant 16 : i32
    %div3A_855 = arith.divsi %add3A_853, %jit3A_854 : i32
    %sign3A_856 = arith.constant 0 : i32
    %sign3A_857 = arith.cmpi sgt, %add3A_853, %sign3A_856 : i32
    %sign3A_858 = arith.extui %sign3A_857 : i1 to i32
    %sign3A_859 = arith.constant 0 : i32
    %sign3A_860 = arith.cmpi slt, %add3A_853, %sign3A_859 : i32
    %sign3A_861 = arith.extui %sign3A_860 : i1 to i32
    %sign3A_862 = arith.subi %sign3A_858, %sign3A_861 : i32
    %sign3A_863 = arith.constant 0 : i32
    %sign3A_864 = arith.cmpi sgt, %jit3A_854, %sign3A_863 : i32
    %sign3A_865 = arith.extui %sign3A_864 : i1 to i32
    %sign3A_866 = arith.constant 0 : i32
    %sign3A_867 = arith.cmpi slt, %jit3A_854, %sign3A_866 : i32
    %sign3A_868 = arith.extui %sign3A_867 : i1 to i32
    %sign3A_869 = arith.subi %sign3A_865, %sign3A_868 : i32
    %ne3A_870 = arith.cmpi ne, %sign3A_862, %sign3A_869 : i32
    %rem3A_871 = arith.remsi %add3A_853, %jit3A_854 : i32
    %ne3A_872 = arith.constant 0 : i32
    %ne3A_873 = arith.cmpi ne, %rem3A_871, %ne3A_872 : i32
    %and3A_874 = arith.andi %ne3A_870, %ne3A_873 : i1
    %sub3A_875 = arith.constant 1 : i32
    %sub3A_876 = arith.subi %div3A_855, %sub3A_875 : i32
    %select_n3A_877 = arith.select %and3A_874, %sub3A_876, %div3A_855 : i32
    %jit3A_878 = arith.constant 16 : i32
    %eq3A_879 = arith.constant 0 : i32
    %eq3A_880 = arith.cmpi eq, %jit3A_878, %eq3A_879 : i32
    %jit3A_881 = arith.constant 1 : i32
    %select_n3A_882 = arith.select %eq3A_880, %jit3A_881, %jit3A_878 : i32
    %rem3A_883 = arith.remsi %add3A_853, %select_n3A_882 : i32
    %ne3A_884 = arith.constant 0 : i32
    %ne3A_885 = arith.cmpi ne, %rem3A_883, %ne3A_884 : i32
    %lt3A_886 = arith.constant 0 : i32
    %lt3A_887 = arith.cmpi slt, %rem3A_883, %lt3A_886 : i32
    %lt3A_888 = arith.constant 0 : i32
    %lt3A_889 = arith.cmpi slt, %select_n3A_882, %lt3A_888 : i32
    %ne3A_890 = arith.xori %lt3A_887, %lt3A_889 : i1
    %and3A_891 = arith.andi %ne3A_890, %ne3A_885 : i1
    %add3A_892 = arith.addi %rem3A_883, %select_n3A_882 : i32
    %select_n3A_893 = arith.select %and3A_891, %add3A_892, %rem3A_883 : i32
    %mul3A_894 = arith.constant 64 : i32
    %mul3A_895 = arith.muli %select_n3A_893, %mul3A_894 : i32
    %dma_wait3A_896 = arith.constant 0 : i32
    %dma_wait3A_897 = arith.constant 0 : i32
    %dma_wait3A_898 = tpu.memref_slice %arg7[%rem3A_851, %dma_wait3A_896, %dma_wait3A_897] : memref<14x64x128xf32, #tpu.memory_space<vmem>> -> memref<1x64x128xf32, #tpu.memory_space<vmem>>
    %dma_wait3A_899 = tpu.memref_squeeze %dma_wait3A_898 : memref<1x64x128xf32, #tpu.memory_space<vmem>> -> memref<64x128xf32, #tpu.memory_space<vmem>>
    %dma_wait3A_900 = arith.constant 0 : i32
    %dma_wait3A_901 = tpu.memref_slice %arg5[%mul3A_895, %select_n3A_877, %dma_wait3A_900] : memref<1024x200x128xf32, #tpu.memory_space<hbm>> -> memref<64x1x128xf32, #tpu.memory_space<hbm>>
    %dma_wait3A_902 = tpu.memref_squeeze %dma_wait3A_901 : memref<64x1x128xf32, #tpu.memory_space<hbm>> -> memref<64x128xf32, #tpu.memory_space<hbm>>
    %dma_wait3A_903 = tpu.memref_slice %arg10[%rem3A_851] : memref<14x!tpu.dma_semaphore, #tpu.memory_space<semaphore_mem>> -> memref<1x!tpu.dma_semaphore, #tpu.memory_space<semaphore_mem>>
    %dma_wait3A_904 = tpu.memref_squeeze %dma_wait3A_903 : memref<1x!tpu.dma_semaphore, #tpu.memory_space<semaphore_mem>> -> memref<!tpu.dma_semaphore, #tpu.memory_space<semaphore_mem>>
    %dma_wait3A_905 = arith.constant 0 : i32
    %dma_wait3A_906 = tpu.memref_slice %arg5[%mul3A_895, %select_n3A_877, %dma_wait3A_905] : memref<1024x200x128xf32, #tpu.memory_space<hbm>> -> memref<64x1x128xf32, #tpu.memory_space<hbm>>
    %dma_wait3A_907 = tpu.memref_squeeze %dma_wait3A_906 : memref<64x1x128xf32, #tpu.memory_space<hbm>> -> memref<64x128xf32, #tpu.memory_space<hbm>>
    %dma_wait3A_908 = arith.constant 0 : i32
    %dma_wait3A_909 = arith.constant 0 : i32
    %dma_wait3A_910 = tpu.memref_slice %arg7[%rem3A_851, %dma_wait3A_908, %dma_wait3A_909] : memref<14x64x128xf32, #tpu.memory_space<vmem>> -> memref<1x64x128xf32, #tpu.memory_space<vmem>>
    %dma_wait3A_911 = tpu.memref_squeeze %dma_wait3A_910 : memref<1x64x128xf32, #tpu.memory_space<vmem>> -> memref<64x128xf32, #tpu.memory_space<vmem>>
    tpu.wait_dma2 semaphore(%dma_wait3A_904 : memref<!tpu.dma_semaphore, #tpu.memory_space<semaphore_mem>>) src(%dma_wait3A_911 : memref<64x128xf32, #tpu.memory_space<vmem>>) dst(%dma_wait3A_907 : memref<64x128xf32, #tpu.memory_space<hbm>>)
    %rem3A_912 = arith.constant 97 : i32
    %rem3A_913 = arith.constant 14 : i32
    %rem3A_914 = arith.remsi %rem3A_912, %rem3A_913 : i32
    %add3A_915 = arith.constant 97 : i32
    %add3A_916 = arith.addi %mul3A_2, %add3A_915 : i32
    %jit3A_917 = arith.constant 16 : i32
    %div3A_918 = arith.divsi %add3A_916, %jit3A_917 : i32
    %sign3A_919 = arith.constant 0 : i32
    %sign3A_920 = arith.cmpi sgt, %add3A_916, %sign3A_919 : i32
    %sign3A_921 = arith.extui %sign3A_920 : i1 to i32
    %sign3A_922 = arith.constant 0 : i32
    %sign3A_923 = arith.cmpi slt, %add3A_916, %sign3A_922 : i32
    %sign3A_924 = arith.extui %sign3A_923 : i1 to i32
    %sign3A_925 = arith.subi %sign3A_921, %sign3A_924 : i32
    %sign3A_926 = arith.constant 0 : i32
    %sign3A_927 = arith.cmpi sgt, %jit3A_917, %sign3A_926 : i32
    %sign3A_928 = arith.extui %sign3A_927 : i1 to i32
    %sign3A_929 = arith.constant 0 : i32
    %sign3A_930 = arith.cmpi slt, %jit3A_917, %sign3A_929 : i32
    %sign3A_931 = arith.extui %sign3A_930 : i1 to i32
    %sign3A_932 = arith.subi %sign3A_928, %sign3A_931 : i32
    %ne3A_933 = arith.cmpi ne, %sign3A_925, %sign3A_932 : i32
    %rem3A_934 = arith.remsi %add3A_916, %jit3A_917 : i32
    %ne3A_935 = arith.constant 0 : i32
    %ne3A_936 = arith.cmpi ne, %rem3A_934, %ne3A_935 : i32
    %and3A_937 = arith.andi %ne3A_933, %ne3A_936 : i1
    %sub3A_938 = arith.constant 1 : i32
    %sub3A_939 = arith.subi %div3A_918, %sub3A_938 : i32
    %select_n3A_940 = arith.select %and3A_937, %sub3A_939, %div3A_918 : i32
    %jit3A_941 = arith.constant 16 : i32
    %eq3A_942 = arith.constant 0 : i32
    %eq3A_943 = arith.cmpi eq, %jit3A_941, %eq3A_942 : i32
    %jit3A_944 = arith.constant 1 : i32
    %select_n3A_945 = arith.select %eq3A_943, %jit3A_944, %jit3A_941 : i32
    %rem3A_946 = arith.remsi %add3A_916, %select_n3A_945 : i32
    %ne3A_947 = arith.constant 0 : i32
    %ne3A_948 = arith.cmpi ne, %rem3A_946, %ne3A_947 : i32
    %lt3A_949 = arith.constant 0 : i32
    %lt3A_950 = arith.cmpi slt, %rem3A_946, %lt3A_949 : i32
    %lt3A_951 = arith.constant 0 : i32
    %lt3A_952 = arith.cmpi slt, %select_n3A_945, %lt3A_951 : i32
    %ne3A_953 = arith.xori %lt3A_950, %lt3A_952 : i1
    %and3A_954 = arith.andi %ne3A_953, %ne3A_948 : i1
    %add3A_955 = arith.addi %rem3A_946, %select_n3A_945 : i32
    %select_n3A_956 = arith.select %and3A_954, %add3A_955, %rem3A_946 : i32
    %mul3A_957 = arith.constant 64 : i32
    %mul3A_958 = arith.muli %select_n3A_956, %mul3A_957 : i32
    %dma_wait3A_959 = arith.constant 0 : i32
    %dma_wait3A_960 = arith.constant 0 : i32
    %dma_wait3A_961 = tpu.memref_slice %arg7[%rem3A_914, %dma_wait3A_959, %dma_wait3A_960] : memref<14x64x128xf32, #tpu.memory_space<vmem>> -> memref<1x64x128xf32, #tpu.memory_space<vmem>>
    %dma_wait3A_962 = tpu.memref_squeeze %dma_wait3A_961 : memref<1x64x128xf32, #tpu.memory_space<vmem>> -> memref<64x128xf32, #tpu.memory_space<vmem>>
    %dma_wait3A_963 = arith.constant 0 : i32
    %dma_wait3A_964 = tpu.memref_slice %arg5[%mul3A_958, %select_n3A_940, %dma_wait3A_963] : memref<1024x200x128xf32, #tpu.memory_space<hbm>> -> memref<64x1x128xf32, #tpu.memory_space<hbm>>
    %dma_wait3A_965 = tpu.memref_squeeze %dma_wait3A_964 : memref<64x1x128xf32, #tpu.memory_space<hbm>> -> memref<64x128xf32, #tpu.memory_space<hbm>>
    %dma_wait3A_966 = tpu.memref_slice %arg10[%rem3A_914] : memref<14x!tpu.dma_semaphore, #tpu.memory_space<semaphore_mem>> -> memref<1x!tpu.dma_semaphore, #tpu.memory_space<semaphore_mem>>
    %dma_wait3A_967 = tpu.memref_squeeze %dma_wait3A_966 : memref<1x!tpu.dma_semaphore, #tpu.memory_space<semaphore_mem>> -> memref<!tpu.dma_semaphore, #tpu.memory_space<semaphore_mem>>
    %dma_wait3A_968 = arith.constant 0 : i32
    %dma_wait3A_969 = tpu.memref_slice %arg5[%mul3A_958, %select_n3A_940, %dma_wait3A_968] : memref<1024x200x128xf32, #tpu.memory_space<hbm>> -> memref<64x1x128xf32, #tpu.memory_space<hbm>>
    %dma_wait3A_970 = tpu.memref_squeeze %dma_wait3A_969 : memref<64x1x128xf32, #tpu.memory_space<hbm>> -> memref<64x128xf32, #tpu.memory_space<hbm>>
    %dma_wait3A_971 = arith.constant 0 : i32
    %dma_wait3A_972 = arith.constant 0 : i32
    %dma_wait3A_973 = tpu.memref_slice %arg7[%rem3A_914, %dma_wait3A_971, %dma_wait3A_972] : memref<14x64x128xf32, #tpu.memory_space<vmem>> -> memref<1x64x128xf32, #tpu.memory_space<vmem>>
    %dma_wait3A_974 = tpu.memref_squeeze %dma_wait3A_973 : memref<1x64x128xf32, #tpu.memory_space<vmem>> -> memref<64x128xf32, #tpu.memory_space<vmem>>
    tpu.wait_dma2 semaphore(%dma_wait3A_967 : memref<!tpu.dma_semaphore, #tpu.memory_space<semaphore_mem>>) src(%dma_wait3A_974 : memref<64x128xf32, #tpu.memory_space<vmem>>) dst(%dma_wait3A_970 : memref<64x128xf32, #tpu.memory_space<hbm>>)
    %rem3A_975 = arith.constant 98 : i32
    %rem3A_976 = arith.constant 14 : i32
    %rem3A_977 = arith.remsi %rem3A_975, %rem3A_976 : i32
    %add3A_978 = arith.constant 98 : i32
    %add3A_979 = arith.addi %mul3A_2, %add3A_978 : i32
    %jit3A_980 = arith.constant 16 : i32
    %div3A_981 = arith.divsi %add3A_979, %jit3A_980 : i32
    %sign3A_982 = arith.constant 0 : i32
    %sign3A_983 = arith.cmpi sgt, %add3A_979, %sign3A_982 : i32
    %sign3A_984 = arith.extui %sign3A_983 : i1 to i32
    %sign3A_985 = arith.constant 0 : i32
    %sign3A_986 = arith.cmpi slt, %add3A_979, %sign3A_985 : i32
    %sign3A_987 = arith.extui %sign3A_986 : i1 to i32
    %sign3A_988 = arith.subi %sign3A_984, %sign3A_987 : i32
    %sign3A_989 = arith.constant 0 : i32
    %sign3A_990 = arith.cmpi sgt, %jit3A_980, %sign3A_989 : i32
    %sign3A_991 = arith.extui %sign3A_990 : i1 to i32
    %sign3A_992 = arith.constant 0 : i32
    %sign3A_993 = arith.cmpi slt, %jit3A_980, %sign3A_992 : i32
    %sign3A_994 = arith.extui %sign3A_993 : i1 to i32
    %sign3A_995 = arith.subi %sign3A_991, %sign3A_994 : i32
    %ne3A_996 = arith.cmpi ne, %sign3A_988, %sign3A_995 : i32
    %rem3A_997 = arith.remsi %add3A_979, %jit3A_980 : i32
    %ne3A_998 = arith.constant 0 : i32
    %ne3A_999 = arith.cmpi ne, %rem3A_997, %ne3A_998 : i32
    %and3A_1000 = arith.andi %ne3A_996, %ne3A_999 : i1
    %sub3A_1001 = arith.constant 1 : i32
    %sub3A_1002 = arith.subi %div3A_981, %sub3A_1001 : i32
    %select_n3A_1003 = arith.select %and3A_1000, %sub3A_1002, %div3A_981 : i32
    %jit3A_1004 = arith.constant 16 : i32
    %eq3A_1005 = arith.constant 0 : i32
    %eq3A_1006 = arith.cmpi eq, %jit3A_1004, %eq3A_1005 : i32
    %jit3A_1007 = arith.constant 1 : i32
    %select_n3A_1008 = arith.select %eq3A_1006, %jit3A_1007, %jit3A_1004 : i32
    %rem3A_1009 = arith.remsi %add3A_979, %select_n3A_1008 : i32
    %ne3A_1010 = arith.constant 0 : i32
    %ne3A_1011 = arith.cmpi ne, %rem3A_1009, %ne3A_1010 : i32
    %lt3A_1012 = arith.constant 0 : i32
    %lt3A_1013 = arith.cmpi slt, %rem3A_1009, %lt3A_1012 : i32
    %lt3A_1014 = arith.constant 0 : i32
    %lt3A_1015 = arith.cmpi slt, %select_n3A_1008, %lt3A_1014 : i32
    %ne3A_1016 = arith.xori %lt3A_1013, %lt3A_1015 : i1
    %and3A_1017 = arith.andi %ne3A_1016, %ne3A_1011 : i1
    %add3A_1018 = arith.addi %rem3A_1009, %select_n3A_1008 : i32
    %select_n3A_1019 = arith.select %and3A_1017, %add3A_1018, %rem3A_1009 : i32
    %mul3A_1020 = arith.constant 64 : i32
    %mul3A_1021 = arith.muli %select_n3A_1019, %mul3A_1020 : i32
    %dma_wait3A_1022 = arith.constant 0 : i32
    %dma_wait3A_1023 = arith.constant 0 : i32
    %dma_wait3A_1024 = tpu.memref_slice %arg7[%rem3A_977, %dma_wait3A_1022, %dma_wait3A_1023] : memref<14x64x128xf32, #tpu.memory_space<vmem>> -> memref<1x64x128xf32, #tpu.memory_space<vmem>>
    %dma_wait3A_1025 = tpu.memref_squeeze %dma_wait3A_1024 : memref<1x64x128xf32, #tpu.memory_space<vmem>> -> memref<64x128xf32, #tpu.memory_space<vmem>>
    %dma_wait3A_1026 = arith.constant 0 : i32
    %dma_wait3A_1027 = tpu.memref_slice %arg5[%mul3A_1021, %select_n3A_1003, %dma_wait3A_1026] : memref<1024x200x128xf32, #tpu.memory_space<hbm>> -> memref<64x1x128xf32, #tpu.memory_space<hbm>>
    %dma_wait3A_1028 = tpu.memref_squeeze %dma_wait3A_1027 : memref<64x1x128xf32, #tpu.memory_space<hbm>> -> memref<64x128xf32, #tpu.memory_space<hbm>>
    %dma_wait3A_1029 = tpu.memref_slice %arg10[%rem3A_977] : memref<14x!tpu.dma_semaphore, #tpu.memory_space<semaphore_mem>> -> memref<1x!tpu.dma_semaphore, #tpu.memory_space<semaphore_mem>>
    %dma_wait3A_1030 = tpu.memref_squeeze %dma_wait3A_1029 : memref<1x!tpu.dma_semaphore, #tpu.memory_space<semaphore_mem>> -> memref<!tpu.dma_semaphore, #tpu.memory_space<semaphore_mem>>
    %dma_wait3A_1031 = arith.constant 0 : i32
    %dma_wait3A_1032 = tpu.memref_slice %arg5[%mul3A_1021, %select_n3A_1003, %dma_wait3A_1031] : memref<1024x200x128xf32, #tpu.memory_space<hbm>> -> memref<64x1x128xf32, #tpu.memory_space<hbm>>
    %dma_wait3A_1033 = tpu.memref_squeeze %dma_wait3A_1032 : memref<64x1x128xf32, #tpu.memory_space<hbm>> -> memref<64x128xf32, #tpu.memory_space<hbm>>
    %dma_wait3A_1034 = arith.constant 0 : i32
    %dma_wait3A_1035 = arith.constant 0 : i32
    %dma_wait3A_1036 = tpu.memref_slice %arg7[%rem3A_977, %dma_wait3A_1034, %dma_wait3A_1035] : memref<14x64x128xf32, #tpu.memory_space<vmem>> -> memref<1x64x128xf32, #tpu.memory_space<vmem>>
    %dma_wait3A_1037 = tpu.memref_squeeze %dma_wait3A_1036 : memref<1x64x128xf32, #tpu.memory_space<vmem>> -> memref<64x128xf32, #tpu.memory_space<vmem>>
    tpu.wait_dma2 semaphore(%dma_wait3A_1030 : memref<!tpu.dma_semaphore, #tpu.memory_space<semaphore_mem>>) src(%dma_wait3A_1037 : memref<64x128xf32, #tpu.memory_space<vmem>>) dst(%dma_wait3A_1033 : memref<64x128xf32, #tpu.memory_space<hbm>>)
    %rem3A_1038 = arith.constant 99 : i32
    %rem3A_1039 = arith.constant 14 : i32
    %rem3A_1040 = arith.remsi %rem3A_1038, %rem3A_1039 : i32
    %add3A_1041 = arith.constant 99 : i32
    %add3A_1042 = arith.addi %mul3A_2, %add3A_1041 : i32
    %jit3A_1043 = arith.constant 16 : i32
    %div3A_1044 = arith.divsi %add3A_1042, %jit3A_1043 : i32
    %sign3A_1045 = arith.constant 0 : i32
    %sign3A_1046 = arith.cmpi sgt, %add3A_1042, %sign3A_1045 : i32
    %sign3A_1047 = arith.extui %sign3A_1046 : i1 to i32
    %sign3A_1048 = arith.constant 0 : i32
    %sign3A_1049 = arith.cmpi slt, %add3A_1042, %sign3A_1048 : i32
    %sign3A_1050 = arith.extui %sign3A_1049 : i1 to i32
    %sign3A_1051 = arith.subi %sign3A_1047, %sign3A_1050 : i32
    %sign3A_1052 = arith.constant 0 : i32
    %sign3A_1053 = arith.cmpi sgt, %jit3A_1043, %sign3A_1052 : i32
    %sign3A_1054 = arith.extui %sign3A_1053 : i1 to i32
    %sign3A_1055 = arith.constant 0 : i32
    %sign3A_1056 = arith.cmpi slt, %jit3A_1043, %sign3A_1055 : i32
    %sign3A_1057 = arith.extui %sign3A_1056 : i1 to i32
    %sign3A_1058 = arith.subi %sign3A_1054, %sign3A_1057 : i32
    %ne3A_1059 = arith.cmpi ne, %sign3A_1051, %sign3A_1058 : i32
    %rem3A_1060 = arith.remsi %add3A_1042, %jit3A_1043 : i32
    %ne3A_1061 = arith.constant 0 : i32
    %ne3A_1062 = arith.cmpi ne, %rem3A_1060, %ne3A_1061 : i32
    %and3A_1063 = arith.andi %ne3A_1059, %ne3A_1062 : i1
    %sub3A_1064 = arith.constant 1 : i32
    %sub3A_1065 = arith.subi %div3A_1044, %sub3A_1064 : i32
    %select_n3A_1066 = arith.select %and3A_1063, %sub3A_1065, %div3A_1044 : i32
    %jit3A_1067 = arith.constant 16 : i32
    %eq3A_1068 = arith.constant 0 : i32
    %eq3A_1069 = arith.cmpi eq, %jit3A_1067, %eq3A_1068 : i32
    %jit3A_1070 = arith.constant 1 : i32
    %select_n3A_1071 = arith.select %eq3A_1069, %jit3A_1070, %jit3A_1067 : i32
    %rem3A_1072 = arith.remsi %add3A_1042, %select_n3A_1071 : i32
    %ne3A_1073 = arith.constant 0 : i32
    %ne3A_1074 = arith.cmpi ne, %rem3A_1072, %ne3A_1073 : i32
    %lt3A_1075 = arith.constant 0 : i32
    %lt3A_1076 = arith.cmpi slt, %rem3A_1072, %lt3A_1075 : i32
    %lt3A_1077 = arith.constant 0 : i32
    %lt3A_1078 = arith.cmpi slt, %select_n3A_1071, %lt3A_1077 : i32
    %ne3A_1079 = arith.xori %lt3A_1076, %lt3A_1078 : i1
    %and3A_1080 = arith.andi %ne3A_1079, %ne3A_1074 : i1
    %add3A_1081 = arith.addi %rem3A_1072, %select_n3A_1071 : i32
    %select_n3A_1082 = arith.select %and3A_1080, %add3A_1081, %rem3A_1072 : i32
    %mul3A_1083 = arith.constant 64 : i32
    %mul3A_1084 = arith.muli %select_n3A_1082, %mul3A_1083 : i32
    %dma_wait3A_1085 = arith.constant 0 : i32
    %dma_wait3A_1086 = arith.constant 0 : i32
    %dma_wait3A_1087 = tpu.memref_slice %arg7[%rem3A_1040, %dma_wait3A_1085, %dma_wait3A_1086] : memref<14x64x128xf32, #tpu.memory_space<vmem>> -> memref<1x64x128xf32, #tpu.memory_space<vmem>>
    %dma_wait3A_1088 = tpu.memref_squeeze %dma_wait3A_1087 : memref<1x64x128xf32, #tpu.memory_space<vmem>> -> memref<64x128xf32, #tpu.memory_space<vmem>>
    %dma_wait3A_1089 = arith.constant 0 : i32
    %dma_wait3A_1090 = tpu.memref_slice %arg5[%mul3A_1084, %select_n3A_1066, %dma_wait3A_1089] : memref<1024x200x128xf32, #tpu.memory_space<hbm>> -> memref<64x1x128xf32, #tpu.memory_space<hbm>>
    %dma_wait3A_1091 = tpu.memref_squeeze %dma_wait3A_1090 : memref<64x1x128xf32, #tpu.memory_space<hbm>> -> memref<64x128xf32, #tpu.memory_space<hbm>>
    %dma_wait3A_1092 = tpu.memref_slice %arg10[%rem3A_1040] : memref<14x!tpu.dma_semaphore, #tpu.memory_space<semaphore_mem>> -> memref<1x!tpu.dma_semaphore, #tpu.memory_space<semaphore_mem>>
    %dma_wait3A_1093 = tpu.memref_squeeze %dma_wait3A_1092 : memref<1x!tpu.dma_semaphore, #tpu.memory_space<semaphore_mem>> -> memref<!tpu.dma_semaphore, #tpu.memory_space<semaphore_mem>>
    %dma_wait3A_1094 = arith.constant 0 : i32
    %dma_wait3A_1095 = tpu.memref_slice %arg5[%mul3A_1084, %select_n3A_1066, %dma_wait3A_1094] : memref<1024x200x128xf32, #tpu.memory_space<hbm>> -> memref<64x1x128xf32, #tpu.memory_space<hbm>>
    %dma_wait3A_1096 = tpu.memref_squeeze %dma_wait3A_1095 : memref<64x1x128xf32, #tpu.memory_space<hbm>> -> memref<64x128xf32, #tpu.memory_space<hbm>>
    %dma_wait3A_1097 = arith.constant 0 : i32
    %dma_wait3A_1098 = arith.constant 0 : i32
    %dma_wait3A_1099 = tpu.memref_slice %arg7[%rem3A_1040, %dma_wait3A_1097, %dma_wait3A_1098] : memref<14x64x128xf32, #tpu.memory_space<vmem>> -> memref<1x64x128xf32, #tpu.memory_space<vmem>>
    %dma_wait3A_1100 = tpu.memref_squeeze %dma_wait3A_1099 : memref<1x64x128xf32, #tpu.memory_space<vmem>> -> memref<64x128xf32, #tpu.memory_space<vmem>>
    tpu.wait_dma2 semaphore(%dma_wait3A_1093 : memref<!tpu.dma_semaphore, #tpu.memory_space<semaphore_mem>>) src(%dma_wait3A_1100 : memref<64x128xf32, #tpu.memory_space<vmem>>) dst(%dma_wait3A_1096 : memref<64x128xf32, #tpu.memory_space<hbm>>)
    return
  }
}

</mosaic_0001>

<sc_bundles>
// kernel: kernel.3.cloned.1.call-start
scs
__scs_entry_jumppad:
0x0: {  	(pc) =	sbr.rel $0x88, $3  }
0x1: {  	(tag) =	ssettag $0x0;
	lr =	simm.s32 $0x1  }
0x2: {  	[smem:$0x3F9E] =	sst lr;
	_ =	strace $0xD0000000  }
0x3: {  	_ = 	snop  }
0x4: {  	_ = 	snop  }
0x5: {  	_ = 	snop  }
0x6: {  	_ = 	snop  }
0x7: {  	_ = 	snop  }
__scs_overlays_trampoline_lowered:
0x8: {  	[smem:$0x3FAD] =	sst s0  }
0x9: {  	[smem:$0x3FAE] =	sst s1  }
0xa: {  	[smem:$0x3FAF] =	sst s2  }
0xb: {  	[smem:$0x3FB0] =	sst s3  }
0xc: {  	[smem:$0x3FB1] =	sst s4  }
0xd: {  	[smem:$0x3FB2] =	sst s5  }
0xe: {  	[smem:$0x3FB3] =	sst s6  }
0xf: {  	[smem:$0x3FB4] =	sst s7  }
0x10: {  	[smem:$0x3FB5] =	sst s8  }
0x11: {  	[smem:$0x3FB6] =	sst s9;
	s0 =	simm.s32 @!p0 $0x0  }
0x12: {  	s1 =	sld [smem:$0x3F9C];
	s0 =	simm.s32 @p0 $0x1  }
0x13: {  	[smem:$0x3FB7] =	sst s0;
	s0 =	simm.s32 @!p1 $0x0  }
0x14: {  	s2 =	sld [smem:$0x3F9B];
	s0 =	simm.s32 @p1 $0x1  }
0x15: {  	[smem:$0x3FB8] =	sst s0;
	s0 =	simm.s32 @!p2 $0x0  }
0x16: {  	s3 =	sld [smem:$0x3FDB];
	s0 =	simm.s32 @p2 $0x1  }
0x17: {  	s4 =	simm.s32 $0x1BF5;
	[smem:$0x3FBA] =	sst s0  }
0x18: {  	s0 =	sld [smem:$0x3F9D];
	_ =	swait.ge [sflag:s4], $0x0  }
0x19: {  	s7 =	sld [smem:$0x3F9E]  }
0x1a: {  	s8 =	sadd.s32 $0xFFFFE003, lr  }
0x1b: {  	s9 =	sadd.s32 $0xFFFFFEF7, lr;
	s5 =	simm.s32 $0xFFFFFFFF;
	p2 =	slt.u32 s8, $0xFFFFF086  }
0x1c: {  	p1 =	slt.u32 s9, $0xF7A;
	s5 =	simm.s32 @!p2 $0x0  }
0x1d: {  	s5 =	simm.s32 @p1 $0x1;
	p0 =	seq.s32 s7, s2  }
0x1e: {  	s7 =	smul.u32 @!p0 $0xF7A, s2;
	p2 =	seq.s32 @!p0 s5, $0x0  }
0x1f: {  	s9 =	smul.u32 $0xF7A, s1;
	s8 =	simm.s32 @!p0 $0x1BF5;
	p2 =	por !p2, p0  }
0x20: {  	[sflag:s8] =	ssyncset.s32 @!p0 $0xFFFFF086;
	s6 =	sadd.s32 @!p0 s3, s7;
	s7 =	simm.s32 @!p0 $0x108  }
0x21: {  	s3 =	sadd.s32 s3, s9;
	s6 =	sadd.s32 @!p0 $0x88, s6;
	s7 =	simm.s32 @p2 $0x1082  }
0x22: {  	[simem:s7], [sflag:s8] =	dma.local @!p0 [hbm:s6], $0xF7A  }
0x23: {  	s9 =	sor.u32 $0xD0000000, s2;
	s6 =	simm.s32 $0x108;
	_ =	swait.ge @!p0 [sflag:s8], $0x0  }
0x24: {  	s3 =	sadd.s32 $0x88, s3;
	s6 =	simm.s32 @!p1 $0x1082;
	[sflag:s4] =	ssyncset.s32 $0xFFFFF086  }
0x25: {  	[simem:s6], [sflag:s4] =	dma.local [hbm:s3], $0xF7A  }
0x26: {  	[smem:$0x3F9E] =	sst s1;
	(tag) =	ssettag s2;
	_ =	strace s9  }
0x27: {  	s1 =	sld [smem:$0x3FAE]  }
0x28: {  	s2 =	sld [smem:$0x3FAF]  }
0x29: {  	s4 =	sld [smem:$0x3FB1]  }
0x2a: {  	p0 =	seq.s32 s5, $0x0;
	s5 =	sld [smem:$0x3FB2]  }
0x2b: {  	s6 =	sld [smem:$0x3FB3]  }
0x2c: {  	s7 =	sld [smem:$0x3FB4]  }
0x2d: {  	s3 =	simm.s32 $0x108;
	s8 =	sld [smem:$0x3FB5]  }
0x2e: {  	s3 =	simm.s32 @!p0 $0x1082;
	s9 =	sld [smem:$0x3FB6]  }
0x2f: {  	lr =	sadd.s32 s0, s3;
	s0 =	sld [smem:$0x3FAD]  }
0x30: {  	s3 =	sld [smem:$0x3FB0]  }
0x31: {  	[smem:$0x3FB9] =	sst s10  }
0x32: {  	s10 =	sld [smem:$0x3FB7];
	_ =	sdelay $0x3  }
0x33: {  	p0 =	seq.s32 s10, $0x1;
	s10 =	sld [smem:$0x3FB9];
	_ =	sdelay $0x3  }
0x34: {  	[smem:$0x3FB9] =	sst s10  }
0x35: {  	s10 =	sld [smem:$0x3FB8];
	_ =	sdelay $0x3  }
0x36: {  	p1 =	seq.s32 s10, $0x1;
	s10 =	sld [smem:$0x3FB9];
	_ =	sdelay $0x3  }
0x37: {  	[smem:$0x3FB9] =	sst s10  }
0x38: {  	s10 =	sld [smem:$0x3FBA]  }
0x39: {  	_ = 	snop;
	(pc) =	sbr.ind lr, $3  }
0x3a: {  	_ = 	snop  }
0x3b: {  	_ = 	snop  }
0x3c: {  	p2 =	seq.s32 s10, $0x1;
	s10 =	sld [smem:$0x3FB9]  }
0x3d: {  	_ =	shalt  }
0x3e: {  	_ =	shalt  }
0x3f: {  	_ =	shalt  }
0x40: {  	_ =	shalt  }
0x41: {  	_ =	shalt  }
0x42: {  	_ =	shalt  }
0x43: {  	_ =	shalt  }
0x44: {  	_ =	shalt  }
0x45: {  	_ =	shalt  }
0x46: {  	_ =	shalt  }
0x47: {  	_ =	shalt  }
0x48: {  	_ =	shalt  }
0x49: {  	_ =	shalt  }
0x4a: {  	_ =	shalt  }
0x4b: {  	_ =	shalt  }
0x4c: {  	_ =	shalt  }
0x4d: {  	_ =	shalt  }
0x4e: {  	_ =	shalt  }
0x4f: {  	_ =	shalt  }
0x50: {  	_ =	shalt  }
0x51: {  	_ =	shalt  }
0x52: {  	_ =	shalt  }
0x53: {  	_ =	shalt  }
0x54: {  	_ =	shalt  }
0x55: {  	_ =	shalt  }
0x56: {  	_ =	shalt  }
0x57: {  	_ =	shalt  }
0x58: {  	_ =	shalt  }
0x59: {  	_ =	shalt  }
0x5a: {  	_ =	shalt  }
0x5b: {  	_ =	shalt  }
0x5c: {  	_ =	shalt  }
0x5d: {  	_ =	shalt  }
0x5e: {  	_ =	shalt  }
0x5f: {  	_ =	shalt  }
0x60: {  	_ =	shalt  }
0x61: {  	_ =	shalt  }
0x62: {  	_ =	shalt  }
0x63: {  	_ =	shalt  }
0x64: {  	_ =	shalt  }
0x65: {  	_ =	shalt  }
0x66: {  	_ =	shalt  }
0x67: {  	_ =	shalt  }
0x68: {  	_ =	shalt  }
0x69: {  	_ =	shalt  }
0x6a: {  	_ =	shalt  }
0x6b: {  	_ =	shalt  }
0x6c: {  	_ =	shalt  }
0x6d: {  	_ =	shalt  }
0x6e: {  	_ =	shalt  }
0x6f: {  	_ =	shalt  }
0x70: {  	_ =	shalt  }
0x71: {  	_ =	shalt  }
0x72: {  	_ =	shalt  }
0x73: {  	_ =	shalt  }
0x74: {  	_ =	shalt  }
0x75: {  	_ =	shalt  }
0x76: {  	_ =	shalt  }
0x77: {  	_ =	shalt  }
0x78: {  	_ =	shalt  }
0x79: {  	_ =	shalt  }
0x7a: {  	_ =	shalt  }
0x7b: {  	_ =	shalt  }
0x7c: {  	_ =	shalt  }
0x7d: {  	_ =	shalt  }
0x7e: {  	_ =	shalt  }
0x7f: {  	_ =	shalt  }
0x80: {  	_ =	shalt  }
0x81: {  	_ =	shalt  }
0x82: {  	_ =	shalt  }
0x83: {  	_ =	shalt  }
0x84: {  	_ =	shalt  }
0x85: {  	_ =	shalt  }
0x86: {  	_ =	shalt  }
0x87: {  	_ =	shalt  }
.Lfunc_end0:
.L_simem_size_0:
called_computation_lowered:
.L_overlay_start_0:
0x88: {  	s2 =	sld [smem:$0x3FD9]  }
0x89: {  	s3 =	sld [smem:$0x3FFE];
	_ =	sdelay $0x1  }
0x8a: {  	s1 =	srdreg.scid  }
0x8b: {  	s0 =	sand.u32 $0x1, s1  }
0x8c: {  	s17 =	sshll.u32 s0, $0xA;
	s2 =	sadd.s32 s3, s2  }
0x8d: {  	s2 =	sadd.s32 s2, s17  }
0x8e: {  	[smem:$0x3FC5] =	sst s2  }
0x8f: {  	_ = 	snop  }
0x90: {  	s2 =	sld [smem:$0x3FC8]  }
0x91: {  	s18 =	sld [smem:$0x3FC7]  }
0x92: {  	s4 =	sld [smem:$0x3FD0];
	(tm) =	ssettm $0x1  }
0x93: {  	s5 =	sld [smem:$0x3FFB];
	_ =	sdelay $0x3  }
0x94: {  	_ =	strace s5  }
0x95: {  	s5 =	sld [smem:$0x3FFC];
	_ =	sdelay $0x3  }
0x96: {  	_ =	strace s5  }
0x97: {  	s5 =	sld [smem:$0x3FFD];
	_ =	sdelay $0x3  }
0x98: {  	_ =	strace s5  }
0x99: {  	_ =	strace $0x8FFFFFFF  }
0x9a: {  	s19 =	sld [smem:$0x3FDB];
	_ =	sdelay $0x1  }
0x9b: {  	s6 =	simm.s32 $_scs_section_size  }
0x9c: {  	s7 =	simm.s32 $_size__tile_overlayer_lowered;
	s8 =	simm.s32 $_tile_overlayer_lowered  }
0x9d: {  	s22 =	simm.s32 $0x1BFF;
	s21 =	sshll.u32 s8, $0x1;
	s5 =	sadd.s32 s6, s19  }
0x9e: {  	s9 =	simm.s32 $0x0;
	s20 =	sshll.u32 s7, $0x1;
	s7 =	sadd.s32 s21, s5  }
0x9f: {  	[timem:s9], [sflag:s22] =	dma.local [hbm:s7], s20  }
0xa0: {  	_ =	swait.ge [sflag:s22], s20  }
0xa1: {  	s6 =	ssub.s32 $0x0, s20;
	[sflag:s22] =	ssyncset.done $0x0  }
0xa2: {  	[sflag:s22] =	ssyncadd.s32 s6;
	_ =	sdelay $0x1  }
0xa3: {  	s23 =	simm.s32 $0x1B8B  }
0xa4: {  	_ =	swait.ge [sflag:s23], $0x1  }
0xa5: {  	[sflag:s23] =	ssyncset.done $0x0  }
0xa6: {  	s25 =	simm.s32 $0x1B8E;
	s24 =	sld [smem:$0x3FFE];
	[sflag:s23] =	ssyncadd.s32 $0xFFFFFFFF  }
0xa7: {  	s26 =	simm.s32 $execute0_lowered;
	[smem:$0x3FD2] =	sst s25  }
0xa8: {  	s7 =	sshll.u32 s26, $0x1;
	_ =	strace $0x80000046;
	[dreg:$0x1] =	wrdreg $0xFFFFFFFF  }
0xa9: {  	s28 =	simm.s32 $_size_execute0_lowered;
	s5 =	sadd.s32 s5, s7;
	[dreg:$0x0] =	wrdreg $0x0  }
0xaa: {  	s7 =	sshll.u32 s28, $0x1;
	[dreg:$0x2] =	wrdreg s5  }
0xab: {  	[dreg:$0x3] =	wrdreg s7  }
0xac: {  	[dreg:$0x4] =	wrdreg $0xC0  }
0xad: {  	_ =	task [dreg:s9], $0x5FFFF  }
0xae: {  	[dreg:$0x1] =	wrdreg $0xFFFFFFFF  }
0xaf: {  	[dreg:$0x0] =	wrdreg $0x60  }
0xb0: {  	[dreg:$0x2] =	wrdreg s24  }
0xb1: {  	[dreg:$0x3] =	wrdreg s2  }
0xb2: {  	[dreg:$0x4] =	wrdreg s18  }
0xb3: {  	[dreg:$0x5] =	wrdreg s4  }
0xb4: {  	[dreg:$0x6] =	wrdreg $0x9  }
0xb5: {  	_ =	task.clear_ibuf [dreg:s9], $0x7FFFF;
	_ =	strace $0x90000046  }
0xb6: {  	s29 =	simm.s32 $0x9;
	_ =	strace $0x80000048  }
0xb7: {  	_ =	swait.ge [sflag:s29], $0x1  }
0xb8: {  	[sflag:s29] =	ssyncadd.s32 $0xFFFFFFFF  }
0xb9: {  	_ =	strace $0x90000048  }
0xba: {  	_ =	sfence  }
0xbb: {  	s30 =	sld [smem:$0x0];
	_ =	sdelay $0x2  }
0xbc: {  	s31 =	sshll.u32 s1, $0xD;
	s1 =	sshrl.u32 s1, $0x2  }
0xbd: {  	s3 =	sand.u32 $0x4000, s31;
	s1 =	sadd.s32 s1, s30  }
0xbe: {  	s0 =	sor.u32 s3, s0;
	s1 =	sshll.u32 s1, $0x11  }
0xbf: {  	s0 =	sor.u32 s1, s0  }
0xc0: {  	s0 =	sadd.s32 $0x8F2B, s0  }
0xc1: {  	[sflag:s0] =	ssyncadd.remote.s32 $0x1  }
0xc2: {  	_ =	sfence.sel $0xFFFF  }
0xc3: {  	[dreg:$0x0] =	wrdreg $0xFFFFFFFF;
	(pc) =	sbr.abs _section_cstart, $3  }
0xc4: {  	[dreg:$0x1] =	wrdreg $0xFFFFFFFF  }
0xc5: {  	_ =	task.clear_ibuf [dreg:s9], $0x2FFFF;
	_ =	strace $0x9FFFFFFF  }
0xc6: {  	(tm) =	ssettm $0x7FFFFFFF  }
0xc7: {  	_ =	shalt  }
tec
execute0_lowered:
.L_overlay_start_1:
0x0: {  	(tag) =	ssettag $0x1  }
0x1: {  	s0 =	rddreg [dreg:$0x0]  }
0x2: {  	s2 =	srdreg.scid;
	s1 =	rddreg [dreg:$0x1]  }
0x3: {  	s3 =	stileid.u32;
	s5 =	rddreg [dreg:$0x2]  }
0x4: {  	s7 =	simm.s32 $0x0;
	s10 =	simm.s32 $0x1D;
	s12 =	simm.s32 $0x40  }
0x5: {  	s13 =	simm.s32 $0x80;
	s17 =	simm.s32 $0x6400;
	s19 =	simm.s32 $0x12  }
0x6: {  	s20 =	simm.s32 $0x13;
	s21 =	simm.s32 $0x14;
	s22 =	simm.s32 $0x15  }
0x7: {  	s23 =	simm.s32 $0x16;
	s2 =	sand.u32 $0x1, s2;
	s3 =	sshll.u32 s3, $0x1  }
0x8: {  	s28 =	simm.s32 $0x1A;
	s29 =	simm.s32 $0x1B;
	s6 =	sor.u32 s2, s3  }
0x9: {  	s30 =	simm.s32 $0x1C;
	s31 =	simm.s32 $0xF;
	s4 =	smul.u32 $0x64, s6  }
0xa: {  	[smem:$0x7FF] =	sst s7;
	s2 =	ssub.s32 $0x2, s2;
	s6 =	smul.u32 $0x640, s6  }
0xb: {  	s3 =	rddreg [dreg:$0x3];
	_ =	strace $0x80000047;
	s8 =	sshrl.u32 s2, $0x1  }
0xc: {  	s2 =	ssub.s32 s2, s8;
	s24 =	sshrl.u32 s4, $0x4;
	s0 =	sadd.s32 s6, s0  }
.Ltmp0:
0xd: {  	s26 =	smax.u32 s2, $0x1;
	s7 =	sand.u32 $0xF8, s24;
	(pc) =	sbr.rel .LBB2_1-.Ltmp0, $4  }
0xe: {  	s2 =	simm.s32 $0x10;
	s0 =	sadd.s32 $0x400, s0;
	s6 =	smin.u32 s7, $0xB8  }
0xf: {  	[dreg:$0x7] =	wrdreg s26;
	s24 =	simm.s32 $0x17;
	s25 =	sshll.u32 s6, $0x4  }
0x10: {  	s26 =	simm.s32 $0x19;
	[dreg:$0x5] =	wrdreg s0;
	s0 =	sadd.s32 s5, s25  }
0x11: {  	s25 =	simm.s32 $0x18;
	[dreg:$0x6] =	wrdreg s0;
	s0 =	simm.s32 $0x0  }
.LBB2_9:
0x12: {  	s5 =	simm.s32 $0x11  }
0x13: {  	_ =	swait.ge [sflag:s5], $0x2000  }
0x14: {  	[sflag:s5] =	ssyncset.done $0x0  }
0x15: {  	[sflag:s5] =	ssyncadd.s32 $0xFFFFE000  }
0x16: {  	_ =	swait.ge [sflag:s19], $0x2000  }
0x17: {  	[sflag:s19] =	ssyncset.done $0x0  }
0x18: {  	[sflag:s19] =	ssyncadd.s32 $0xFFFFE000  }
0x19: {  	_ =	swait.ge [sflag:s20], $0x2000  }
0x1a: {  	[sflag:s20] =	ssyncset.done $0x0  }
0x1b: {  	[sflag:s20] =	ssyncadd.s32 $0xFFFFE000  }
0x1c: {  	_ =	swait.ge [sflag:s21], $0x2000  }
0x1d: {  	[sflag:s21] =	ssyncset.done $0x0  }
0x1e: {  	[sflag:s21] =	ssyncadd.s32 $0xFFFFE000  }
0x1f: {  	_ =	swait.ge [sflag:s22], $0x2000  }
0x20: {  	[sflag:s22] =	ssyncset.done $0x0  }
0x21: {  	[sflag:s22] =	ssyncadd.s32 $0xFFFFE000  }
0x22: {  	_ =	swait.ge [sflag:s23], $0x2000  }
0x23: {  	[sflag:s23] =	ssyncset.done $0x0  }
0x24: {  	[sflag:s23] =	ssyncadd.s32 $0xFFFFE000  }
0x25: {  	_ =	swait.ge [sflag:s24], $0x2000  }
0x26: {  	[sflag:s24] =	ssyncset.done $0x0  }
0x27: {  	[sflag:s24] =	ssyncadd.s32 $0xFFFFE000  }
0x28: {  	_ =	swait.ge [sflag:s25], $0x2000  }
0x29: {  	[sflag:s25] =	ssyncset.done $0x0  }
0x2a: {  	[sflag:s25] =	ssyncadd.s32 $0xFFFFE000  }
0x2b: {  	_ =	swait.ge [sflag:s26], $0x2000  }
0x2c: {  	[sflag:s26] =	ssyncset.done $0x0  }
0x2d: {  	[sflag:s26] =	ssyncadd.s32 $0xFFFFE000  }
0x2e: {  	_ =	swait.ge [sflag:s28], $0x2000  }
0x2f: {  	[sflag:s28] =	ssyncset.done $0x0  }
0x30: {  	[sflag:s28] =	ssyncadd.s32 $0xFFFFE000  }
0x31: {  	_ =	swait.ge [sflag:s29], $0x2000  }
0x32: {  	[sflag:s29] =	ssyncset.done $0x0  }
0x33: {  	[sflag:s29] =	ssyncadd.s32 $0xFFFFE000  }
0x34: {  	_ =	swait.ge [sflag:s30], $0x2000  }
0x35: {  	[sflag:s30] =	ssyncset.done $0x0  }
0x36: {  	[sflag:s30] =	ssyncadd.s32 $0xFFFFE000  }
0x37: {  	_ =	swait.ge [sflag:s31], $0x2000  }
0x38: {  	[sflag:s31] =	ssyncset.done $0x0  }
0x39: {  	[sflag:s31] =	ssyncadd.s32 $0xFFFFE000  }
0x3a: {  	_ =	swait.ge [sflag:s2], $0x2000  }
0x3b: {  	s0 =	sadd.s32 $0x1, s0;
	s18 =	rddreg [dreg:$0x7]  }
0x3c: {  	p0 =	sne.s32 s0, s18  }
.Ltmp1:
0x3d: {  	_ = 	snop;
	(pc) =	sbr.rel @!p0 .LBB2_10-.Ltmp1, $3  }
0x3e: {  	_ =	sdelay $0x1  }
0x3f: {  	[sflag:s2] =	ssyncset.done $0x0  }
0x40: {  	[sflag:s2] =	ssyncadd.s32 $0xFFFFE000  }
.LBB2_1:
0x41: {  	s5 =	simm.s32 $0x0;
	s7 =	rddreg [dreg:$0x5]  }
0x42: {  	[tilespmem:s5], [sflag:$0x1D] =	stream.linear.gather [hbm4b:s7+s5], $0x3200, $0x38;
	[tilespmem:$0x1FA00] =	vst v63  }
0x43: {  	_ =	swait.ge [sflag:s10], $0x3200  }
0x44: {  	[sflag:s10] =	ssyncset.done $0x0  }
0x45: {  	s8 =	simm.s32 $0x1F200;
	s18 =	rddreg [dreg:$0x6];
	[sflag:s10] =	ssyncadd.s32 $0xFFFFCE00  }
0x46: {  	[tilespmem:s8], [sflag:$0x1D] =	stream.linear.gather [hbm4b:s18+s5], $0x800, $0x38;
	[tilespmem:$0x1FA00] =	vst v63  }
0x47: {  	_ =	swait.ge [sflag:s10], $0x800  }
0x48: {  	[sflag:s10] =	ssyncset.done $0x0  }
0x49: {  	s11 =	simm.s32 $0x3200;
	[sflag:s10] =	ssyncadd.s32 $0xFFFFF800  }
0x4a: {  	[tilespmem:s11], [sflag:$0x1] =	stream.indirect.gather [hbm4b:s1+s12], $0x80, s5, s12, $0xb8;
	[tilespmem:$0x1FA00] =	vst v63  }
0x4b: {  	s9 =	simm.s32 $0x5200  }
0x4c: {  	[tilespmem:s9], [sflag:$0x2] =	stream.indirect.gather [hbm4b:s1+s12], $0x80, s13, s12, $0xb8;
	[tilespmem:$0x1FA00] =	vst v63  }
0x4d: {  	s14 =	simm.s32 $0x100;
	s15 =	simm.s32 $0x7200  }
0x4e: {  	[tilespmem:s15], [sflag:$0x3] =	stream.indirect.gather [hbm4b:s1+s12], $0x80, s14, s12, $0xb8;
	[tilespmem:$0x1FA00] =	vst v63  }
0x4f: {  	s16 =	simm.s32 $0x180;
	s18 =	simm.s32 $0x9200  }
0x50: {  	[tilespmem:s18], [sflag:$0x4] =	stream.indirect.gather [hbm4b:s1+s12], $0x80, s16, s12, $0xb8;
	[tilespmem:$0x1FA00] =	vst v63  }
0x51: {  	s8 =	simm.s32 $0x200;
	s9 =	simm.s32 $0xB200  }
0x52: {  	[tilespmem:s9], [sflag:$0x5] =	stream.indirect.gather [hbm4b:s1+s12], $0x80, s8, s12, $0xb8;
	[tilespmem:$0x1FA00] =	vst v63  }
0x53: {  	s14 =	simm.s32 $0x280;
	s15 =	simm.s32 $0xD200  }
0x54: {  	[tilespmem:s15], [sflag:$0x6] =	stream.indirect.gather [hbm4b:s1+s12], $0x80, s14, s12, $0xb8;
	[tilespmem:$0x1FA00] =	vst v63  }
0x55: {  	s16 =	simm.s32 $0x300;
	s18 =	simm.s32 $0xF200  }
0x56: {  	[tilespmem:s18], [sflag:$0x7] =	stream.indirect.gather [hbm4b:s1+s12], $0x80, s16, s12, $0xb8;
	[tilespmem:$0x1FA00] =	vst v63  }
0x57: {  	s8 =	simm.s32 $0x380;
	s9 =	simm.s32 $0x11200  }
0x58: {  	[tilespmem:s9], [sflag:$0x8] =	stream.indirect.gather [hbm4b:s1+s12], $0x80, s8, s12, $0xb8;
	[tilespmem:$0x1FA00] =	vst v63  }
0x59: {  	s14 =	simm.s32 $0x400;
	s15 =	simm.s32 $0x13200  }
0x5a: {  	[tilespmem:s15], [sflag:$0x9] =	stream.indirect.gather [hbm4b:s1+s12], $0x80, s14, s12, $0xb8;
	[tilespmem:$0x1FA00] =	vst v63  }
0x5b: {  	s16 =	simm.s32 $0x480;
	s18 =	simm.s32 $0x15200  }
0x5c: {  	[tilespmem:s18], [sflag:$0xA] =	stream.indirect.gather [hbm4b:s1+s12], $0x80, s16, s12, $0xb8;
	[tilespmem:$0x1FA00] =	vst v63  }
0x5d: {  	s8 =	simm.s32 $0x500;
	s9 =	simm.s32 $0x17200  }
0x5e: {  	[tilespmem:s9], [sflag:$0xB] =	stream.indirect.gather [hbm4b:s1+s12], $0x80, s8, s12, $0xb8;
	[tilespmem:$0x1FA00] =	vst v63  }
.Ltmp2:
0x5f: {  	_ = 	snop;
	(pc) =	sbr.rel .LBB2_2-.Ltmp2, $4  }
0x60: {  	s14 =	simm.s32 $0x580;
	s15 =	simm.s32 $0x19200  }
0x61: {  	[tilespmem:s15], [sflag:$0xC] =	stream.indirect.gather [hbm4b:s1+s12], $0x80, s14, s12, $0xb8;
	[tilespmem:$0x1FA00] =	vst v63  }
0x62: {  	s16 =	simm.s32 $0x600;
	s18 =	simm.s32 $0x1B200;
	s14 =	simm.s32 $0x0  }
0x63: {  	[tilespmem:s18], [sflag:$0xD] =	stream.indirect.gather [hbm4b:s1+s12], $0x80, s16, s12, $0xb8;
	[tilespmem:$0x1FA00] =	vst v63  }
.LBB2_5:
0x64: {  	s7 =	sand.u32 $0xFE, s5  }
0x65: {  	s7 =	sshrl.u32 s7, $0x1  }
0x66: {  	s7 =	smul.u32 $0x93, s7;
	_ =	sdelay $0x1  }
0x67: {  	s7 =	sshrl.u32 s7, $0xA  }
0x68: {  	s7 =	smul.u32 $0xE, s7;
	_ =	sdelay $0x1  }
0x69: {  	s18 =	ssub.s32 s5, s7  }
0x6a: {  	s5 =	sand.u32 $0xFF, s18  }
0x6b: {  	s5 =	sadd.s32 $0xF, s5  }
0x6c: {  	_ =	swait.ge [sflag:s5], $0x2000  }
0x6d: {  	[sflag:s5] =	ssyncset.done $0x0  }
0x6e: {  	[sflag:s5] =	ssyncadd.s32 $0xFFFFE000  }
.LBB2_7:
0x6f: {  	s5 =	sadd.s32 $0xD, s14  }
0x70: {  	s7 =	sshrl.u32 s5, $0x1  }
0x71: {  	s7 =	smulhi.u32 $0x92492493, s7;
	_ =	sdelay $0x1  }
0x72: {  	s7 =	sshrl.u32 s7, $0x2  }
0x73: {  	s7 =	smul.u32 $0xE, s7;
	_ =	sdelay $0x1  }
0x74: {  	s7 =	ssub.s32 s5, s7  }
0x75: {  	s5 =	sshll.u32 s5, $0x7;
	s8 =	sshll.u32 s7, $0xD  }
0x76: {  	s5 =	sand.u32 $0x3FFFFF80, s5;
	s7 =	sadd.s32 $0x1, s7;
	s8 =	sadd.s32 $0x3200, s8  }
0x77: {  	[tilespmem:s8], [sflag:s7] =	stream.indirect.gather [hbm4b:s1+s12], $0x80, s5, s12, $0xb8;
	[tilespmem:$0x1FA00] =	vst v63  }
.LBB2_8:
0x78: {  	s14 =	sadd.s32 $0x1, s14  }
0x79: {  	p0 =	sne.s32 s14, $0x64  }
.Ltmp3:
0x7a: {  	_ = 	snop;
	(pc) =	sbr.rel @!p0 .LBB2_9-.Ltmp3, $2  }
0x7b: {  	_ =	sdelay $0x2  }
0x7c: {  	s11 =	sadd.s32 $0x2000, s11  }
.LBB2_2:
0x7d: {  	s5 =	sand.u32 $0xFE, s14  }
0x7e: {  	s5 =	sshrl.u32 s5, $0x1  }
0x7f: {  	s5 =	smul.u32 $0x93, s5;
	_ =	sdelay $0x1  }
0x80: {  	s5 =	sshrl.u32 s5, $0xA  }
0x81: {  	s5 =	smul.u32 $0xE, s5;
	_ =	sdelay $0x1  }
0x82: {  	s5 =	ssub.s32 s14, s5  }
0x83: {  	s7 =	sadd.s32 s4, s14;
	s15 =	sand.u32 $0xFF, s5  }
0x84: {  	s16 =	sshrl.u32 s7, $0x4;
	s5 =	sadd.s32 $0x1, s15  }
0x85: {  	s8 =	ssub.s32 s16, s6;
	_ =	swait.ge [sflag:s5], $0x2000  }
0x86: {  	s8 =	sshll.u32 s8, $0x9;
	[sflag:s5] =	ssyncset.done $0x0  }
0x87: {  	s18 =	sshra.s32 s8, $0x2;
	[sflag:s5] =	ssyncadd.s32 $0xFFFFE000  }
0x88: {  	s9 =	sshrl.u32 s14, $0x1;
	v2 =	vld [tilespmem:s18+$0x1F200]  }
0x89: {  	s8 =	smulhi.u32 $0x92492493, s9;
	v4 =	vld [tilespmem:s18+$0x1F210]  }
0x8a: {  	v5 =	vld [tilespmem:s18+$0x1F220]  }
0x8b: {  	s8 =	sshrl.u32 s8, $0x2;
	v7 =	vld [tilespmem:s18+$0x1F230]  }
0x8c: {  	s8 =	smul.u32 $0xFFF90000, s8;
	v6 =	vld [tilespmem:s18+$0x1F240]  }
0x8d: {  	v3 =	vld [tilespmem:s18+$0x1F250]  }
0x8e: {  	s8 =	sshra.s32 s8, $0x2;
	v1 =	vld [tilespmem:s18+$0x1F260]  }
0x8f: {  	s8 =	sadd.s32 s8, s11;
	v0 =	vld [tilespmem:s18+$0x1F270]  }
0x90: {  	v8 =	vld [tilespmem:s8+$0x0]  }
0x91: {  	v9 =	vld [tilespmem:s8+$0x10]  }
0x92: {  	v10 =	vld [tilespmem:s8+$0x20]  }
0x93: {  	v11 =	vld [tilespmem:s8+$0x30]  }
0x94: {  	v12 =	vld [tilespmem:s8+$0x40]  }
0x95: {  	v13 =	vld [tilespmem:s8+$0x50];
	v8 =	vadd.f32 v8, v2  }
0x96: {  	v14 =	vld [tilespmem:s8+$0x60];
	v9 =	vadd.f32 v9, v4  }
0x97: {  	[tilespmem:s8+$0x0] =	vst v8;
	v8 =	vadd.f32 v10, v5;
	v10 =	vld [tilespmem:s8+$0x70]  }
0x98: {  	[tilespmem:s8+$0x10] =	vst v9;
	v9 =	vadd.f32 v11, v7;
	v11 =	vld [tilespmem:s8+$0x80]  }
0x99: {  	[tilespmem:s8+$0x20] =	vst v8;
	v8 =	vadd.f32 v12, v6;
	v12 =	vld [tilespmem:s8+$0x90]  }
0x9a: {  	[tilespmem:s8+$0x30] =	vst v9;
	v9 =	vadd.f32 v13, v3;
	v13 =	vld [tilespmem:s8+$0xA0]  }
0x9b: {  	[tilespmem:s8+$0x40] =	vst v8;
	v8 =	vadd.f32 v14, v1;
	v14 =	vld [tilespmem:s8+$0xB0]  }
0x9c: {  	[tilespmem:s8+$0x50] =	vst v9;
	v9 =	vadd.f32 v10, v0;
	v10 =	vld [tilespmem:s8+$0xC0]  }
0x9d: {  	[tilespmem:s8+$0x60] =	vst v8;
	v8 =	vadd.f32 v11, v2;
	v11 =	vld [tilespmem:s8+$0xD0]  }
0x9e: {  	[tilespmem:s8+$0x70] =	vst v9;
	v9 =	vadd.f32 v12, v4;
	v12 =	vld [tilespmem:s8+$0xE0]  }
0x9f: {  	[tilespmem:s8+$0x80] =	vst v8;
	v8 =	vadd.f32 v13, v5;
	v13 =	vld [tilespmem:s8+$0xF0]  }
0xa0: {  	[tilespmem:s8+$0x90] =	vst v9;
	v9 =	vadd.f32 v14, v7;
	v14 =	vld [tilespmem:s8+$0x100]  }
0xa1: {  	[tilespmem:s8+$0xA0] =	vst v8;
	v8 =	vadd.f32 v10, v6;
	v10 =	vld [tilespmem:s8+$0x110]  }
0xa2: {  	[tilespmem:s8+$0xB0] =	vst v9;
	v9 =	vadd.f32 v11, v3;
	v11 =	vld [tilespmem:s8+$0x120]  }
0xa3: {  	[tilespmem:s8+$0xC0] =	vst v8;
	v8 =	vadd.f32 v12, v1;
	v12 =	vld [tilespmem:s8+$0x130]  }
0xa4: {  	[tilespmem:s8+$0xD0] =	vst v9;
	v9 =	vadd.f32 v13, v0;
	v13 =	vld [tilespmem:s8+$0x140]  }
0xa5: {  	[tilespmem:s8+$0xE0] =	vst v8;
	v8 =	vadd.f32 v14, v2;
	v14 =	vld [tilespmem:s8+$0x150]  }
0xa6: {  	[tilespmem:s8+$0xF0] =	vst v9;
	v9 =	vadd.f32 v10, v4;
	v10 =	vld [tilespmem:s8+$0x160]  }
0xa7: {  	[tilespmem:s8+$0x100] =	vst v8;
	v8 =	vadd.f32 v11, v5;
	v11 =	vld [tilespmem:s8+$0x170]  }
0xa8: {  	[tilespmem:s8+$0x110] =	vst v9;
	v9 =	vadd.f32 v12, v7;
	v12 =	vld [tilespmem:s8+$0x180]  }
0xa9: {  	[tilespmem:s8+$0x120] =	vst v8;
	v8 =	vadd.f32 v13, v6;
	v13 =	vld [tilespmem:s8+$0x190]  }
0xaa: {  	[tilespmem:s8+$0x130] =	vst v9;
	v9 =	vadd.f32 v14, v3;
	v14 =	vld [tilespmem:s8+$0x1A0]  }
0xab: {  	[tilespmem:s8+$0x140] =	vst v8;
	v8 =	vadd.f32 v10, v1;
	v10 =	vld [tilespmem:s8+$0x1B0]  }
0xac: {  	[tilespmem:s8+$0x150] =	vst v9;
	v9 =	vadd.f32 v11, v0;
	v11 =	vld [tilespmem:s8+$0x1C0]  }
0xad: {  	[tilespmem:s8+$0x160] =	vst v8;
	v8 =	vadd.f32 v12, v2;
	v12 =	vld [tilespmem:s8+$0x1D0]  }
0xae: {  	[tilespmem:s8+$0x170] =	vst v9;
	v9 =	vadd.f32 v13, v4;
	v13 =	vld [tilespmem:s8+$0x1E0]  }
0xaf: {  	[tilespmem:s8+$0x180] =	vst v8;
	v8 =	vadd.f32 v14, v5;
	v14 =	vld [tilespmem:s8+$0x1F0]  }
0xb0: {  	[tilespmem:s8+$0x190] =	vst v9;
	v9 =	vadd.f32 v10, v7;
	v10 =	vld [tilespmem:s8+$0x200]  }
0xb1: {  	[tilespmem:s8+$0x1A0] =	vst v8;
	v8 =	vadd.f32 v11, v6;
	v11 =	vld [tilespmem:s8+$0x210]  }
0xb2: {  	[tilespmem:s8+$0x1B0] =	vst v9;
	v9 =	vadd.f32 v12, v3;
	v12 =	vld [tilespmem:s8+$0x220]  }
0xb3: {  	[tilespmem:s8+$0x1C0] =	vst v8;
	v8 =	vadd.f32 v13, v1;
	v13 =	vld [tilespmem:s8+$0x230]  }
0xb4: {  	[tilespmem:s8+$0x1D0] =	vst v9;
	v9 =	vadd.f32 v14, v0;
	v14 =	vld [tilespmem:s8+$0x240]  }
0xb5: {  	[tilespmem:s8+$0x1E0] =	vst v8;
	v8 =	vadd.f32 v10, v2;
	v10 =	vld [tilespmem:s8+$0x250]  }
0xb6: {  	[tilespmem:s8+$0x1F0] =	vst v9;
	v9 =	vadd.f32 v11, v4;
	v11 =	vld [tilespmem:s8+$0x260]  }
0xb7: {  	[tilespmem:s8+$0x200] =	vst v8;
	v8 =	vadd.f32 v12, v5;
	v12 =	vld [tilespmem:s8+$0x270]  }
0xb8: {  	[tilespmem:s8+$0x210] =	vst v9;
	v9 =	vadd.f32 v13, v7;
	v13 =	vld [tilespmem:s8+$0x280]  }
0xb9: {  	[tilespmem:s8+$0x220] =	vst v8;
	v8 =	vadd.f32 v14, v6;
	v14 =	vld [tilespmem:s8+$0x290]  }
0xba: {  	[tilespmem:s8+$0x230] =	vst v9;
	v9 =	vadd.f32 v10, v3;
	v10 =	vld [tilespmem:s8+$0x2A0]  }
0xbb: {  	[tilespmem:s8+$0x240] =	vst v8;
	v8 =	vadd.f32 v11, v1;
	v11 =	vld [tilespmem:s8+$0x2B0]  }
0xbc: {  	[tilespmem:s8+$0x250] =	vst v9;
	v9 =	vadd.f32 v12, v0;
	v12 =	vld [tilespmem:s8+$0x2C0]  }
0xbd: {  	[tilespmem:s8+$0x260] =	vst v8;
	v8 =	vadd.f32 v13, v2;
	v13 =	vld [tilespmem:s8+$0x2D0]  }
0xbe: {  	[tilespmem:s8+$0x270] =	vst v9;
	v9 =	vadd.f32 v14, v4;
	v14 =	vld [tilespmem:s8+$0x2E0]  }
0xbf: {  	[tilespmem:s8+$0x280] =	vst v8;
	v8 =	vadd.f32 v10, v5;
	v10 =	vld [tilespmem:s8+$0x2F0]  }
0xc0: {  	[tilespmem:s8+$0x290] =	vst v9;
	v9 =	vadd.f32 v11, v7;
	v11 =	vld [tilespmem:s8+$0x300]  }
0xc1: {  	[tilespmem:s8+$0x2A0] =	vst v8;
	v8 =	vadd.f32 v12, v6;
	v12 =	vld [tilespmem:s8+$0x310]  }
0xc2: {  	[tilespmem:s8+$0x2B0] =	vst v9;
	v9 =	vadd.f32 v13, v3;
	v13 =	vld [tilespmem:s8+$0x320]  }
0xc3: {  	[tilespmem:s8+$0x2C0] =	vst v8;
	v8 =	vadd.f32 v14, v1;
	v14 =	vld [tilespmem:s8+$0x330]  }
0xc4: {  	[tilespmem:s8+$0x2D0] =	vst v9;
	v9 =	vadd.f32 v10, v0;
	v10 =	vld [tilespmem:s8+$0x340]  }
0xc5: {  	[tilespmem:s8+$0x2E0] =	vst v8;
	v8 =	vadd.f32 v11, v2;
	v11 =	vld [tilespmem:s8+$0x350]  }
0xc6: {  	[tilespmem:s8+$0x2F0] =	vst v9;
	v9 =	vadd.f32 v12, v4;
	v12 =	vld [tilespmem:s8+$0x360]  }
0xc7: {  	[tilespmem:s8+$0x300] =	vst v8;
	v8 =	vadd.f32 v13, v5;
	v13 =	vld [tilespmem:s8+$0x370]  }
0xc8: {  	[tilespmem:s8+$0x310] =	vst v9;
	v9 =	vadd.f32 v14, v7;
	v14 =	vld [tilespmem:s8+$0x380]  }
0xc9: {  	v15 =	vld [tilespmem:s8+$0x390];
	[tilespmem:s8+$0x320] =	vst v8;
	v8 =	vadd.f32 v10, v6  }
0xca: {  	[tilespmem:s8+$0x330] =	vst v9;
	v9 =	vadd.f32 v11, v3;
	v11 =	vld [tilespmem:s8+$0x3A0]  }
0xcb: {  	v16 =	vld [tilespmem:s8+$0x3B0];
	[tilespmem:s8+$0x340] =	vst v8;
	v8 =	vadd.f32 v12, v1  }
0xcc: {  	v10 =	vld [tilespmem:s8+$0x3C0];
	[tilespmem:s8+$0x350] =	vst v9;
	v9 =	vadd.f32 v13, v0  }
0xcd: {  	[tilespmem:s8+$0x360] =	vst v8;
	v12 =	vadd.f32 v14, v2;
	v8 =	vld [tilespmem:s8+$0x3D0]  }
0xce: {  	v13 =	vadd.f32 v15, v4;
	[tilespmem:s8+$0x370] =	vst v9;
	v9 =	vld [tilespmem:s8+$0x3E0]  }
0xcf: {  	s18 =	sshll.u32 s15, $0xD;
	[tilespmem:s8+$0x380] =	vst v12;
	v12 =	vadd.f32 v11, v5;
	v11 =	vld [tilespmem:s8+$0x3F0]  }
0xd0: {  	s5 =	simm.s32 $0x0;
	s9 =	sadd.s32 $0x3200, s18;
	s18 =	sadd.s32 $0x400, s8;
	[tilespmem:s8+$0x390] =	vst v13;
	v13 =	vadd.f32 v16, v7  }
.LBB2_3:
0xd1: {  	v14 =	vld [tilespmem:s18+$0x0];
	[tilespmem:s8+$0x3A0] =	vst v12;
	v10 =	vadd.f32 v10, v6  }
0xd2: {  	v12 =	vld [tilespmem:s18+$0x10];
	[tilespmem:s8+$0x3B0] =	vst v13;
	v8 =	vadd.f32 v8, v3  }
0xd3: {  	v13 =	vld [tilespmem:s18+$0x20];
	[tilespmem:s8+$0x3C0] =	vst v10;
	v9 =	vadd.f32 v9, v1  }
0xd4: {  	v10 =	vld [tilespmem:s18+$0x30];
	[tilespmem:s8+$0x3D0] =	vst v8;
	v8 =	vadd.f32 v11, v0  }
0xd5: {  	v11 =	vld [tilespmem:s18+$0x40];
	[tilespmem:s8+$0x3E0] =	vst v9  }
0xd6: {  	v9 =	vadd.f32 v14, v2;
	v14 =	vld [tilespmem:s18+$0x50];
	[tilespmem:s8+$0x3F0] =	vst v8;
	s8 =	smov.u32 s18  }
0xd7: {  	v8 =	vadd.f32 v12, v4;
	v12 =	vld [tilespmem:s18+$0x60]  }
0xd8: {  	[tilespmem:s18+$0x0] =	vst v9;
	v9 =	vadd.f32 v13, v5;
	v13 =	vld [tilespmem:s18+$0x70]  }
0xd9: {  	[tilespmem:s18+$0x10] =	vst v8;
	v8 =	vadd.f32 v10, v7;
	v10 =	vld [tilespmem:s18+$0x80]  }
0xda: {  	[tilespmem:s18+$0x20] =	vst v9;
	v9 =	vadd.f32 v11, v6;
	v11 =	vld [tilespmem:s18+$0x90]  }
0xdb: {  	[tilespmem:s18+$0x30] =	vst v8;
	v8 =	vadd.f32 v14, v3;
	v14 =	vld [tilespmem:s18+$0xA0]  }
0xdc: {  	[tilespmem:s18+$0x40] =	vst v9;
	v9 =	vadd.f32 v12, v1;
	v12 =	vld [tilespmem:s18+$0xB0]  }
0xdd: {  	[tilespmem:s18+$0x50] =	vst v8;
	v8 =	vadd.f32 v13, v0;
	v13 =	vld [tilespmem:s18+$0xC0]  }
0xde: {  	[tilespmem:s18+$0x60] =	vst v9;
	v9 =	vadd.f32 v10, v2;
	v10 =	vld [tilespmem:s18+$0xD0]  }
0xdf: {  	[tilespmem:s18+$0x70] =	vst v8;
	v8 =	vadd.f32 v11, v4;
	v11 =	vld [tilespmem:s18+$0xE0]  }
0xe0: {  	[tilespmem:s18+$0x80] =	vst v9;
	v9 =	vadd.f32 v14, v5;
	v14 =	vld [tilespmem:s18+$0xF0]  }
0xe1: {  	[tilespmem:s18+$0x90] =	vst v8;
	v8 =	vadd.f32 v12, v7;
	v12 =	vld [tilespmem:s18+$0x100]  }
0xe2: {  	[tilespmem:s18+$0xA0] =	vst v9;
	v9 =	vadd.f32 v13, v6;
	v13 =	vld [tilespmem:s18+$0x110]  }
0xe3: {  	[tilespmem:s18+$0xB0] =	vst v8;
	v8 =	vadd.f32 v10, v3;
	v10 =	vld [tilespmem:s18+$0x120]  }
0xe4: {  	[tilespmem:s18+$0xC0] =	vst v9;
	v9 =	vadd.f32 v11, v1;
	v11 =	vld [tilespmem:s18+$0x130]  }
0xe5: {  	[tilespmem:s18+$0xD0] =	vst v8;
	v8 =	vadd.f32 v14, v0;
	v14 =	vld [tilespmem:s18+$0x140]  }
0xe6: {  	[tilespmem:s18+$0xE0] =	vst v9;
	v9 =	vadd.f32 v12, v2;
	v12 =	vld [tilespmem:s18+$0x150]  }
0xe7: {  	[tilespmem:s18+$0xF0] =	vst v8;
	v8 =	vadd.f32 v13, v4;
	v13 =	vld [tilespmem:s18+$0x160]  }
0xe8: {  	[tilespmem:s18+$0x100] =	vst v9;
	v9 =	vadd.f32 v10, v5;
	v10 =	vld [tilespmem:s18+$0x170]  }
0xe9: {  	[tilespmem:s18+$0x110] =	vst v8;
	v8 =	vadd.f32 v11, v7;
	v11 =	vld [tilespmem:s18+$0x180]  }
0xea: {  	[tilespmem:s18+$0x120] =	vst v9;
	v9 =	vadd.f32 v14, v6;
	v14 =	vld [tilespmem:s18+$0x190]  }
0xeb: {  	[tilespmem:s18+$0x130] =	vst v8;
	v8 =	vadd.f32 v12, v3;
	v12 =	vld [tilespmem:s18+$0x1A0]  }
0xec: {  	[tilespmem:s18+$0x140] =	vst v9;
	v9 =	vadd.f32 v13, v1;
	v13 =	vld [tilespmem:s18+$0x1B0]  }
0xed: {  	[tilespmem:s18+$0x150] =	vst v8;
	v8 =	vadd.f32 v10, v0;
	v10 =	vld [tilespmem:s18+$0x1C0]  }
0xee: {  	[tilespmem:s18+$0x160] =	vst v9;
	v9 =	vadd.f32 v11, v2;
	v11 =	vld [tilespmem:s18+$0x1D0]  }
0xef: {  	[tilespmem:s18+$0x170] =	vst v8;
	v8 =	vadd.f32 v14, v4;
	v14 =	vld [tilespmem:s18+$0x1E0]  }
0xf0: {  	[tilespmem:s18+$0x180] =	vst v9;
	v9 =	vadd.f32 v12, v5;
	v12 =	vld [tilespmem:s18+$0x1F0]  }
0xf1: {  	[tilespmem:s18+$0x190] =	vst v8;
	v8 =	vadd.f32 v13, v7;
	v13 =	vld [tilespmem:s18+$0x200]  }
0xf2: {  	[tilespmem:s18+$0x1A0] =	vst v9;
	v9 =	vadd.f32 v10, v6;
	v10 =	vld [tilespmem:s18+$0x210]  }
0xf3: {  	[tilespmem:s18+$0x1B0] =	vst v8;
	v8 =	vadd.f32 v11, v3;
	v11 =	vld [tilespmem:s18+$0x220]  }
0xf4: {  	[tilespmem:s18+$0x1C0] =	vst v9;
	v9 =	vadd.f32 v14, v1;
	v14 =	vld [tilespmem:s18+$0x230]  }
0xf5: {  	[tilespmem:s18+$0x1D0] =	vst v8;
	v8 =	vadd.f32 v12, v0;
	v12 =	vld [tilespmem:s18+$0x240]  }
0xf6: {  	[tilespmem:s18+$0x1E0] =	vst v9;
	v9 =	vadd.f32 v13, v2;
	v13 =	vld [tilespmem:s18+$0x250]  }
0xf7: {  	[tilespmem:s18+$0x1F0] =	vst v8;
	v8 =	vadd.f32 v10, v4;
	v10 =	vld [tilespmem:s18+$0x260]  }
0xf8: {  	[tilespmem:s18+$0x200] =	vst v9;
	v9 =	vadd.f32 v11, v5;
	v11 =	vld [tilespmem:s18+$0x270]  }
0xf9: {  	[tilespmem:s18+$0x210] =	vst v8;
	v8 =	vadd.f32 v14, v7;
	v14 =	vld [tilespmem:s18+$0x280]  }
0xfa: {  	[tilespmem:s18+$0x220] =	vst v9;
	v9 =	vadd.f32 v12, v6;
	v12 =	vld [tilespmem:s18+$0x290]  }
0xfb: {  	[tilespmem:s18+$0x230] =	vst v8;
	v8 =	vadd.f32 v13, v3;
	v13 =	vld [tilespmem:s18+$0x2A0]  }
0xfc: {  	[tilespmem:s18+$0x240] =	vst v9;
	v9 =	vadd.f32 v10, v1;
	v10 =	vld [tilespmem:s18+$0x2B0]  }
0xfd: {  	[tilespmem:s18+$0x250] =	vst v8;
	v8 =	vadd.f32 v11, v0;
	v11 =	vld [tilespmem:s18+$0x2C0]  }
0xfe: {  	[tilespmem:s18+$0x260] =	vst v9;
	v9 =	vadd.f32 v14, v2;
	v14 =	vld [tilespmem:s18+$0x2D0]  }
0xff: {  	[tilespmem:s18+$0x270] =	vst v8;
	v8 =	vadd.f32 v12, v4;
	v12 =	vld [tilespmem:s18+$0x2E0]  }
0x100: {  	[tilespmem:s18+$0x280] =	vst v9;
	v9 =	vadd.f32 v13, v5;
	v13 =	vld [tilespmem:s18+$0x2F0]  }
0x101: {  	[tilespmem:s18+$0x290] =	vst v8;
	v8 =	vadd.f32 v10, v7;
	v10 =	vld [tilespmem:s18+$0x300]  }
0x102: {  	[tilespmem:s18+$0x2A0] =	vst v9;
	v9 =	vadd.f32 v11, v6;
	v11 =	vld [tilespmem:s18+$0x310]  }
0x103: {  	[tilespmem:s18+$0x2B0] =	vst v8;
	v8 =	vadd.f32 v14, v3;
	v14 =	vld [tilespmem:s18+$0x320]  }
0x104: {  	[tilespmem:s18+$0x2C0] =	vst v9;
	v9 =	vadd.f32 v12, v1;
	v12 =	vld [tilespmem:s18+$0x330]  }
0x105: {  	[tilespmem:s18+$0x2D0] =	vst v8;
	v8 =	vadd.f32 v13, v0;
	v13 =	vld [tilespmem:s18+$0x340]  }
0x106: {  	[tilespmem:s18+$0x2E0] =	vst v9;
	v9 =	vadd.f32 v10, v2;
	v10 =	vld [tilespmem:s18+$0x350]  }
0x107: {  	[tilespmem:s18+$0x2F0] =	vst v8;
	v8 =	vadd.f32 v11, v4;
	v11 =	vld [tilespmem:s18+$0x360]  }
0x108: {  	[tilespmem:s18+$0x300] =	vst v9;
	v9 =	vadd.f32 v14, v5;
	v14 =	vld [tilespmem:s18+$0x370]  }
0x109: {  	[tilespmem:s18+$0x310] =	vst v8;
	v8 =	vadd.f32 v12, v7;
	v12 =	vld [tilespmem:s18+$0x380]  }
0x10a: {  	[tilespmem:s18+$0x320] =	vst v9;
	v9 =	vadd.f32 v13, v6;
	v13 =	vld [tilespmem:s18+$0x390]  }
0x10b: {  	s5 =	sadd.s32 $0x8, s5;
	[tilespmem:s18+$0x330] =	vst v8;
	v8 =	vadd.f32 v10, v3;
	v15 =	vld [tilespmem:s18+$0x3A0]  }
0x10c: {  	p0 =	slt.u32 s5, $0x38;
	[tilespmem:s18+$0x340] =	vst v9;
	v9 =	vadd.f32 v11, v1;
	v16 =	vld [tilespmem:s18+$0x3B0]  }
.Ltmp4:
0x10d: {  	[tilespmem:s18+$0x350] =	vst v8;
	v11 =	vadd.f32 v14, v0;
	v10 =	vld [tilespmem:s18+$0x3C0];
	(pc) =	sbr.rel @p0 .LBB2_3-.Ltmp4, $4  }
0x10e: {  	[tilespmem:s18+$0x360] =	vst v9;
	v12 =	vadd.f32 v12, v2;
	v8 =	vld [tilespmem:s18+$0x3D0]  }
0x10f: {  	[tilespmem:s18+$0x370] =	vst v11;
	v13 =	vadd.f32 v13, v4;
	v9 =	vld [tilespmem:s18+$0x3E0]  }
0x110: {  	[tilespmem:s18+$0x380] =	vst v12;
	v12 =	vadd.f32 v15, v5;
	v11 =	vld [tilespmem:s18+$0x3F0]  }
0x111: {  	s18 =	sadd.s32 $0x400, s18;
	[tilespmem:s8+$0x390] =	vst v13;
	v13 =	vadd.f32 v16, v7  }
0x112: {  	s5 =	sand.u32 $0xF, s7  }
0x113: {  	[tilespmem:s8+$0x3A0] =	vst v12;
	v2 =	vadd.f32 v10, v6;
	s18 =	sshll.u32 s16, $0x7;
	s5 =	smul.u32 $0x190000, s5  }
0x114: {  	[tilespmem:s8+$0x3B0] =	vst v13;
	v3 =	vadd.f32 v8, v3;
	s16 =	sand.u32 $0x7FFFFC00, s18  }
0x115: {  	s7 =	sand.u32 $0x380, s18;
	[tilespmem:s8+$0x3C0] =	vst v2;
	v1 =	vadd.f32 v9, v1;
	s5 =	sadd.s32 s5, s16  }
0x116: {  	[tilespmem:s8+$0x3D0] =	vst v3;
	v0 =	vadd.f32 v11, v0;
	s5 =	sor.u32 s7, s5  }
0x117: {  	[tilespmem:s8+$0x3E0] =	vst v1;
	s5 =	sshrl.u32 s5, $0x3  }
0x118: {  	s18 =	sadd.s32 $0xF, s15;
	[tilespmem:s8+$0x3F0] =	vst v0;
	s5 =	sadd.s32 s3, s5  }
0x119: {  	[hbm4b:s5+s13] =	stream.strided.scatter [tilespmem:s9], [sflag:s18], $0x2000, s17, s13, $0x38;
	[tilespmem:$0x1FA00] =	vst v63  }
0x11a: {  	s5 =	sadd.s32 $0xFFFFFFFF, s14  }
0x11b: {  	p0 =	sgt.u32 s5, $0x55  }
.Ltmp5:
0x11c: {  	_ = 	snop;
	(pc) =	sbr.rel @!p0 .LBB2_5-.Ltmp5, $1  }
0x11d: {  	_ =	sdelay $0x3  }
0x11e: {  	p0 =	sgt.u32 s14, $0x56  }
.Ltmp6:
0x11f: {  	_ = 	snop;
	(pc) =	sbr.rel @p0 .LBB2_8-.Ltmp6, $4  }
.Ltmp7:
0x120: {  	_ = 	snop;
	(pc) =	sbr.rel @!p0 .LBB2_7-.Ltmp7, $4  }
0x121: {  	_ = 	snop  }
0x122: {  	_ = 	snop  }
0x123: {  	_ = 	snop  }
0x124: {  	_ = 	snop  }
.LBB2_10:
0x125: {  	_ =	sfence.sel $0x180000  }
0x126: {  	[bflag:$0x0] =	sbarrier.arrive $0xFFFF  }
0x127: {  	_ =	strace $0x90000047  }
0x128: {  	s0 =	stileid.u32;
	[bflag:$0x2] =	sbarrier.arrive $0xFFFF  }
0x129: {  	p0 =	sne.s32 s0, $0x0;
	s0 =	rddreg [dreg:$0x4]  }
0x12a: {  	s0 =	sadd.s32 @!p0 $0x100000, s0  }
0x12b: {  	[sflag:s0] =	ssyncadd.tile.s32 @!p0 $0x1;
	_ =	shalt  }
.Lfunc_end2:
_tile_overlayer_lowered:
.L_overlay_start_2:
0x12c: {  	(tag) =	ssettag $0x2  }
0x12d: {  	s0 =	rddreg [dreg:$0x0];
	s2 =	stileid.u32  }
0x12e: {  	s1 =	rddreg [dreg:$0x1];
	p0 =	sne.s32 s2, $0x0  }
0x12f: {  	s3 =	rddreg [dreg:$0x2];
	[bflag:$0x3] =	sbarrier.arrive $0xFFFF;
	s2 =	simm.s32 @!p0 $0x1C1E  }
0x130: {  	[timem:s3], [sflag:s2] =	dma.local @!p0 [hbm:s0], s1  }
0x131: {  	s0 =	simm.s32 @!p0 $0x1E  }
0x132: {  	_ =	swait.ge @!p0 [sflag:s0], s1  }
0x133: {  	s1 =	ssub.s32 @!p0 $0x0, s1;
	[sflag:s0] =	ssyncset.done @!p0 $0x0  }
0x134: {  	[sflag:s0] =	ssyncadd.s32 @!p0 s1  }
0x135: {  	[bflag:$0x3] =	sbarrier.arrive $0xFFFF  }
0x136: {  	_ =	shalt  }

</sc_bundles>
